<compile_context>
chip_gen: v7x
topology: tpu7x:2x2x1
jax: 0.10.2.dev20260603
libtpu: 0.0.44.dev20260713+nightly
codegen_flags: <defaults>
</compile_context>

<pallas_src>
import functools

import jax
import jax.numpy as jnp
from jax import lax
from jax.experimental import pallas as pl
from jax.experimental.pallas import tpu as pltpu
from jax.experimental.pallas import tpu_sc as plsc

N_NODES = 10000
D = 16
NC = 2
NS = 16
NW = NC * NS
CHUNK = 1024
ROWS_PER_CHUNK = CHUNK // 128


def _ceil_to(x, m):
    return (x + m - 1) // m * m



def _mm_body(x_ref, w_ref, o_ref):
    o_ref[...] = jnp.dot(x_ref[...], w_ref[...],
                         preferred_element_type=jnp.float32)


def _tc_matmul(x, w):
    n, _ = x.shape
    d = w.shape[1]
    return pl.pallas_call(
        _mm_body,
        out_shape=jax.ShapeDtypeStruct((n, d), jnp.float32),
    )(x, w)


def _combine_relu_mm_body(p_ref, b_ref, w_ref, o_ref):
    h = jax.nn.relu(p_ref[0] + p_ref[1] + b_ref[...])
    o_ref[...] = jnp.dot(h, w_ref[...], preferred_element_type=jnp.float32)


def _tc_combine_relu_matmul(parts, b_row, w):
    n = parts.shape[1]
    d = w.shape[1]
    return pl.pallas_call(
        _combine_relu_mm_body,
        out_shape=jax.ShapeDtypeStruct((n, d), jnp.float32),
    )(parts, b_row, w)


def _combine_body(p_ref, b_ref, o_ref):
    o_ref[...] = p_ref[0] + p_ref[1] + b_ref[...]


def _tc_combine(parts, b_row):
    n, d = parts.shape[1], parts.shape[2]
    return pl.pallas_call(
        _combine_body,
        out_shape=jax.ShapeDtypeStruct((n, d), jnp.float32),
    )(parts, b_row)



def _sc_edge_agg(hw, src2d, dst2d, w_pad, n_pad, chunks_per_worker):
    rows_per_tile = n_pad // NS

    mesh = plsc.VectorSubcoreMesh(core_axis_name="c", subcore_axis_name="s")

    @functools.partial(
        pl.kernel,
        out_type=jax.ShapeDtypeStruct((NC, n_pad, D), jnp.float32),
        mesh=mesh,
        compiler_params=pltpu.CompilerParams(use_tc_tiling_on_sc=False),
        scratch_types=[
            pltpu.VMEM((ROWS_PER_CHUNK, 128), jnp.int32),
            pltpu.VMEM((ROWS_PER_CHUNK, 128), jnp.int32),
            pltpu.VMEM((CHUNK,), jnp.float32),
            pltpu.VMEM((CHUNK, D), jnp.float32),
            pltpu.VMEM((rows_per_tile, D), jnp.float32),
            pltpu.VMEM_SHARED((n_pad, D), jnp.float32),
            pltpu.SemaphoreType.DMA,
        ],
    )
    def body(hw_hbm, src_hbm, dst_hbm, w_hbm, out_hbm,
             src_v, dst_v, w_v, rows_v, stage_v, acc_sh, sem):
        cid = lax.axis_index("c")
        sid = lax.axis_index("s")
        wid = cid * NS + sid

        zeros16 = jnp.zeros((16,), jnp.float32)

        def zrow(i, _):
            stage_v[i, :] = zeros16
            return 0

        lax.fori_loop(0, rows_per_tile, zrow, 0)
        pltpu.sync_copy(stage_v, acc_sh.at[pl.ds(sid * rows_per_tile,
                                                 rows_per_tile)])
        plsc.subcore_barrier()

        def chunk_body(c, _):
            row0 = (wid * chunks_per_worker + c) * ROWS_PER_CHUNK
            ebase = (wid * chunks_per_worker + c) * CHUNK
            pltpu.sync_copy(src_hbm.at[pl.ds(row0, ROWS_PER_CHUNK)], src_v)
            pltpu.sync_copy(dst_hbm.at[pl.ds(row0, ROWS_PER_CHUNK)], dst_v)
            pltpu.sync_copy(w_hbm.at[pl.ds(ebase, CHUNK)], w_v)

            copies = []
            for j in range(ROWS_PER_CHUNK):
                copies.append(pltpu.async_copy(
                    hw_hbm.at[src_v.at[j]],
                    rows_v.at[pl.ds(j * 128, 128)],
                    sem))
            for cp in copies:
                cp.wait()

            gd = lax.GatherDimensionNumbers(
                offset_dims=(), collapsed_slice_dims=(0,),
                start_index_map=(0,))

            def scale_group(g, _):
                base = g * 16
                wv = w_v[pl.ds(base, 16)]
                for r in range(16):
                    splat = lax.gather(
                        wv, jnp.full((16, 1), r, jnp.int32), gd, (1,),
                        mode=lax.GatherScatterMode.PROMISE_IN_BOUNDS)
                    rows_v[base + r, :] = rows_v[base + r, :] * splat
                return 0

            lax.fori_loop(0, CHUNK // 16, scale_group, 0)

            for j in range(ROWS_PER_CHUNK):
                pltpu.sync_copy(rows_v.at[pl.ds(j * 128, 128)],
                                acc_sh.at[dst_v.at[j]],
                                add=True)
            return 0

        lax.fori_loop(0, chunks_per_worker, chunk_body, 0)
        plsc.subcore_barrier()

        r0 = sid * rows_per_tile
        pltpu.sync_copy(acc_sh.at[pl.ds(r0, rows_per_tile)], stage_v)
        pltpu.sync_copy(stage_v, out_hbm.at[cid, pl.ds(r0, rows_per_tile)])

    return body(hw, src2d, dst2d, w_pad)



def kernel(x, edge_index, edge_weight, W1, b1, W2, b2):
    n, _ = x.shape
    e = edge_index.shape[1]
    d_out = W2.shape[1]
    n_pad = _ceil_to(n, 8 * NS)

    src = edge_index[0].astype(jnp.int32)
    dst = edge_index[1].astype(jnp.int32)
    w = edge_weight.astype(jnp.float32)

    e_pad = _ceil_to(e, NW * CHUNK)
    pad = e_pad - e
    if pad:
        src = jnp.concatenate([src, jnp.zeros((pad,), jnp.int32)])
        dst = jnp.concatenate([dst, jnp.zeros((pad,), jnp.int32)])
        w = jnp.concatenate([w, jnp.zeros((pad,), jnp.float32)])
    src2d = src.reshape(e_pad // 128, 128)
    dst2d = dst.reshape(e_pad // 128, 128)
    chunks_per_worker = e_pad // (NW * CHUNK)

    hw1 = _tc_matmul(x, W1)
    parts1 = _sc_edge_agg(hw1, src2d, dst2d, w, n_pad, chunks_per_worker)

    w2p = jnp.pad(W2, ((0, 0), (0, D - d_out)))
    b2p = jnp.pad(b2, (0, D - d_out))
    hw2 = _tc_combine_relu_matmul(parts1, b1.reshape(1, D), w2p)
    parts2 = _sc_edge_agg(hw2, src2d, dst2d, w, n_pad, chunks_per_worker)

    out16 = _tc_combine(parts2, b2p.reshape(1, D))
    return out16[:n, :d_out]

# --- scband reference (transcript-rebuilt; emitter-appended) ---
"""Pipeline reference for scband-gae-65549790871676 (READ-ONLY COPY).

The authoritative reference and input builder live on the scoring server;
editing this copy changes nothing except your own understanding.
"""

import jax, jax.numpy as jnp
import numpy as np

N_NODES = 10000
N_EDGES = 320000
D_FEAT = 128
D_HID = 16
D_OUT = 7


def setup_inputs(seed: int = 0) -> dict:
    key = jax.random.key(seed)
    k1, k2, k3, k4, k5, k6 = jax.random.split(key, 6)
    x = jax.random.normal(k1, (N_NODES, D_FEAT), dtype=jnp.float32)
    edge_index = jax.random.randint(k2, (2, N_EDGES), 0, N_NODES, dtype=jnp.int64)
    edge_weight = jax.random.uniform(k3, (N_EDGES,), dtype=jnp.float32)
    # learned params: GraphConvolution(16) then GraphConvolution(7)
    W1 = jax.random.normal(k4, (D_FEAT, D_HID), dtype=jnp.float32) * (1.0 / np.sqrt(D_FEAT))
    b1 = jnp.zeros((D_HID,), dtype=jnp.float32)
    W2 = jax.random.normal(k5, (D_HID, D_OUT), dtype=jnp.float32) * (1.0 / np.sqrt(D_HID))
    b2 = jnp.zeros((D_OUT,), dtype=jnp.float32)
    return {"x": x, "edge_index": edge_index, "edge_weight": edge_weight,
            "W1": W1, "b1": b1, "W2": W2, "b2": b2}


def reference(x, edge_index, edge_weight, W1, b1, W2, b2):
    # GAE.call: h = relu(GCN(X, G; 16)); out = GCN(h, G; 7)
    # GraphConvolution: H' = G @ (H @ W) + b, where G is the sparse
    # (normalized) adjacency given as (edge_index, edge_weight).
    src = edge_index[0]
    dst = edge_index[1]

    def gconv(h, W, b):
        hw = h @ W                                  # dense transform first (small out dim)
        msg = jnp.take(hw, src, axis=0) * edge_weight[:, None]  # gather + weight
        agg = jax.ops.segment_sum(msg, dst, num_segments=h.shape[0])  # scatter-add
        return agg + b

    h1 = jax.nn.relu(gconv(x, W1, b1))
    out = gconv(h1, W2, b2)
    return out

if __name__ == "__main__":
    import jax
    _d = setup_inputs()
    print(jax.jit(kernel)(*tuple(_d.values())))

</pallas_src>

<mosaic_0001>
#map = affine_map<(d0, d1) -> (0, 0)>
#map1 = affine_map<(d0, d1) -> (0)>
#map2 = affine_map<(d0, d1) -> (0, 0, 0)>
module attributes {stable_mosaic.version = 14 : i64} {
  func.func @body(%arg0: i32, %arg1: i32, %arg2: memref<10000x16xf32, #tpu.memory_space<hbm>>, %arg3: memref<2560x128xi32, #tpu.memory_space<hbm>>, %arg4: memref<2560x128xi32, #tpu.memory_space<hbm>>, %arg5: memref<327680xf32, #tpu.memory_space<hbm>>, %arg6: memref<2x10112x16xf32, #tpu.memory_space<hbm>>, %arg7: memref<8x128xi32, #tpu.memory_space<vmem>>, %arg8: memref<8x128xi32, #tpu.memory_space<vmem>>, %arg9: memref<1024xf32, #tpu.memory_space<vmem>>, %arg10: memref<1024x16xf32, #tpu.memory_space<vmem>>, %arg11: memref<632x16xf32, #tpu.memory_space<vmem>>, %arg12: memref<10112x16xf32, #tpu.memory_space<vmem_shared>>, %arg13: memref<!tpu.dma_semaphore, #tpu.memory_space<semaphore_mem>>) attributes {dimension_semantics = [#tpu.dimension_semantics<core_parallel>, #tpu.dimension_semantics<subcore_parallel>], iteration_bounds = array<i64: 2, 16>, scalar_prefetch = 0 : i64, scratch_operands = 7 : i64, tpu.core_type = #tpu.core_type<sc_vector_subcore>, window_params = [{transform_indices = #map}, {transform_indices = #map}, {transform_indices = #map}, {transform_indices = #map1}, {transform_indices = #map2}]} {
    %mul3A = arith.constant 16 : i32
    %mul3A_0 = arith.muli %arg0, %mul3A : i32
    %add3A = arith.addi %mul3A_0, %arg1 : i32
    %broadcast_in_dim3A = arith.constant 0.000000e+00 : f32
    %broadcast_in_dim3A_1 = vector.broadcast %broadcast_in_dim3A : f32 to vector<16xf32>
    %scan3A = arith.constant 0 : i32
    %scan3A_2 = arith.constant 0 : i32
    %scan3A_3 = arith.constant 632 : i32
    %scan3A_4 = arith.addi %scan3A_2, %scan3A_3 : i32
    %scan3A_5 = arith.constant 1 : i32
    %scan3A_6 = scf.for %scan3A_20 = %scan3A_2 to %scan3A_4 step %scan3A_5 iter_args(%scan3A_21 = %scan3A) -> (i32)  : i32 {
      %swap3A = arith.index_cast %scan3A_20 : i32 to index
      %swap3A_22 = arith.constant 0 : index
      %swap3A_23 = tpu.vector_load %arg11[%swap3A, %swap3A_22] {strides = array<i32>} : memref<632x16xf32, #tpu.memory_space<vmem>>, vector<1x16xf32>,
      %swap3A_24 = vector.shape_cast %swap3A_23 : vector<1x16xf32> to vector<16xf32>
      %swap3A_25 = vector.shape_cast %broadcast_in_dim3A_1 : vector<16xf32> to vector<1x16xf32>
      tpu.vector_store %arg11[%swap3A, %swap3A_22], %swap3A_25 {strides = array<i32>} : memref<632x16xf32, #tpu.memory_space<vmem>>, vector<1x16xf32>,
      %scan3A_26 = arith.constant 0 : i32
      scf.yield %scan3A_26 : i32
    }
    %scan3A_7 = arith.constant 632 : i32
    %mul3A_8 = arith.constant 632 : i32
    %mul3A_9 = arith.muli %arg1, %mul3A_8 : i32
    "tpu.region"() ({
      %run_scoped3A = tpu.sem_alloc : memref<!tpu.dma_semaphore, #tpu.memory_space<semaphore_mem>>
      %dma_start3A = arith.constant 0 : i32
      %dma_start3A_20 = tpu.memref_slice %arg12[%mul3A_9, %dma_start3A] : memref<10112x16xf32, #tpu.memory_space<vmem_shared>> -> memref<632x16xf32, #tpu.memory_space<vmem_shared>>
      %dma_start3A_21 = arith.constant 0 : i32
      %dma_start3A_22 = tpu.memref_slice %arg12[%mul3A_9, %dma_start3A_21] : memref<10112x16xf32, #tpu.memory_space<vmem_shared>> -> memref<632x16xf32, #tpu.memory_space<vmem_shared>>
      tpu.enqueue_dma source(%arg11 : memref<632x16xf32, #tpu.memory_space<vmem>>) target(%dma_start3A_22 : memref<632x16xf32, #tpu.memory_space<vmem_shared>>) target_semaphore(%run_scoped3A : memref<!tpu.dma_semaphore, #tpu.memory_space<semaphore_mem>>)
      %dma_wait3A = arith.constant 0 : i32
      %dma_wait3A_23 = tpu.memref_slice %arg12[%mul3A_9, %dma_wait3A] : memref<10112x16xf32, #tpu.memory_space<vmem_shared>> -> memref<632x16xf32, #tpu.memory_space<vmem_shared>>
      %dma_wait3A_24 = arith.constant 0 : i32
      %dma_wait3A_25 = tpu.memref_slice %arg12[%mul3A_9, %dma_wait3A_24] : memref<10112x16xf32, #tpu.memory_space<vmem_shared>> -> memref<632x16xf32, #tpu.memory_space<vmem_shared>>
      tpu.wait_dma2 semaphore(%run_scoped3A : memref<!tpu.dma_semaphore, #tpu.memory_space<semaphore_mem>>) src(%arg11 : memref<632x16xf32, #tpu.memory_space<vmem>>) dst(%dma_wait3A_25 : memref<632x16xf32, #tpu.memory_space<vmem_shared>>)
      tpu.yield
    }) : () -> ()
    %barrier3A = arith.constant 0 : index
    tpu.barrier barrier_id(%barrier3A)
    %scan3A_10 = arith.constant 0 : i32
    %scan3A_11 = arith.constant 0 : i32
    %scan3A_12 = arith.constant 10 : i32
    %scan3A_13 = arith.addi %scan3A_11, %scan3A_12 : i32
    %scan3A_14 = arith.constant 1 : i32
    %scan3A_15 = scf.for %scan3A_20 = %scan3A_11 to %scan3A_13 step %scan3A_14 iter_args(%scan3A_21 = %scan3A_10) -> (i32)  : i32 {
      %mul3A_22 = arith.constant 10 : i32
      %mul3A_23 = arith.muli %add3A, %mul3A_22 : i32
      %add3A_24 = arith.addi %mul3A_23, %scan3A_20 : i32
      %mul3A_25 = arith.constant 8 : i32
      %mul3A_26 = arith.muli %add3A_24, %mul3A_25 : i32
      %mul3A_27 = arith.constant 10 : i32
      %mul3A_28 = arith.muli %add3A, %mul3A_27 : i32
      %add3A_29 = arith.addi %mul3A_28, %scan3A_20 : i32
      %mul3A_30 = arith.constant 1024 : i32
      %mul3A_31 = arith.muli %add3A_29, %mul3A_30 : i32
      "tpu.region"() ({
        %run_scoped3A_205 = tpu.sem_alloc : memref<!tpu.dma_semaphore, #tpu.memory_space<semaphore_mem>>
        %dma_start3A_206 = arith.constant 0 : i32
        %dma_start3A_207 = tpu.memref_slice %arg3[%mul3A_26, %dma_start3A_206] : memref<2560x128xi32, #tpu.memory_space<hbm>> -> memref<8x128xi32, #tpu.memory_space<hbm>>
        %dma_start3A_208 = arith.constant 0 : i32
        %dma_start3A_209 = tpu.memref_slice %arg3[%mul3A_26, %dma_start3A_208] : memref<2560x128xi32, #tpu.memory_space<hbm>> -> memref<8x128xi32, #tpu.memory_space<hbm>>
        tpu.enqueue_dma source(%dma_start3A_209 : memref<8x128xi32, #tpu.memory_space<hbm>>) target(%arg7 : memref<8x128xi32, #tpu.memory_space<vmem>>) target_semaphore(%run_scoped3A_205 : memref<!tpu.dma_semaphore, #tpu.memory_space<semaphore_mem>>)
        %dma_wait3A_210 = arith.constant 0 : i32
        %dma_wait3A_211 = tpu.memref_slice %arg3[%mul3A_26, %dma_wait3A_210] : memref<2560x128xi32, #tpu.memory_space<hbm>> -> memref<8x128xi32, #tpu.memory_space<hbm>>
        %dma_wait3A_212 = arith.constant 0 : i32
        %dma_wait3A_213 = tpu.memref_slice %arg3[%mul3A_26, %dma_wait3A_212] : memref<2560x128xi32, #tpu.memory_space<hbm>> -> memref<8x128xi32, #tpu.memory_space<hbm>>
        tpu.wait_dma2 semaphore(%run_scoped3A_205 : memref<!tpu.dma_semaphore, #tpu.memory_space<semaphore_mem>>) src(%dma_wait3A_213 : memref<8x128xi32, #tpu.memory_space<hbm>>) dst(%arg7 : memref<8x128xi32, #tpu.memory_space<vmem>>)
        tpu.yield
      }) : () -> ()
      "tpu.region"() ({
        %run_scoped3A_205 = tpu.sem_alloc : memref<!tpu.dma_semaphore, #tpu.memory_space<semaphore_mem>>
        %dma_start3A_206 = arith.constant 0 : i32
        %dma_start3A_207 = tpu.memref_slice %arg4[%mul3A_26, %dma_start3A_206] : memref<2560x128xi32, #tpu.memory_space<hbm>> -> memref<8x128xi32, #tpu.memory_space<hbm>>
        %dma_start3A_208 = arith.constant 0 : i32
        %dma_start3A_209 = tpu.memref_slice %arg4[%mul3A_26, %dma_start3A_208] : memref<2560x128xi32, #tpu.memory_space<hbm>> -> memref<8x128xi32, #tpu.memory_space<hbm>>
        tpu.enqueue_dma source(%dma_start3A_209 : memref<8x128xi32, #tpu.memory_space<hbm>>) target(%arg8 : memref<8x128xi32, #tpu.memory_space<vmem>>) target_semaphore(%run_scoped3A_205 : memref<!tpu.dma_semaphore, #tpu.memory_space<semaphore_mem>>)
        %dma_wait3A_210 = arith.constant 0 : i32
        %dma_wait3A_211 = tpu.memref_slice %arg4[%mul3A_26, %dma_wait3A_210] : memref<2560x128xi32, #tpu.memory_space<hbm>> -> memref<8x128xi32, #tpu.memory_space<hbm>>
        %dma_wait3A_212 = arith.constant 0 : i32
        %dma_wait3A_213 = tpu.memref_slice %arg4[%mul3A_26, %dma_wait3A_212] : memref<2560x128xi32, #tpu.memory_space<hbm>> -> memref<8x128xi32, #tpu.memory_space<hbm>>
        tpu.wait_dma2 semaphore(%run_scoped3A_205 : memref<!tpu.dma_semaphore, #tpu.memory_space<semaphore_mem>>) src(%dma_wait3A_213 : memref<8x128xi32, #tpu.memory_space<hbm>>) dst(%arg8 : memref<8x128xi32, #tpu.memory_space<vmem>>)
        tpu.yield
      }) : () -> ()
      "tpu.region"() ({
        %run_scoped3A_205 = tpu.sem_alloc : memref<!tpu.dma_semaphore, #tpu.memory_space<semaphore_mem>>
        %dma_start3A_206 = tpu.memref_slice %arg5[%mul3A_31] : memref<327680xf32, #tpu.memory_space<hbm>> -> memref<1024xf32, #tpu.memory_space<hbm>>
        %dma_start3A_207 = tpu.memref_slice %arg5[%mul3A_31] : memref<327680xf32, #tpu.memory_space<hbm>> -> memref<1024xf32, #tpu.memory_space<hbm>>
        tpu.enqueue_dma source(%dma_start3A_207 : memref<1024xf32, #tpu.memory_space<hbm>>) target(%arg9 : memref<1024xf32, #tpu.memory_space<vmem>>) target_semaphore(%run_scoped3A_205 : memref<!tpu.dma_semaphore, #tpu.memory_space<semaphore_mem>>)
        %dma_wait3A_208 = tpu.memref_slice %arg5[%mul3A_31] : memref<327680xf32, #tpu.memory_space<hbm>> -> memref<1024xf32, #tpu.memory_space<hbm>>
        %dma_wait3A_209 = tpu.memref_slice %arg5[%mul3A_31] : memref<327680xf32, #tpu.memory_space<hbm>> -> memref<1024xf32, #tpu.memory_space<hbm>>
        tpu.wait_dma2 semaphore(%run_scoped3A_205 : memref<!tpu.dma_semaphore, #tpu.memory_space<semaphore_mem>>) src(%dma_wait3A_209 : memref<1024xf32, #tpu.memory_space<hbm>>) dst(%arg9 : memref<1024xf32, #tpu.memory_space<vmem>>)
        tpu.yield
      }) : () -> ()
      %dma_start3A = arith.constant 0 : i32
      %dma_start3A_32 = arith.constant 0 : i32
      %dma_start3A_33 = arith.constant 0 : i32
      %dma_start3A_34 = tpu.memref_slice %arg10[%dma_start3A_32, %dma_start3A_33] : memref<1024x16xf32, #tpu.memory_space<vmem>> -> memref<128x16xf32, #tpu.memory_space<vmem>>
      %dma_start3A_35 = arith.constant 0 : i32
      %dma_start3A_36 = tpu.memref_slice %arg7[%dma_start3A, %dma_start3A_35] : memref<8x128xi32, #tpu.memory_space<vmem>> -> memref<1x128xi32, #tpu.memory_space<vmem>>
      %dma_start3A_37 = tpu.memref_squeeze %dma_start3A_36 : memref<1x128xi32, #tpu.memory_space<vmem>> -> memref<128xi32, #tpu.memory_space<vmem>>
      %dma_start3A_38 = arith.constant 0 : i32
      %dma_start3A_39 = arith.constant 0 : i32
      %dma_start3A_40 = tpu.memref_slice %arg2[%dma_start3A_38, %dma_start3A_39] : memref<10000x16xf32, #tpu.memory_space<hbm>> -> memref<10000x16xf32, #tpu.memory_space<hbm>>
      tpu.enqueue_indirect_dma source(%dma_start3A_40 : memref<10000x16xf32, #tpu.memory_space<hbm>>) target(%dma_start3A_34 : memref<128x16xf32, #tpu.memory_space<vmem>>) offsets(%dma_start3A_37 : memref<128xi32, #tpu.memory_space<vmem>>) semaphore(%arg13 : memref<!tpu.dma_semaphore, #tpu.memory_space<semaphore_mem>>)
      %dma_start3A_41 = arith.constant 1 : i32
      %dma_start3A_42 = arith.constant 128 : i32
      %dma_start3A_43 = arith.constant 0 : i32
      %dma_start3A_44 = tpu.memref_slice %arg10[%dma_start3A_42, %dma_start3A_43] : memref<1024x16xf32, #tpu.memory_space<vmem>> -> memref<128x16xf32, #tpu.memory_space<vmem>>
      %dma_start3A_45 = arith.constant 0 : i32
      %dma_start3A_46 = tpu.memref_slice %arg7[%dma_start3A_41, %dma_start3A_45] : memref<8x128xi32, #tpu.memory_space<vmem>> -> memref<1x128xi32, #tpu.memory_space<vmem>>
      %dma_start3A_47 = tpu.memref_squeeze %dma_start3A_46 : memref<1x128xi32, #tpu.memory_space<vmem>> -> memref<128xi32, #tpu.memory_space<vmem>>
      %dma_start3A_48 = arith.constant 0 : i32
      %dma_start3A_49 = arith.constant 0 : i32
      %dma_start3A_50 = tpu.memref_slice %arg2[%dma_start3A_48, %dma_start3A_49] : memref<10000x16xf32, #tpu.memory_space<hbm>> -> memref<10000x16xf32, #tpu.memory_space<hbm>>
      tpu.enqueue_indirect_dma source(%dma_start3A_50 : memref<10000x16xf32, #tpu.memory_space<hbm>>) target(%dma_start3A_44 : memref<128x16xf32, #tpu.memory_space<vmem>>) offsets(%dma_start3A_47 : memref<128xi32, #tpu.memory_space<vmem>>) semaphore(%arg13 : memref<!tpu.dma_semaphore, #tpu.memory_space<semaphore_mem>>)
      %dma_start3A_51 = arith.constant 2 : i32
      %dma_start3A_52 = arith.constant 256 : i32
      %dma_start3A_53 = arith.constant 0 : i32
      %dma_start3A_54 = tpu.memref_slice %arg10[%dma_start3A_52, %dma_start3A_53] : memref<1024x16xf32, #tpu.memory_space<vmem>> -> memref<128x16xf32, #tpu.memory_space<vmem>>
      %dma_start3A_55 = arith.constant 0 : i32
      %dma_start3A_56 = tpu.memref_slice %arg7[%dma_start3A_51, %dma_start3A_55] : memref<8x128xi32, #tpu.memory_space<vmem>> -> memref<1x128xi32, #tpu.memory_space<vmem>>
      %dma_start3A_57 = tpu.memref_squeeze %dma_start3A_56 : memref<1x128xi32, #tpu.memory_space<vmem>> -> memref<128xi32, #tpu.memory_space<vmem>>
      %dma_start3A_58 = arith.constant 0 : i32
      %dma_start3A_59 = arith.constant 0 : i32
      %dma_start3A_60 = tpu.memref_slice %arg2[%dma_start3A_58, %dma_start3A_59] : memref<10000x16xf32, #tpu.memory_space<hbm>> -> memref<10000x16xf32, #tpu.memory_space<hbm>>
      tpu.enqueue_indirect_dma source(%dma_start3A_60 : memref<10000x16xf32, #tpu.memory_space<hbm>>) target(%dma_start3A_54 : memref<128x16xf32, #tpu.memory_space<vmem>>) offsets(%dma_start3A_57 : memref<128xi32, #tpu.memory_space<vmem>>) semaphore(%arg13 : memref<!tpu.dma_semaphore, #tpu.memory_space<semaphore_mem>>)
      %dma_start3A_61 = arith.constant 3 : i32
      %dma_start3A_62 = arith.constant 384 : i32
      %dma_start3A_63 = arith.constant 0 : i32
      %dma_start3A_64 = tpu.memref_slice %arg10[%dma_start3A_62, %dma_start3A_63] : memref<1024x16xf32, #tpu.memory_space<vmem>> -> memref<128x16xf32, #tpu.memory_space<vmem>>
      %dma_start3A_65 = arith.constant 0 : i32
      %dma_start3A_66 = tpu.memref_slice %arg7[%dma_start3A_61, %dma_start3A_65] : memref<8x128xi32, #tpu.memory_space<vmem>> -> memref<1x128xi32, #tpu.memory_space<vmem>>
      %dma_start3A_67 = tpu.memref_squeeze %dma_start3A_66 : memref<1x128xi32, #tpu.memory_space<vmem>> -> memref<128xi32, #tpu.memory_space<vmem>>
      %dma_start3A_68 = arith.constant 0 : i32
      %dma_start3A_69 = arith.constant 0 : i32
      %dma_start3A_70 = tpu.memref_slice %arg2[%dma_start3A_68, %dma_start3A_69] : memref<10000x16xf32, #tpu.memory_space<hbm>> -> memref<10000x16xf32, #tpu.memory_space<hbm>>
      tpu.enqueue_indirect_dma source(%dma_start3A_70 : memref<10000x16xf32, #tpu.memory_space<hbm>>) target(%dma_start3A_64 : memref<128x16xf32, #tpu.memory_space<vmem>>) offsets(%dma_start3A_67 : memref<128xi32, #tpu.memory_space<vmem>>) semaphore(%arg13 : memref<!tpu.dma_semaphore, #tpu.memory_space<semaphore_mem>>)
      %dma_start3A_71 = arith.constant 4 : i32
      %dma_start3A_72 = arith.constant 512 : i32
      %dma_start3A_73 = arith.constant 0 : i32
      %dma_start3A_74 = tpu.memref_slice %arg10[%dma_start3A_72, %dma_start3A_73] : memref<1024x16xf32, #tpu.memory_space<vmem>> -> memref<128x16xf32, #tpu.memory_space<vmem>>
      %dma_start3A_75 = arith.constant 0 : i32
      %dma_start3A_76 = tpu.memref_slice %arg7[%dma_start3A_71, %dma_start3A_75] : memref<8x128xi32, #tpu.memory_space<vmem>> -> memref<1x128xi32, #tpu.memory_space<vmem>>
      %dma_start3A_77 = tpu.memref_squeeze %dma_start3A_76 : memref<1x128xi32, #tpu.memory_space<vmem>> -> memref<128xi32, #tpu.memory_space<vmem>>
      %dma_start3A_78 = arith.constant 0 : i32
      %dma_start3A_79 = arith.constant 0 : i32
      %dma_start3A_80 = tpu.memref_slice %arg2[%dma_start3A_78, %dma_start3A_79] : memref<10000x16xf32, #tpu.memory_space<hbm>> -> memref<10000x16xf32, #tpu.memory_space<hbm>>
      tpu.enqueue_indirect_dma source(%dma_start3A_80 : memref<10000x16xf32, #tpu.memory_space<hbm>>) target(%dma_start3A_74 : memref<128x16xf32, #tpu.memory_space<vmem>>) offsets(%dma_start3A_77 : memref<128xi32, #tpu.memory_space<vmem>>) semaphore(%arg13 : memref<!tpu.dma_semaphore, #tpu.memory_space<semaphore_mem>>)
      %dma_start3A_81 = arith.constant 5 : i32
      %dma_start3A_82 = arith.constant 640 : i32
      %dma_start3A_83 = arith.constant 0 : i32
      %dma_start3A_84 = tpu.memref_slice %arg10[%dma_start3A_82, %dma_start3A_83] : memref<1024x16xf32, #tpu.memory_space<vmem>> -> memref<128x16xf32, #tpu.memory_space<vmem>>
      %dma_start3A_85 = arith.constant 0 : i32
      %dma_start3A_86 = tpu.memref_slice %arg7[%dma_start3A_81, %dma_start3A_85] : memref<8x128xi32, #tpu.memory_space<vmem>> -> memref<1x128xi32, #tpu.memory_space<vmem>>
      %dma_start3A_87 = tpu.memref_squeeze %dma_start3A_86 : memref<1x128xi32, #tpu.memory_space<vmem>> -> memref<128xi32, #tpu.memory_space<vmem>>
      %dma_start3A_88 = arith.constant 0 : i32
      %dma_start3A_89 = arith.constant 0 : i32
      %dma_start3A_90 = tpu.memref_slice %arg2[%dma_start3A_88, %dma_start3A_89] : memref<10000x16xf32, #tpu.memory_space<hbm>> -> memref<10000x16xf32, #tpu.memory_space<hbm>>
      tpu.enqueue_indirect_dma source(%dma_start3A_90 : memref<10000x16xf32, #tpu.memory_space<hbm>>) target(%dma_start3A_84 : memref<128x16xf32, #tpu.memory_space<vmem>>) offsets(%dma_start3A_87 : memref<128xi32, #tpu.memory_space<vmem>>) semaphore(%arg13 : memref<!tpu.dma_semaphore, #tpu.memory_space<semaphore_mem>>)
      %dma_start3A_91 = arith.constant 6 : i32
      %dma_start3A_92 = arith.constant 768 : i32
      %dma_start3A_93 = arith.constant 0 : i32
      %dma_start3A_94 = tpu.memref_slice %arg10[%dma_start3A_92, %dma_start3A_93] : memref<1024x16xf32, #tpu.memory_space<vmem>> -> memref<128x16xf32, #tpu.memory_space<vmem>>
      %dma_start3A_95 = arith.constant 0 : i32
      %dma_start3A_96 = tpu.memref_slice %arg7[%dma_start3A_91, %dma_start3A_95] : memref<8x128xi32, #tpu.memory_space<vmem>> -> memref<1x128xi32, #tpu.memory_space<vmem>>
      %dma_start3A_97 = tpu.memref_squeeze %dma_start3A_96 : memref<1x128xi32, #tpu.memory_space<vmem>> -> memref<128xi32, #tpu.memory_space<vmem>>
      %dma_start3A_98 = arith.constant 0 : i32
      %dma_start3A_99 = arith.constant 0 : i32
      %dma_start3A_100 = tpu.memref_slice %arg2[%dma_start3A_98, %dma_start3A_99] : memref<10000x16xf32, #tpu.memory_space<hbm>> -> memref<10000x16xf32, #tpu.memory_space<hbm>>
      tpu.enqueue_indirect_dma source(%dma_start3A_100 : memref<10000x16xf32, #tpu.memory_space<hbm>>) target(%dma_start3A_94 : memref<128x16xf32, #tpu.memory_space<vmem>>) offsets(%dma_start3A_97 : memref<128xi32, #tpu.memory_space<vmem>>) semaphore(%arg13 : memref<!tpu.dma_semaphore, #tpu.memory_space<semaphore_mem>>)
      %dma_start3A_101 = arith.constant 7 : i32
      %dma_start3A_102 = arith.constant 896 : i32
      %dma_start3A_103 = arith.constant 0 : i32
      %dma_start3A_104 = tpu.memref_slice %arg10[%dma_start3A_102, %dma_start3A_103] : memref<1024x16xf32, #tpu.memory_space<vmem>> -> memref<128x16xf32, #tpu.memory_space<vmem>>
      %dma_start3A_105 = arith.constant 0 : i32
      %dma_start3A_106 = tpu.memref_slice %arg7[%dma_start3A_101, %dma_start3A_105] : memref<8x128xi32, #tpu.memory_space<vmem>> -> memref<1x128xi32, #tpu.memory_space<vmem>>
      %dma_start3A_107 = tpu.memref_squeeze %dma_start3A_106 : memref<1x128xi32, #tpu.memory_space<vmem>> -> memref<128xi32, #tpu.memory_space<vmem>>
      %dma_start3A_108 = arith.constant 0 : i32
      %dma_start3A_109 = arith.constant 0 : i32
      %dma_start3A_110 = tpu.memref_slice %arg2[%dma_start3A_108, %dma_start3A_109] : memref<10000x16xf32, #tpu.memory_space<hbm>> -> memref<10000x16xf32, #tpu.memory_space<hbm>>
      tpu.enqueue_indirect_dma source(%dma_start3A_110 : memref<10000x16xf32, #tpu.memory_space<hbm>>) target(%dma_start3A_104 : memref<128x16xf32, #tpu.memory_space<vmem>>) offsets(%dma_start3A_107 : memref<128xi32, #tpu.memory_space<vmem>>) semaphore(%arg13 : memref<!tpu.dma_semaphore, #tpu.memory_space<semaphore_mem>>)
      %dma_wait3A = arith.constant 0 : i32
      %dma_wait3A_111 = arith.constant 0 : i32
      %dma_wait3A_112 = arith.constant 0 : i32
      %dma_wait3A_113 = tpu.memref_slice %arg10[%dma_wait3A_111, %dma_wait3A_112] : memref<1024x16xf32, #tpu.memory_space<vmem>> -> memref<128x16xf32, #tpu.memory_space<vmem>>
      %dma_wait3A_114 = arith.constant 0 : i32
      %dma_wait3A_115 = tpu.memref_slice %arg7[%dma_wait3A, %dma_wait3A_114] : memref<8x128xi32, #tpu.memory_space<vmem>> -> memref<1x128xi32, #tpu.memory_space<vmem>>
      %dma_wait3A_116 = tpu.memref_squeeze %dma_wait3A_115 : memref<1x128xi32, #tpu.memory_space<vmem>> -> memref<128xi32, #tpu.memory_space<vmem>>
      %dma_wait3A_117 = arith.constant 0 : i32
      %dma_wait3A_118 = arith.constant 0 : i32
      %dma_wait3A_119 = tpu.memref_slice %arg2[%dma_wait3A_117, %dma_wait3A_118] : memref<10000x16xf32, #tpu.memory_space<hbm>> -> memref<10000x16xf32, #tpu.memory_space<hbm>>
      tpu.wait_indirect_dma semaphore(%arg13 : memref<!tpu.dma_semaphore, #tpu.memory_space<semaphore_mem>>) src(%dma_wait3A_119 : memref<10000x16xf32, #tpu.memory_space<hbm>>) dst(%dma_wait3A_113 : memref<128x16xf32, #tpu.memory_space<vmem>>)
      %dma_wait3A_120 = arith.constant 1 : i32
      %dma_wait3A_121 = arith.constant 128 : i32
      %dma_wait3A_122 = arith.constant 0 : i32
      %dma_wait3A_123 = tpu.memref_slice %arg10[%dma_wait3A_121, %dma_wait3A_122] : memref<1024x16xf32, #tpu.memory_space<vmem>> -> memref<128x16xf32, #tpu.memory_space<vmem>>
      %dma_wait3A_124 = arith.constant 0 : i32
      %dma_wait3A_125 = tpu.memref_slice %arg7[%dma_wait3A_120, %dma_wait3A_124] : memref<8x128xi32, #tpu.memory_space<vmem>> -> memref<1x128xi32, #tpu.memory_space<vmem>>
      %dma_wait3A_126 = tpu.memref_squeeze %dma_wait3A_125 : memref<1x128xi32, #tpu.memory_space<vmem>> -> memref<128xi32, #tpu.memory_space<vmem>>
      %dma_wait3A_127 = arith.constant 0 : i32
      %dma_wait3A_128 = arith.constant 0 : i32
      %dma_wait3A_129 = tpu.memref_slice %arg2[%dma_wait3A_127, %dma_wait3A_128] : memref<10000x16xf32, #tpu.memory_space<hbm>> -> memref<10000x16xf32, #tpu.memory_space<hbm>>
      tpu.wait_indirect_dma semaphore(%arg13 : memref<!tpu.dma_semaphore, #tpu.memory_space<semaphore_mem>>) src(%dma_wait3A_129 : memref<10000x16xf32, #tpu.memory_space<hbm>>) dst(%dma_wait3A_123 : memref<128x16xf32, #tpu.memory_space<vmem>>)
      %dma_wait3A_130 = arith.constant 2 : i32
      %dma_wait3A_131 = arith.constant 256 : i32
      %dma_wait3A_132 = arith.constant 0 : i32
      %dma_wait3A_133 = tpu.memref_slice %arg10[%dma_wait3A_131, %dma_wait3A_132] : memref<1024x16xf32, #tpu.memory_space<vmem>> -> memref<128x16xf32, #tpu.memory_space<vmem>>
      %dma_wait3A_134 = arith.constant 0 : i32
      %dma_wait3A_135 = tpu.memref_slice %arg7[%dma_wait3A_130, %dma_wait3A_134] : memref<8x128xi32, #tpu.memory_space<vmem>> -> memref<1x128xi32, #tpu.memory_space<vmem>>
      %dma_wait3A_136 = tpu.memref_squeeze %dma_wait3A_135 : memref<1x128xi32, #tpu.memory_space<vmem>> -> memref<128xi32, #tpu.memory_space<vmem>>
      %dma_wait3A_137 = arith.constant 0 : i32
      %dma_wait3A_138 = arith.constant 0 : i32
      %dma_wait3A_139 = tpu.memref_slice %arg2[%dma_wait3A_137, %dma_wait3A_138] : memref<10000x16xf32, #tpu.memory_space<hbm>> -> memref<10000x16xf32, #tpu.memory_space<hbm>>
      tpu.wait_indirect_dma semaphore(%arg13 : memref<!tpu.dma_semaphore, #tpu.memory_space<semaphore_mem>>) src(%dma_wait3A_139 : memref<10000x16xf32, #tpu.memory_space<hbm>>) dst(%dma_wait3A_133 : memref<128x16xf32, #tpu.memory_space<vmem>>)
      %dma_wait3A_140 = arith.constant 3 : i32
      %dma_wait3A_141 = arith.constant 384 : i32
      %dma_wait3A_142 = arith.constant 0 : i32
      %dma_wait3A_143 = tpu.memref_slice %arg10[%dma_wait3A_141, %dma_wait3A_142] : memref<1024x16xf32, #tpu.memory_space<vmem>> -> memref<128x16xf32, #tpu.memory_space<vmem>>
      %dma_wait3A_144 = arith.constant 0 : i32
      %dma_wait3A_145 = tpu.memref_slice %arg7[%dma_wait3A_140, %dma_wait3A_144] : memref<8x128xi32, #tpu.memory_space<vmem>> -> memref<1x128xi32, #tpu.memory_space<vmem>>
      %dma_wait3A_146 = tpu.memref_squeeze %dma_wait3A_145 : memref<1x128xi32, #tpu.memory_space<vmem>> -> memref<128xi32, #tpu.memory_space<vmem>>
      %dma_wait3A_147 = arith.constant 0 : i32
      %dma_wait3A_148 = arith.constant 0 : i32
      %dma_wait3A_149 = tpu.memref_slice %arg2[%dma_wait3A_147, %dma_wait3A_148] : memref<10000x16xf32, #tpu.memory_space<hbm>> -> memref<10000x16xf32, #tpu.memory_space<hbm>>
      tpu.wait_indirect_dma semaphore(%arg13 : memref<!tpu.dma_semaphore, #tpu.memory_space<semaphore_mem>>) src(%dma_wait3A_149 : memref<10000x16xf32, #tpu.memory_space<hbm>>) dst(%dma_wait3A_143 : memref<128x16xf32, #tpu.memory_space<vmem>>)
      %dma_wait3A_150 = arith.constant 4 : i32
      %dma_wait3A_151 = arith.constant 512 : i32
      %dma_wait3A_152 = arith.constant 0 : i32
      %dma_wait3A_153 = tpu.memref_slice %arg10[%dma_wait3A_151, %dma_wait3A_152] : memref<1024x16xf32, #tpu.memory_space<vmem>> -> memref<128x16xf32, #tpu.memory_space<vmem>>
      %dma_wait3A_154 = arith.constant 0 : i32
      %dma_wait3A_155 = tpu.memref_slice %arg7[%dma_wait3A_150, %dma_wait3A_154] : memref<8x128xi32, #tpu.memory_space<vmem>> -> memref<1x128xi32, #tpu.memory_space<vmem>>
      %dma_wait3A_156 = tpu.memref_squeeze %dma_wait3A_155 : memref<1x128xi32, #tpu.memory_space<vmem>> -> memref<128xi32, #tpu.memory_space<vmem>>
      %dma_wait3A_157 = arith.constant 0 : i32
      %dma_wait3A_158 = arith.constant 0 : i32
      %dma_wait3A_159 = tpu.memref_slice %arg2[%dma_wait3A_157, %dma_wait3A_158] : memref<10000x16xf32, #tpu.memory_space<hbm>> -> memref<10000x16xf32, #tpu.memory_space<hbm>>
      tpu.wait_indirect_dma semaphore(%arg13 : memref<!tpu.dma_semaphore, #tpu.memory_space<semaphore_mem>>) src(%dma_wait3A_159 : memref<10000x16xf32, #tpu.memory_space<hbm>>) dst(%dma_wait3A_153 : memref<128x16xf32, #tpu.memory_space<vmem>>)
      %dma_wait3A_160 = arith.constant 5 : i32
      %dma_wait3A_161 = arith.constant 640 : i32
      %dma_wait3A_162 = arith.constant 0 : i32
      %dma_wait3A_163 = tpu.memref_slice %arg10[%dma_wait3A_161, %dma_wait3A_162] : memref<1024x16xf32, #tpu.memory_space<vmem>> -> memref<128x16xf32, #tpu.memory_space<vmem>>
      %dma_wait3A_164 = arith.constant 0 : i32
      %dma_wait3A_165 = tpu.memref_slice %arg7[%dma_wait3A_160, %dma_wait3A_164] : memref<8x128xi32, #tpu.memory_space<vmem>> -> memref<1x128xi32, #tpu.memory_space<vmem>>
      %dma_wait3A_166 = tpu.memref_squeeze %dma_wait3A_165 : memref<1x128xi32, #tpu.memory_space<vmem>> -> memref<128xi32, #tpu.memory_space<vmem>>
      %dma_wait3A_167 = arith.constant 0 : i32
      %dma_wait3A_168 = arith.constant 0 : i32
      %dma_wait3A_169 = tpu.memref_slice %arg2[%dma_wait3A_167, %dma_wait3A_168] : memref<10000x16xf32, #tpu.memory_space<hbm>> -> memref<10000x16xf32, #tpu.memory_space<hbm>>
      tpu.wait_indirect_dma semaphore(%arg13 : memref<!tpu.dma_semaphore, #tpu.memory_space<semaphore_mem>>) src(%dma_wait3A_169 : memref<10000x16xf32, #tpu.memory_space<hbm>>) dst(%dma_wait3A_163 : memref<128x16xf32, #tpu.memory_space<vmem>>)
      %dma_wait3A_170 = arith.constant 6 : i32
      %dma_wait3A_171 = arith.constant 768 : i32
      %dma_wait3A_172 = arith.constant 0 : i32
      %dma_wait3A_173 = tpu.memref_slice %arg10[%dma_wait3A_171, %dma_wait3A_172] : memref<1024x16xf32, #tpu.memory_space<vmem>> -> memref<128x16xf32, #tpu.memory_space<vmem>>
      %dma_wait3A_174 = arith.constant 0 : i32
      %dma_wait3A_175 = tpu.memref_slice %arg7[%dma_wait3A_170, %dma_wait3A_174] : memref<8x128xi32, #tpu.memory_space<vmem>> -> memref<1x128xi32, #tpu.memory_space<vmem>>
      %dma_wait3A_176 = tpu.memref_squeeze %dma_wait3A_175 : memref<1x128xi32, #tpu.memory_space<vmem>> -> memref<128xi32, #tpu.memory_space<vmem>>
      %dma_wait3A_177 = arith.constant 0 : i32
      %dma_wait3A_178 = arith.constant 0 : i32
      %dma_wait3A_179 = tpu.memref_slice %arg2[%dma_wait3A_177, %dma_wait3A_178] : memref<10000x16xf32, #tpu.memory_space<hbm>> -> memref<10000x16xf32, #tpu.memory_space<hbm>>
      tpu.wait_indirect_dma semaphore(%arg13 : memref<!tpu.dma_semaphore, #tpu.memory_space<semaphore_mem>>) src(%dma_wait3A_179 : memref<10000x16xf32, #tpu.memory_space<hbm>>) dst(%dma_wait3A_173 : memref<128x16xf32, #tpu.memory_space<vmem>>)
      %dma_wait3A_180 = arith.constant 7 : i32
      %dma_wait3A_181 = arith.constant 896 : i32
      %dma_wait3A_182 = arith.constant 0 : i32
      %dma_wait3A_183 = tpu.memref_slice %arg10[%dma_wait3A_181, %dma_wait3A_182] : memref<1024x16xf32, #tpu.memory_space<vmem>> -> memref<128x16xf32, #tpu.memory_space<vmem>>
      %dma_wait3A_184 = arith.constant 0 : i32
      %dma_wait3A_185 = tpu.memref_slice %arg7[%dma_wait3A_180, %dma_wait3A_184] : memref<8x128xi32, #tpu.memory_space<vmem>> -> memref<1x128xi32, #tpu.memory_space<vmem>>
      %dma_wait3A_186 = tpu.memref_squeeze %dma_wait3A_185 : memref<1x128xi32, #tpu.memory_space<vmem>> -> memref<128xi32, #tpu.memory_space<vmem>>
      %dma_wait3A_187 = arith.constant 0 : i32
      %dma_wait3A_188 = arith.constant 0 : i32
      %dma_wait3A_189 = tpu.memref_slice %arg2[%dma_wait3A_187, %dma_wait3A_188] : memref<10000x16xf32, #tpu.memory_space<hbm>> -> memref<10000x16xf32, #tpu.memory_space<hbm>>
      tpu.wait_indirect_dma semaphore(%arg13 : memref<!tpu.dma_semaphore, #tpu.memory_space<semaphore_mem>>) src(%dma_wait3A_189 : memref<10000x16xf32, #tpu.memory_space<hbm>>) dst(%dma_wait3A_183 : memref<128x16xf32, #tpu.memory_space<vmem>>)
      %scan3A_190 = arith.constant 0 : i32
      %scan3A_191 = arith.constant 0 : i32
      %scan3A_192 = arith.constant 64 : i32
      %scan3A_193 = arith.addi %scan3A_191, %scan3A_192 : i32
      %scan3A_194 = arith.constant 1 : i32
      %scan3A_195 = scf.for %scan3A_205 = %scan3A_191 to %scan3A_193 step %scan3A_194 iter_args(%scan3A_206 = %scan3A_190) -> (i32)  : i32 {
        %mul3A_207 = arith.constant 16 : i32
        %mul3A_208 = arith.muli %scan3A_205, %mul3A_207 : i32
        %get3A = arith.index_cast %mul3A_208 : i32 to index
        %get3A_209 = tpu.vector_load %arg9[%get3A] {strides = array<i32>} : memref<1024xf32, #tpu.memory_space<vmem>>, vector<16xf32>,
        %get3A_210 = vector.shape_cast %get3A_209 : vector<16xf32> to vector<16xf32>
        %broadcast_in_dim3A_211 = arith.constant 0 : i32
        %broadcast_in_dim3A_212 = vector.broadcast %broadcast_in_dim3A_211 : i32 to vector<16x1xi32>
        %gather3A = vector.shape_cast %broadcast_in_dim3A_212 : vector<16x1xi32> to vector<16xi32>
        %gather3A_213 = tpu.dynamic_gather %get3A_210[%gather3A] in [0] : vector<16xf32>, vector<16xi32> -> vector<16xf32>
        %add3A_214 = arith.constant 0 : i32
        %add3A_215 = arith.addi %mul3A_208, %add3A_214 : i32
        %get3A_216 = arith.index_cast %add3A_215 : i32 to index
        %get3A_217 = arith.constant 0 : index
        %get3A_218 = tpu.vector_load %arg10[%get3A_216, %get3A_217] {strides = array<i32>} : memref<1024x16xf32, #tpu.memory_space<vmem>>, vector<1x16xf32>,
        %get3A_219 = vector.shape_cast %get3A_218 : vector<1x16xf32> to vector<16xf32>
        %mul3A_220 = arith.mulf %get3A_219, %gather3A_213 : vector<16xf32>
        %add3A_221 = arith.constant 0 : i32
        %add3A_222 = arith.addi %mul3A_208, %add3A_221 : i32
        %swap3A = arith.index_cast %add3A_222 : i32 to index
        %swap3A_223 = arith.constant 0 : index
        %swap3A_224 = tpu.vector_load %arg10[%swap3A, %swap3A_223] {strides = array<i32>} : memref<1024x16xf32, #tpu.memory_space<vmem>>, vector<1x16xf32>,
        %swap3A_225 = vector.shape_cast %swap3A_224 : vector<1x16xf32> to vector<16xf32>
        %swap3A_226 = vector.shape_cast %mul3A_220 : vector<16xf32> to vector<1x16xf32>
        tpu.vector_store %arg10[%swap3A, %swap3A_223], %swap3A_226 {strides = array<i32>} : memref<1024x16xf32, #tpu.memory_space<vmem>>, vector<1x16xf32>,
        %broadcast_in_dim3A_227 = arith.constant 1 : i32
        %broadcast_in_dim3A_228 = vector.broadcast %broadcast_in_dim3A_227 : i32 to vector<16x1xi32>
        %gather3A_229 = vector.shape_cast %broadcast_in_dim3A_228 : vector<16x1xi32> to vector<16xi32>
        %gather3A_230 = tpu.dynamic_gather %get3A_210[%gather3A_229] in [0] : vector<16xf32>, vector<16xi32> -> vector<16xf32>
        %add3A_231 = arith.constant 1 : i32
        %add3A_232 = arith.addi %mul3A_208, %add3A_231 : i32
        %get3A_233 = arith.index_cast %add3A_232 : i32 to index
        %get3A_234 = arith.constant 0 : index
        %get3A_235 = tpu.vector_load %arg10[%get3A_233, %get3A_234] {strides = array<i32>} : memref<1024x16xf32, #tpu.memory_space<vmem>>, vector<1x16xf32>,
        %get3A_236 = vector.shape_cast %get3A_235 : vector<1x16xf32> to vector<16xf32>
        %mul3A_237 = arith.mulf %get3A_236, %gather3A_230 : vector<16xf32>
        %add3A_238 = arith.constant 1 : i32
        %add3A_239 = arith.addi %mul3A_208, %add3A_238 : i32
        %swap3A_240 = arith.index_cast %add3A_239 : i32 to index
        %swap3A_241 = arith.constant 0 : index
        %swap3A_242 = tpu.vector_load %arg10[%swap3A_240, %swap3A_241] {strides = array<i32>} : memref<1024x16xf32, #tpu.memory_space<vmem>>, vector<1x16xf32>,
        %swap3A_243 = vector.shape_cast %swap3A_242 : vector<1x16xf32> to vector<16xf32>
        %swap3A_244 = vector.shape_cast %mul3A_237 : vector<16xf32> to vector<1x16xf32>
        tpu.vector_store %arg10[%swap3A_240, %swap3A_241], %swap3A_244 {strides = array<i32>} : memref<1024x16xf32, #tpu.memory_space<vmem>>, vector<1x16xf32>,
        %broadcast_in_dim3A_245 = arith.constant 2 : i32
        %broadcast_in_dim3A_246 = vector.broadcast %broadcast_in_dim3A_245 : i32 to vector<16x1xi32>
        %gather3A_247 = vector.shape_cast %broadcast_in_dim3A_246 : vector<16x1xi32> to vector<16xi32>
        %gather3A_248 = tpu.dynamic_gather %get3A_210[%gather3A_247] in [0] : vector<16xf32>, vector<16xi32> -> vector<16xf32>
        %add3A_249 = arith.constant 2 : i32
        %add3A_250 = arith.addi %mul3A_208, %add3A_249 : i32
        %get3A_251 = arith.index_cast %add3A_250 : i32 to index
        %get3A_252 = arith.constant 0 : index
        %get3A_253 = tpu.vector_load %arg10[%get3A_251, %get3A_252] {strides = array<i32>} : memref<1024x16xf32, #tpu.memory_space<vmem>>, vector<1x16xf32>,
        %get3A_254 = vector.shape_cast %get3A_253 : vector<1x16xf32> to vector<16xf32>
        %mul3A_255 = arith.mulf %get3A_254, %gather3A_248 : vector<16xf32>
        %add3A_256 = arith.constant 2 : i32
        %add3A_257 = arith.addi %mul3A_208, %add3A_256 : i32
        %swap3A_258 = arith.index_cast %add3A_257 : i32 to index
        %swap3A_259 = arith.constant 0 : index
        %swap3A_260 = tpu.vector_load %arg10[%swap3A_258, %swap3A_259] {strides = array<i32>} : memref<1024x16xf32, #tpu.memory_space<vmem>>, vector<1x16xf32>,
        %swap3A_261 = vector.shape_cast %swap3A_260 : vector<1x16xf32> to vector<16xf32>
        %swap3A_262 = vector.shape_cast %mul3A_255 : vector<16xf32> to vector<1x16xf32>
        tpu.vector_store %arg10[%swap3A_258, %swap3A_259], %swap3A_262 {strides = array<i32>} : memref<1024x16xf32, #tpu.memory_space<vmem>>, vector<1x16xf32>,
        %broadcast_in_dim3A_263 = arith.constant 3 : i32
        %broadcast_in_dim3A_264 = vector.broadcast %broadcast_in_dim3A_263 : i32 to vector<16x1xi32>
        %gather3A_265 = vector.shape_cast %broadcast_in_dim3A_264 : vector<16x1xi32> to vector<16xi32>
        %gather3A_266 = tpu.dynamic_gather %get3A_210[%gather3A_265] in [0] : vector<16xf32>, vector<16xi32> -> vector<16xf32>
        %add3A_267 = arith.constant 3 : i32
        %add3A_268 = arith.addi %mul3A_208, %add3A_267 : i32
        %get3A_269 = arith.index_cast %add3A_268 : i32 to index
        %get3A_270 = arith.constant 0 : index
        %get3A_271 = tpu.vector_load %arg10[%get3A_269, %get3A_270] {strides = array<i32>} : memref<1024x16xf32, #tpu.memory_space<vmem>>, vector<1x16xf32>,
        %get3A_272 = vector.shape_cast %get3A_271 : vector<1x16xf32> to vector<16xf32>
        %mul3A_273 = arith.mulf %get3A_272, %gather3A_266 : vector<16xf32>
        %add3A_274 = arith.constant 3 : i32
        %add3A_275 = arith.addi %mul3A_208, %add3A_274 : i32
        %swap3A_276 = arith.index_cast %add3A_275 : i32 to index
        %swap3A_277 = arith.constant 0 : index
        %swap3A_278 = tpu.vector_load %arg10[%swap3A_276, %swap3A_277] {strides = array<i32>} : memref<1024x16xf32, #tpu.memory_space<vmem>>, vector<1x16xf32>,
        %swap3A_279 = vector.shape_cast %swap3A_278 : vector<1x16xf32> to vector<16xf32>
        %swap3A_280 = vector.shape_cast %mul3A_273 : vector<16xf32> to vector<1x16xf32>
        tpu.vector_store %arg10[%swap3A_276, %swap3A_277], %swap3A_280 {strides = array<i32>} : memref<1024x16xf32, #tpu.memory_space<vmem>>, vector<1x16xf32>,
        %broadcast_in_dim3A_281 = arith.constant 4 : i32
        %broadcast_in_dim3A_282 = vector.broadcast %broadcast_in_dim3A_281 : i32 to vector<16x1xi32>
        %gather3A_283 = vector.shape_cast %broadcast_in_dim3A_282 : vector<16x1xi32> to vector<16xi32>
        %gather3A_284 = tpu.dynamic_gather %get3A_210[%gather3A_283] in [0] : vector<16xf32>, vector<16xi32> -> vector<16xf32>
        %add3A_285 = arith.constant 4 : i32
        %add3A_286 = arith.addi %mul3A_208, %add3A_285 : i32
        %get3A_287 = arith.index_cast %add3A_286 : i32 to index
        %get3A_288 = arith.constant 0 : index
        %get3A_289 = tpu.vector_load %arg10[%get3A_287, %get3A_288] {strides = array<i32>} : memref<1024x16xf32, #tpu.memory_space<vmem>>, vector<1x16xf32>,
        %get3A_290 = vector.shape_cast %get3A_289 : vector<1x16xf32> to vector<16xf32>
        %mul3A_291 = arith.mulf %get3A_290, %gather3A_284 : vector<16xf32>
        %add3A_292 = arith.constant 4 : i32
        %add3A_293 = arith.addi %mul3A_208, %add3A_292 : i32
        %swap3A_294 = arith.index_cast %add3A_293 : i32 to index
        %swap3A_295 = arith.constant 0 : index
        %swap3A_296 = tpu.vector_load %arg10[%swap3A_294, %swap3A_295] {strides = array<i32>} : memref<1024x16xf32, #tpu.memory_space<vmem>>, vector<1x16xf32>,
        %swap3A_297 = vector.shape_cast %swap3A_296 : vector<1x16xf32> to vector<16xf32>
        %swap3A_298 = vector.shape_cast %mul3A_291 : vector<16xf32> to vector<1x16xf32>
        tpu.vector_store %arg10[%swap3A_294, %swap3A_295], %swap3A_298 {strides = array<i32>} : memref<1024x16xf32, #tpu.memory_space<vmem>>, vector<1x16xf32>,
        %broadcast_in_dim3A_299 = arith.constant 5 : i32
        %broadcast_in_dim3A_300 = vector.broadcast %broadcast_in_dim3A_299 : i32 to vector<16x1xi32>
        %gather3A_301 = vector.shape_cast %broadcast_in_dim3A_300 : vector<16x1xi32> to vector<16xi32>
        %gather3A_302 = tpu.dynamic_gather %get3A_210[%gather3A_301] in [0] : vector<16xf32>, vector<16xi32> -> vector<16xf32>
        %add3A_303 = arith.constant 5 : i32
        %add3A_304 = arith.addi %mul3A_208, %add3A_303 : i32
        %get3A_305 = arith.index_cast %add3A_304 : i32 to index
        %get3A_306 = arith.constant 0 : index
        %get3A_307 = tpu.vector_load %arg10[%get3A_305, %get3A_306] {strides = array<i32>} : memref<1024x16xf32, #tpu.memory_space<vmem>>, vector<1x16xf32>,
        %get3A_308 = vector.shape_cast %get3A_307 : vector<1x16xf32> to vector<16xf32>
        %mul3A_309 = arith.mulf %get3A_308, %gather3A_302 : vector<16xf32>
        %add3A_310 = arith.constant 5 : i32
        %add3A_311 = arith.addi %mul3A_208, %add3A_310 : i32
        %swap3A_312 = arith.index_cast %add3A_311 : i32 to index
        %swap3A_313 = arith.constant 0 : index
        %swap3A_314 = tpu.vector_load %arg10[%swap3A_312, %swap3A_313] {strides = array<i32>} : memref<1024x16xf32, #tpu.memory_space<vmem>>, vector<1x16xf32>,
        %swap3A_315 = vector.shape_cast %swap3A_314 : vector<1x16xf32> to vector<16xf32>
        %swap3A_316 = vector.shape_cast %mul3A_309 : vector<16xf32> to vector<1x16xf32>
        tpu.vector_store %arg10[%swap3A_312, %swap3A_313], %swap3A_316 {strides = array<i32>} : memref<1024x16xf32, #tpu.memory_space<vmem>>, vector<1x16xf32>,
        %broadcast_in_dim3A_317 = arith.constant 6 : i32
        %broadcast_in_dim3A_318 = vector.broadcast %broadcast_in_dim3A_317 : i32 to vector<16x1xi32>
        %gather3A_319 = vector.shape_cast %broadcast_in_dim3A_318 : vector<16x1xi32> to vector<16xi32>
        %gather3A_320 = tpu.dynamic_gather %get3A_210[%gather3A_319] in [0] : vector<16xf32>, vector<16xi32> -> vector<16xf32>
        %add3A_321 = arith.constant 6 : i32
        %add3A_322 = arith.addi %mul3A_208, %add3A_321 : i32
        %get3A_323 = arith.index_cast %add3A_322 : i32 to index
        %get3A_324 = arith.constant 0 : index
        %get3A_325 = tpu.vector_load %arg10[%get3A_323, %get3A_324] {strides = array<i32>} : memref<1024x16xf32, #tpu.memory_space<vmem>>, vector<1x16xf32>,
        %get3A_326 = vector.shape_cast %get3A_325 : vector<1x16xf32> to vector<16xf32>
        %mul3A_327 = arith.mulf %get3A_326, %gather3A_320 : vector<16xf32>
        %add3A_328 = arith.constant 6 : i32
        %add3A_329 = arith.addi %mul3A_208, %add3A_328 : i32
        %swap3A_330 = arith.index_cast %add3A_329 : i32 to index
        %swap3A_331 = arith.constant 0 : index
        %swap3A_332 = tpu.vector_load %arg10[%swap3A_330, %swap3A_331] {strides = array<i32>} : memref<1024x16xf32, #tpu.memory_space<vmem>>, vector<1x16xf32>,
        %swap3A_333 = vector.shape_cast %swap3A_332 : vector<1x16xf32> to vector<16xf32>
        %swap3A_334 = vector.shape_cast %mul3A_327 : vector<16xf32> to vector<1x16xf32>
        tpu.vector_store %arg10[%swap3A_330, %swap3A_331], %swap3A_334 {strides = array<i32>} : memref<1024x16xf32, #tpu.memory_space<vmem>>, vector<1x16xf32>,
        %broadcast_in_dim3A_335 = arith.constant 7 : i32
        %broadcast_in_dim3A_336 = vector.broadcast %broadcast_in_dim3A_335 : i32 to vector<16x1xi32>
        %gather3A_337 = vector.shape_cast %broadcast_in_dim3A_336 : vector<16x1xi32> to vector<16xi32>
        %gather3A_338 = tpu.dynamic_gather %get3A_210[%gather3A_337] in [0] : vector<16xf32>, vector<16xi32> -> vector<16xf32>
        %add3A_339 = arith.constant 7 : i32
        %add3A_340 = arith.addi %mul3A_208, %add3A_339 : i32
        %get3A_341 = arith.index_cast %add3A_340 : i32 to index
        %get3A_342 = arith.constant 0 : index
        %get3A_343 = tpu.vector_load %arg10[%get3A_341, %get3A_342] {strides = array<i32>} : memref<1024x16xf32, #tpu.memory_space<vmem>>, vector<1x16xf32>,
        %get3A_344 = vector.shape_cast %get3A_343 : vector<1x16xf32> to vector<16xf32>
        %mul3A_345 = arith.mulf %get3A_344, %gather3A_338 : vector<16xf32>
        %add3A_346 = arith.constant 7 : i32
        %add3A_347 = arith.addi %mul3A_208, %add3A_346 : i32
        %swap3A_348 = arith.index_cast %add3A_347 : i32 to index
        %swap3A_349 = arith.constant 0 : index
        %swap3A_350 = tpu.vector_load %arg10[%swap3A_348, %swap3A_349] {strides = array<i32>} : memref<1024x16xf32, #tpu.memory_space<vmem>>, vector<1x16xf32>,
        %swap3A_351 = vector.shape_cast %swap3A_350 : vector<1x16xf32> to vector<16xf32>
        %swap3A_352 = vector.shape_cast %mul3A_345 : vector<16xf32> to vector<1x16xf32>
        tpu.vector_store %arg10[%swap3A_348, %swap3A_349], %swap3A_352 {strides = array<i32>} : memref<1024x16xf32, #tpu.memory_space<vmem>>, vector<1x16xf32>,
        %broadcast_in_dim3A_353 = arith.constant 8 : i32
        %broadcast_in_dim3A_354 = vector.broadcast %broadcast_in_dim3A_353 : i32 to vector<16x1xi32>
        %gather3A_355 = vector.shape_cast %broadcast_in_dim3A_354 : vector<16x1xi32> to vector<16xi32>
        %gather3A_356 = tpu.dynamic_gather %get3A_210[%gather3A_355] in [0] : vector<16xf32>, vector<16xi32> -> vector<16xf32>
        %add3A_357 = arith.constant 8 : i32
        %add3A_358 = arith.addi %mul3A_208, %add3A_357 : i32
        %get3A_359 = arith.index_cast %add3A_358 : i32 to index
        %get3A_360 = arith.constant 0 : index
        %get3A_361 = tpu.vector_load %arg10[%get3A_359, %get3A_360] {strides = array<i32>} : memref<1024x16xf32, #tpu.memory_space<vmem>>, vector<1x16xf32>,
        %get3A_362 = vector.shape_cast %get3A_361 : vector<1x16xf32> to vector<16xf32>
        %mul3A_363 = arith.mulf %get3A_362, %gather3A_356 : vector<16xf32>
        %add3A_364 = arith.constant 8 : i32
        %add3A_365 = arith.addi %mul3A_208, %add3A_364 : i32
        %swap3A_366 = arith.index_cast %add3A_365 : i32 to index
        %swap3A_367 = arith.constant 0 : index
        %swap3A_368 = tpu.vector_load %arg10[%swap3A_366, %swap3A_367] {strides = array<i32>} : memref<1024x16xf32, #tpu.memory_space<vmem>>, vector<1x16xf32>,
        %swap3A_369 = vector.shape_cast %swap3A_368 : vector<1x16xf32> to vector<16xf32>
        %swap3A_370 = vector.shape_cast %mul3A_363 : vector<16xf32> to vector<1x16xf32>
        tpu.vector_store %arg10[%swap3A_366, %swap3A_367], %swap3A_370 {strides = array<i32>} : memref<1024x16xf32, #tpu.memory_space<vmem>>, vector<1x16xf32>,
        %broadcast_in_dim3A_371 = arith.constant 9 : i32
        %broadcast_in_dim3A_372 = vector.broadcast %broadcast_in_dim3A_371 : i32 to vector<16x1xi32>
        %gather3A_373 = vector.shape_cast %broadcast_in_dim3A_372 : vector<16x1xi32> to vector<16xi32>
        %gather3A_374 = tpu.dynamic_gather %get3A_210[%gather3A_373] in [0] : vector<16xf32>, vector<16xi32> -> vector<16xf32>
        %add3A_375 = arith.constant 9 : i32
        %add3A_376 = arith.addi %mul3A_208, %add3A_375 : i32
        %get3A_377 = arith.index_cast %add3A_376 : i32 to index
        %get3A_378 = arith.constant 0 : index
        %get3A_379 = tpu.vector_load %arg10[%get3A_377, %get3A_378] {strides = array<i32>} : memref<1024x16xf32, #tpu.memory_space<vmem>>, vector<1x16xf32>,
        %get3A_380 = vector.shape_cast %get3A_379 : vector<1x16xf32> to vector<16xf32>
        %mul3A_381 = arith.mulf %get3A_380, %gather3A_374 : vector<16xf32>
        %add3A_382 = arith.constant 9 : i32
        %add3A_383 = arith.addi %mul3A_208, %add3A_382 : i32
        %swap3A_384 = arith.index_cast %add3A_383 : i32 to index
        %swap3A_385 = arith.constant 0 : index
        %swap3A_386 = tpu.vector_load %arg10[%swap3A_384, %swap3A_385] {strides = array<i32>} : memref<1024x16xf32, #tpu.memory_space<vmem>>, vector<1x16xf32>,
        %swap3A_387 = vector.shape_cast %swap3A_386 : vector<1x16xf32> to vector<16xf32>
        %swap3A_388 = vector.shape_cast %mul3A_381 : vector<16xf32> to vector<1x16xf32>
        tpu.vector_store %arg10[%swap3A_384, %swap3A_385], %swap3A_388 {strides = array<i32>} : memref<1024x16xf32, #tpu.memory_space<vmem>>, vector<1x16xf32>,
        %broadcast_in_dim3A_389 = arith.constant 10 : i32
        %broadcast_in_dim3A_390 = vector.broadcast %broadcast_in_dim3A_389 : i32 to vector<16x1xi32>
        %gather3A_391 = vector.shape_cast %broadcast_in_dim3A_390 : vector<16x1xi32> to vector<16xi32>
        %gather3A_392 = tpu.dynamic_gather %get3A_210[%gather3A_391] in [0] : vector<16xf32>, vector<16xi32> -> vector<16xf32>
        %add3A_393 = arith.constant 10 : i32
        %add3A_394 = arith.addi %mul3A_208, %add3A_393 : i32
        %get3A_395 = arith.index_cast %add3A_394 : i32 to index
        %get3A_396 = arith.constant 0 : index
        %get3A_397 = tpu.vector_load %arg10[%get3A_395, %get3A_396] {strides = array<i32>} : memref<1024x16xf32, #tpu.memory_space<vmem>>, vector<1x16xf32>,
        %get3A_398 = vector.shape_cast %get3A_397 : vector<1x16xf32> to vector<16xf32>
        %mul3A_399 = arith.mulf %get3A_398, %gather3A_392 : vector<16xf32>
        %add3A_400 = arith.constant 10 : i32
        %add3A_401 = arith.addi %mul3A_208, %add3A_400 : i32
        %swap3A_402 = arith.index_cast %add3A_401 : i32 to index
        %swap3A_403 = arith.constant 0 : index
        %swap3A_404 = tpu.vector_load %arg10[%swap3A_402, %swap3A_403] {strides = array<i32>} : memref<1024x16xf32, #tpu.memory_space<vmem>>, vector<1x16xf32>,
        %swap3A_405 = vector.shape_cast %swap3A_404 : vector<1x16xf32> to vector<16xf32>
        %swap3A_406 = vector.shape_cast %mul3A_399 : vector<16xf32> to vector<1x16xf32>
        tpu.vector_store %arg10[%swap3A_402, %swap3A_403], %swap3A_406 {strides = array<i32>} : memref<1024x16xf32, #tpu.memory_space<vmem>>, vector<1x16xf32>,
        %broadcast_in_dim3A_407 = arith.constant 11 : i32
        %broadcast_in_dim3A_408 = vector.broadcast %broadcast_in_dim3A_407 : i32 to vector<16x1xi32>
        %gather3A_409 = vector.shape_cast %broadcast_in_dim3A_408 : vector<16x1xi32> to vector<16xi32>
        %gather3A_410 = tpu.dynamic_gather %get3A_210[%gather3A_409] in [0] : vector<16xf32>, vector<16xi32> -> vector<16xf32>
        %add3A_411 = arith.constant 11 : i32
        %add3A_412 = arith.addi %mul3A_208, %add3A_411 : i32
        %get3A_413 = arith.index_cast %add3A_412 : i32 to index
        %get3A_414 = arith.constant 0 : index
        %get3A_415 = tpu.vector_load %arg10[%get3A_413, %get3A_414] {strides = array<i32>} : memref<1024x16xf32, #tpu.memory_space<vmem>>, vector<1x16xf32>,
        %get3A_416 = vector.shape_cast %get3A_415 : vector<1x16xf32> to vector<16xf32>
        %mul3A_417 = arith.mulf %get3A_416, %gather3A_410 : vector<16xf32>
        %add3A_418 = arith.constant 11 : i32
        %add3A_419 = arith.addi %mul3A_208, %add3A_418 : i32
        %swap3A_420 = arith.index_cast %add3A_419 : i32 to index
        %swap3A_421 = arith.constant 0 : index
        %swap3A_422 = tpu.vector_load %arg10[%swap3A_420, %swap3A_421] {strides = array<i32>} : memref<1024x16xf32, #tpu.memory_space<vmem>>, vector<1x16xf32>,
        %swap3A_423 = vector.shape_cast %swap3A_422 : vector<1x16xf32> to vector<16xf32>
        %swap3A_424 = vector.shape_cast %mul3A_417 : vector<16xf32> to vector<1x16xf32>
        tpu.vector_store %arg10[%swap3A_420, %swap3A_421], %swap3A_424 {strides = array<i32>} : memref<1024x16xf32, #tpu.memory_space<vmem>>, vector<1x16xf32>,
        %broadcast_in_dim3A_425 = arith.constant 12 : i32
        %broadcast_in_dim3A_426 = vector.broadcast %broadcast_in_dim3A_425 : i32 to vector<16x1xi32>
        %gather3A_427 = vector.shape_cast %broadcast_in_dim3A_426 : vector<16x1xi32> to vector<16xi32>
        %gather3A_428 = tpu.dynamic_gather %get3A_210[%gather3A_427] in [0] : vector<16xf32>, vector<16xi32> -> vector<16xf32>
        %add3A_429 = arith.constant 12 : i32
        %add3A_430 = arith.addi %mul3A_208, %add3A_429 : i32
        %get3A_431 = arith.index_cast %add3A_430 : i32 to index
        %get3A_432 = arith.constant 0 : index
        %get3A_433 = tpu.vector_load %arg10[%get3A_431, %get3A_432] {strides = array<i32>} : memref<1024x16xf32, #tpu.memory_space<vmem>>, vector<1x16xf32>,
        %get3A_434 = vector.shape_cast %get3A_433 : vector<1x16xf32> to vector<16xf32>
        %mul3A_435 = arith.mulf %get3A_434, %gather3A_428 : vector<16xf32>
        %add3A_436 = arith.constant 12 : i32
        %add3A_437 = arith.addi %mul3A_208, %add3A_436 : i32
        %swap3A_438 = arith.index_cast %add3A_437 : i32 to index
        %swap3A_439 = arith.constant 0 : index
        %swap3A_440 = tpu.vector_load %arg10[%swap3A_438, %swap3A_439] {strides = array<i32>} : memref<1024x16xf32, #tpu.memory_space<vmem>>, vector<1x16xf32>,
        %swap3A_441 = vector.shape_cast %swap3A_440 : vector<1x16xf32> to vector<16xf32>
        %swap3A_442 = vector.shape_cast %mul3A_435 : vector<16xf32> to vector<1x16xf32>
        tpu.vector_store %arg10[%swap3A_438, %swap3A_439], %swap3A_442 {strides = array<i32>} : memref<1024x16xf32, #tpu.memory_space<vmem>>, vector<1x16xf32>,
        %broadcast_in_dim3A_443 = arith.constant 13 : i32
        %broadcast_in_dim3A_444 = vector.broadcast %broadcast_in_dim3A_443 : i32 to vector<16x1xi32>
        %gather3A_445 = vector.shape_cast %broadcast_in_dim3A_444 : vector<16x1xi32> to vector<16xi32>
        %gather3A_446 = tpu.dynamic_gather %get3A_210[%gather3A_445] in [0] : vector<16xf32>, vector<16xi32> -> vector<16xf32>
        %add3A_447 = arith.constant 13 : i32
        %add3A_448 = arith.addi %mul3A_208, %add3A_447 : i32
        %get3A_449 = arith.index_cast %add3A_448 : i32 to index
        %get3A_450 = arith.constant 0 : index
        %get3A_451 = tpu.vector_load %arg10[%get3A_449, %get3A_450] {strides = array<i32>} : memref<1024x16xf32, #tpu.memory_space<vmem>>, vector<1x16xf32>,
        %get3A_452 = vector.shape_cast %get3A_451 : vector<1x16xf32> to vector<16xf32>
        %mul3A_453 = arith.mulf %get3A_452, %gather3A_446 : vector<16xf32>
        %add3A_454 = arith.constant 13 : i32
        %add3A_455 = arith.addi %mul3A_208, %add3A_454 : i32
        %swap3A_456 = arith.index_cast %add3A_455 : i32 to index
        %swap3A_457 = arith.constant 0 : index
        %swap3A_458 = tpu.vector_load %arg10[%swap3A_456, %swap3A_457] {strides = array<i32>} : memref<1024x16xf32, #tpu.memory_space<vmem>>, vector<1x16xf32>,
        %swap3A_459 = vector.shape_cast %swap3A_458 : vector<1x16xf32> to vector<16xf32>
        %swap3A_460 = vector.shape_cast %mul3A_453 : vector<16xf32> to vector<1x16xf32>
        tpu.vector_store %arg10[%swap3A_456, %swap3A_457], %swap3A_460 {strides = array<i32>} : memref<1024x16xf32, #tpu.memory_space<vmem>>, vector<1x16xf32>,
        %broadcast_in_dim3A_461 = arith.constant 14 : i32
        %broadcast_in_dim3A_462 = vector.broadcast %broadcast_in_dim3A_461 : i32 to vector<16x1xi32>
        %gather3A_463 = vector.shape_cast %broadcast_in_dim3A_462 : vector<16x1xi32> to vector<16xi32>
        %gather3A_464 = tpu.dynamic_gather %get3A_210[%gather3A_463] in [0] : vector<16xf32>, vector<16xi32> -> vector<16xf32>
        %add3A_465 = arith.constant 14 : i32
        %add3A_466 = arith.addi %mul3A_208, %add3A_465 : i32
        %get3A_467 = arith.index_cast %add3A_466 : i32 to index
        %get3A_468 = arith.constant 0 : index
        %get3A_469 = tpu.vector_load %arg10[%get3A_467, %get3A_468] {strides = array<i32>} : memref<1024x16xf32, #tpu.memory_space<vmem>>, vector<1x16xf32>,
        %get3A_470 = vector.shape_cast %get3A_469 : vector<1x16xf32> to vector<16xf32>
        %mul3A_471 = arith.mulf %get3A_470, %gather3A_464 : vector<16xf32>
        %add3A_472 = arith.constant 14 : i32
        %add3A_473 = arith.addi %mul3A_208, %add3A_472 : i32
        %swap3A_474 = arith.index_cast %add3A_473 : i32 to index
        %swap3A_475 = arith.constant 0 : index
        %swap3A_476 = tpu.vector_load %arg10[%swap3A_474, %swap3A_475] {strides = array<i32>} : memref<1024x16xf32, #tpu.memory_space<vmem>>, vector<1x16xf32>,
        %swap3A_477 = vector.shape_cast %swap3A_476 : vector<1x16xf32> to vector<16xf32>
        %swap3A_478 = vector.shape_cast %mul3A_471 : vector<16xf32> to vector<1x16xf32>
        tpu.vector_store %arg10[%swap3A_474, %swap3A_475], %swap3A_478 {strides = array<i32>} : memref<1024x16xf32, #tpu.memory_space<vmem>>, vector<1x16xf32>,
        %broadcast_in_dim3A_479 = arith.constant 15 : i32
        %broadcast_in_dim3A_480 = vector.broadcast %broadcast_in_dim3A_479 : i32 to vector<16x1xi32>
        %gather3A_481 = vector.shape_cast %broadcast_in_dim3A_480 : vector<16x1xi32> to vector<16xi32>
        %gather3A_482 = tpu.dynamic_gather %get3A_210[%gather3A_481] in [0] : vector<16xf32>, vector<16xi32> -> vector<16xf32>
        %add3A_483 = arith.constant 15 : i32
        %add3A_484 = arith.addi %mul3A_208, %add3A_483 : i32
        %get3A_485 = arith.index_cast %add3A_484 : i32 to index
        %get3A_486 = arith.constant 0 : index
        %get3A_487 = tpu.vector_load %arg10[%get3A_485, %get3A_486] {strides = array<i32>} : memref<1024x16xf32, #tpu.memory_space<vmem>>, vector<1x16xf32>,
        %get3A_488 = vector.shape_cast %get3A_487 : vector<1x16xf32> to vector<16xf32>
        %mul3A_489 = arith.mulf %get3A_488, %gather3A_482 : vector<16xf32>
        %add3A_490 = arith.constant 15 : i32
        %add3A_491 = arith.addi %mul3A_208, %add3A_490 : i32
        %swap3A_492 = arith.index_cast %add3A_491 : i32 to index
        %swap3A_493 = arith.constant 0 : index
        %swap3A_494 = tpu.vector_load %arg10[%swap3A_492, %swap3A_493] {strides = array<i32>} : memref<1024x16xf32, #tpu.memory_space<vmem>>, vector<1x16xf32>,
        %swap3A_495 = vector.shape_cast %swap3A_494 : vector<1x16xf32> to vector<16xf32>
        %swap3A_496 = vector.shape_cast %mul3A_489 : vector<16xf32> to vector<1x16xf32>
        tpu.vector_store %arg10[%swap3A_492, %swap3A_493], %swap3A_496 {strides = array<i32>} : memref<1024x16xf32, #tpu.memory_space<vmem>>, vector<1x16xf32>,
        %scan3A_497 = arith.constant 0 : i32
        scf.yield %scan3A_497 : i32
      }
      %scan3A_196 = arith.constant 64 : i32
      %run_scoped3A = arith.constant 0 : i32
      "tpu.region"() ({
        %run_scoped3A_205 = tpu.sem_alloc : memref<!tpu.dma_semaphore, #tpu.memory_space<semaphore_mem>>
        %dma_start3A_206 = arith.constant 0 : i32
        %dma_start3A_207 = arith.constant 0 : i32
        %dma_start3A_208 = tpu.memref_slice %arg10[%dma_start3A_206, %dma_start3A_207] : memref<1024x16xf32, #tpu.memory_space<vmem>> -> memref<128x16xf32, #tpu.memory_space<vmem>>
        %dma_start3A_209 = arith.constant 0 : i32
        %dma_start3A_210 = tpu.memref_slice %arg8[%run_scoped3A, %dma_start3A_209] : memref<8x128xi32, #tpu.memory_space<vmem>> -> memref<1x128xi32, #tpu.memory_space<vmem>>
        %dma_start3A_211 = tpu.memref_squeeze %dma_start3A_210 : memref<1x128xi32, #tpu.memory_space<vmem>> -> memref<128xi32, #tpu.memory_space<vmem>>
        %dma_start3A_212 = arith.constant 0 : i32
        %dma_start3A_213 = arith.constant 0 : i32
        %dma_start3A_214 = tpu.memref_slice %arg12[%dma_start3A_212, %dma_start3A_213] : memref<10112x16xf32, #tpu.memory_space<vmem_shared>> -> memref<10112x16xf32, #tpu.memory_space<vmem_shared>>
        tpu.enqueue_indirect_dma source(%dma_start3A_208 : memref<128x16xf32, #tpu.memory_space<vmem>>) target(%dma_start3A_214 : memref<10112x16xf32, #tpu.memory_space<vmem_shared>>) offsets(%dma_start3A_211 : memref<128xi32, #tpu.memory_space<vmem>>) semaphore(%run_scoped3A_205 : memref<!tpu.dma_semaphore, #tpu.memory_space<semaphore_mem>>) {add = true}
        %dma_wait3A_215 = arith.constant 0 : i32
        %dma_wait3A_216 = arith.constant 0 : i32
        %dma_wait3A_217 = tpu.memref_slice %arg10[%dma_wait3A_215, %dma_wait3A_216] : memref<1024x16xf32, #tpu.memory_space<vmem>> -> memref<128x16xf32, #tpu.memory_space<vmem>>
        %dma_wait3A_218 = arith.constant 0 : i32
        %dma_wait3A_219 = tpu.memref_slice %arg8[%run_scoped3A, %dma_wait3A_218] : memref<8x128xi32, #tpu.memory_space<vmem>> -> memref<1x128xi32, #tpu.memory_space<vmem>>
        %dma_wait3A_220 = tpu.memref_squeeze %dma_wait3A_219 : memref<1x128xi32, #tpu.memory_space<vmem>> -> memref<128xi32, #tpu.memory_space<vmem>>
        %dma_wait3A_221 = arith.constant 0 : i32
        %dma_wait3A_222 = arith.constant 0 : i32
        %dma_wait3A_223 = tpu.memref_slice %arg12[%dma_wait3A_221, %dma_wait3A_222] : memref<10112x16xf32, #tpu.memory_space<vmem_shared>> -> memref<10112x16xf32, #tpu.memory_space<vmem_shared>>
        tpu.wait_indirect_dma semaphore(%run_scoped3A_205 : memref<!tpu.dma_semaphore, #tpu.memory_space<semaphore_mem>>) src(%dma_wait3A_217 : memref<128x16xf32, #tpu.memory_space<vmem>>) dst(%dma_wait3A_223 : memref<10112x16xf32, #tpu.memory_space<vmem_shared>>)
        tpu.yield
      }) : () -> ()
      %run_scoped3A_197 = arith.constant 1 : i32
      "tpu.region"() ({
        %run_scoped3A_205 = tpu.sem_alloc : memref<!tpu.dma_semaphore, #tpu.memory_space<semaphore_mem>>
        %dma_start3A_206 = arith.constant 128 : i32
        %dma_start3A_207 = arith.constant 0 : i32
        %dma_start3A_208 = tpu.memref_slice %arg10[%dma_start3A_206, %dma_start3A_207] : memref<1024x16xf32, #tpu.memory_space<vmem>> -> memref<128x16xf32, #tpu.memory_space<vmem>>
        %dma_start3A_209 = arith.constant 0 : i32
        %dma_start3A_210 = tpu.memref_slice %arg8[%run_scoped3A_197, %dma_start3A_209] : memref<8x128xi32, #tpu.memory_space<vmem>> -> memref<1x128xi32, #tpu.memory_space<vmem>>
        %dma_start3A_211 = tpu.memref_squeeze %dma_start3A_210 : memref<1x128xi32, #tpu.memory_space<vmem>> -> memref<128xi32, #tpu.memory_space<vmem>>
        %dma_start3A_212 = arith.constant 0 : i32
        %dma_start3A_213 = arith.constant 0 : i32
        %dma_start3A_214 = tpu.memref_slice %arg12[%dma_start3A_212, %dma_start3A_213] : memref<10112x16xf32, #tpu.memory_space<vmem_shared>> -> memref<10112x16xf32, #tpu.memory_space<vmem_shared>>
        tpu.enqueue_indirect_dma source(%dma_start3A_208 : memref<128x16xf32, #tpu.memory_space<vmem>>) target(%dma_start3A_214 : memref<10112x16xf32, #tpu.memory_space<vmem_shared>>) offsets(%dma_start3A_211 : memref<128xi32, #tpu.memory_space<vmem>>) semaphore(%run_scoped3A_205 : memref<!tpu.dma_semaphore, #tpu.memory_space<semaphore_mem>>) {add = true}
        %dma_wait3A_215 = arith.constant 128 : i32
        %dma_wait3A_216 = arith.constant 0 : i32
        %dma_wait3A_217 = tpu.memref_slice %arg10[%dma_wait3A_215, %dma_wait3A_216] : memref<1024x16xf32, #tpu.memory_space<vmem>> -> memref<128x16xf32, #tpu.memory_space<vmem>>
        %dma_wait3A_218 = arith.constant 0 : i32
        %dma_wait3A_219 = tpu.memref_slice %arg8[%run_scoped3A_197, %dma_wait3A_218] : memref<8x128xi32, #tpu.memory_space<vmem>> -> memref<1x128xi32, #tpu.memory_space<vmem>>
        %dma_wait3A_220 = tpu.memref_squeeze %dma_wait3A_219 : memref<1x128xi32, #tpu.memory_space<vmem>> -> memref<128xi32, #tpu.memory_space<vmem>>
        %dma_wait3A_221 = arith.constant 0 : i32
        %dma_wait3A_222 = arith.constant 0 : i32
        %dma_wait3A_223 = tpu.memref_slice %arg12[%dma_wait3A_221, %dma_wait3A_222] : memref<10112x16xf32, #tpu.memory_space<vmem_shared>> -> memref<10112x16xf32, #tpu.memory_space<vmem_shared>>
        tpu.wait_indirect_dma semaphore(%run_scoped3A_205 : memref<!tpu.dma_semaphore, #tpu.memory_space<semaphore_mem>>) src(%dma_wait3A_217 : memref<128x16xf32, #tpu.memory_space<vmem>>) dst(%dma_wait3A_223 : memref<10112x16xf32, #tpu.memory_space<vmem_shared>>)
        tpu.yield
      }) : () -> ()
      %run_scoped3A_198 = arith.constant 2 : i32
      "tpu.region"() ({
        %run_scoped3A_205 = tpu.sem_alloc : memref<!tpu.dma_semaphore, #tpu.memory_space<semaphore_mem>>
        %dma_start3A_206 = arith.constant 256 : i32
        %dma_start3A_207 = arith.constant 0 : i32
        %dma_start3A_208 = tpu.memref_slice %arg10[%dma_start3A_206, %dma_start3A_207] : memref<1024x16xf32, #tpu.memory_space<vmem>> -> memref<128x16xf32, #tpu.memory_space<vmem>>
        %dma_start3A_209 = arith.constant 0 : i32
        %dma_start3A_210 = tpu.memref_slice %arg8[%run_scoped3A_198, %dma_start3A_209] : memref<8x128xi32, #tpu.memory_space<vmem>> -> memref<1x128xi32, #tpu.memory_space<vmem>>
        %dma_start3A_211 = tpu.memref_squeeze %dma_start3A_210 : memref<1x128xi32, #tpu.memory_space<vmem>> -> memref<128xi32, #tpu.memory_space<vmem>>
        %dma_start3A_212 = arith.constant 0 : i32
        %dma_start3A_213 = arith.constant 0 : i32
        %dma_start3A_214 = tpu.memref_slice %arg12[%dma_start3A_212, %dma_start3A_213] : memref<10112x16xf32, #tpu.memory_space<vmem_shared>> -> memref<10112x16xf32, #tpu.memory_space<vmem_shared>>
        tpu.enqueue_indirect_dma source(%dma_start3A_208 : memref<128x16xf32, #tpu.memory_space<vmem>>) target(%dma_start3A_214 : memref<10112x16xf32, #tpu.memory_space<vmem_shared>>) offsets(%dma_start3A_211 : memref<128xi32, #tpu.memory_space<vmem>>) semaphore(%run_scoped3A_205 : memref<!tpu.dma_semaphore, #tpu.memory_space<semaphore_mem>>) {add = true}
        %dma_wait3A_215 = arith.constant 256 : i32
        %dma_wait3A_216 = arith.constant 0 : i32
        %dma_wait3A_217 = tpu.memref_slice %arg10[%dma_wait3A_215, %dma_wait3A_216] : memref<1024x16xf32, #tpu.memory_space<vmem>> -> memref<128x16xf32, #tpu.memory_space<vmem>>
        %dma_wait3A_218 = arith.constant 0 : i32
        %dma_wait3A_219 = tpu.memref_slice %arg8[%run_scoped3A_198, %dma_wait3A_218] : memref<8x128xi32, #tpu.memory_space<vmem>> -> memref<1x128xi32, #tpu.memory_space<vmem>>
        %dma_wait3A_220 = tpu.memref_squeeze %dma_wait3A_219 : memref<1x128xi32, #tpu.memory_space<vmem>> -> memref<128xi32, #tpu.memory_space<vmem>>
        %dma_wait3A_221 = arith.constant 0 : i32
        %dma_wait3A_222 = arith.constant 0 : i32
        %dma_wait3A_223 = tpu.memref_slice %arg12[%dma_wait3A_221, %dma_wait3A_222] : memref<10112x16xf32, #tpu.memory_space<vmem_shared>> -> memref<10112x16xf32, #tpu.memory_space<vmem_shared>>
        tpu.wait_indirect_dma semaphore(%run_scoped3A_205 : memref<!tpu.dma_semaphore, #tpu.memory_space<semaphore_mem>>) src(%dma_wait3A_217 : memref<128x16xf32, #tpu.memory_space<vmem>>) dst(%dma_wait3A_223 : memref<10112x16xf32, #tpu.memory_space<vmem_shared>>)
        tpu.yield
      }) : () -> ()
      %run_scoped3A_199 = arith.constant 3 : i32
      "tpu.region"() ({
        %run_scoped3A_205 = tpu.sem_alloc : memref<!tpu.dma_semaphore, #tpu.memory_space<semaphore_mem>>
        %dma_start3A_206 = arith.constant 384 : i32
        %dma_start3A_207 = arith.constant 0 : i32
        %dma_start3A_208 = tpu.memref_slice %arg10[%dma_start3A_206, %dma_start3A_207] : memref<1024x16xf32, #tpu.memory_space<vmem>> -> memref<128x16xf32, #tpu.memory_space<vmem>>
        %dma_start3A_209 = arith.constant 0 : i32
        %dma_start3A_210 = tpu.memref_slice %arg8[%run_scoped3A_199, %dma_start3A_209] : memref<8x128xi32, #tpu.memory_space<vmem>> -> memref<1x128xi32, #tpu.memory_space<vmem>>
        %dma_start3A_211 = tpu.memref_squeeze %dma_start3A_210 : memref<1x128xi32, #tpu.memory_space<vmem>> -> memref<128xi32, #tpu.memory_space<vmem>>
        %dma_start3A_212 = arith.constant 0 : i32
        %dma_start3A_213 = arith.constant 0 : i32
        %dma_start3A_214 = tpu.memref_slice %arg12[%dma_start3A_212, %dma_start3A_213] : memref<10112x16xf32, #tpu.memory_space<vmem_shared>> -> memref<10112x16xf32, #tpu.memory_space<vmem_shared>>
        tpu.enqueue_indirect_dma source(%dma_start3A_208 : memref<128x16xf32, #tpu.memory_space<vmem>>) target(%dma_start3A_214 : memref<10112x16xf32, #tpu.memory_space<vmem_shared>>) offsets(%dma_start3A_211 : memref<128xi32, #tpu.memory_space<vmem>>) semaphore(%run_scoped3A_205 : memref<!tpu.dma_semaphore, #tpu.memory_space<semaphore_mem>>) {add = true}
        %dma_wait3A_215 = arith.constant 384 : i32
        %dma_wait3A_216 = arith.constant 0 : i32
        %dma_wait3A_217 = tpu.memref_slice %arg10[%dma_wait3A_215, %dma_wait3A_216] : memref<1024x16xf32, #tpu.memory_space<vmem>> -> memref<128x16xf32, #tpu.memory_space<vmem>>
        %dma_wait3A_218 = arith.constant 0 : i32
        %dma_wait3A_219 = tpu.memref_slice %arg8[%run_scoped3A_199, %dma_wait3A_218] : memref<8x128xi32, #tpu.memory_space<vmem>> -> memref<1x128xi32, #tpu.memory_space<vmem>>
        %dma_wait3A_220 = tpu.memref_squeeze %dma_wait3A_219 : memref<1x128xi32, #tpu.memory_space<vmem>> -> memref<128xi32, #tpu.memory_space<vmem>>
        %dma_wait3A_221 = arith.constant 0 : i32
        %dma_wait3A_222 = arith.constant 0 : i32
        %dma_wait3A_223 = tpu.memref_slice %arg12[%dma_wait3A_221, %dma_wait3A_222] : memref<10112x16xf32, #tpu.memory_space<vmem_shared>> -> memref<10112x16xf32, #tpu.memory_space<vmem_shared>>
        tpu.wait_indirect_dma semaphore(%run_scoped3A_205 : memref<!tpu.dma_semaphore, #tpu.memory_space<semaphore_mem>>) src(%dma_wait3A_217 : memref<128x16xf32, #tpu.memory_space<vmem>>) dst(%dma_wait3A_223 : memref<10112x16xf32, #tpu.memory_space<vmem_shared>>)
        tpu.yield
      }) : () -> ()
      %run_scoped3A_200 = arith.constant 4 : i32
      "tpu.region"() ({
        %run_scoped3A_205 = tpu.sem_alloc : memref<!tpu.dma_semaphore, #tpu.memory_space<semaphore_mem>>
        %dma_start3A_206 = arith.constant 512 : i32
        %dma_start3A_207 = arith.constant 0 : i32
        %dma_start3A_208 = tpu.memref_slice %arg10[%dma_start3A_206, %dma_start3A_207] : memref<1024x16xf32, #tpu.memory_space<vmem>> -> memref<128x16xf32, #tpu.memory_space<vmem>>
        %dma_start3A_209 = arith.constant 0 : i32
        %dma_start3A_210 = tpu.memref_slice %arg8[%run_scoped3A_200, %dma_start3A_209] : memref<8x128xi32, #tpu.memory_space<vmem>> -> memref<1x128xi32, #tpu.memory_space<vmem>>
        %dma_start3A_211 = tpu.memref_squeeze %dma_start3A_210 : memref<1x128xi32, #tpu.memory_space<vmem>> -> memref<128xi32, #tpu.memory_space<vmem>>
        %dma_start3A_212 = arith.constant 0 : i32
        %dma_start3A_213 = arith.constant 0 : i32
        %dma_start3A_214 = tpu.memref_slice %arg12[%dma_start3A_212, %dma_start3A_213] : memref<10112x16xf32, #tpu.memory_space<vmem_shared>> -> memref<10112x16xf32, #tpu.memory_space<vmem_shared>>
        tpu.enqueue_indirect_dma source(%dma_start3A_208 : memref<128x16xf32, #tpu.memory_space<vmem>>) target(%dma_start3A_214 : memref<10112x16xf32, #tpu.memory_space<vmem_shared>>) offsets(%dma_start3A_211 : memref<128xi32, #tpu.memory_space<vmem>>) semaphore(%run_scoped3A_205 : memref<!tpu.dma_semaphore, #tpu.memory_space<semaphore_mem>>) {add = true}
        %dma_wait3A_215 = arith.constant 512 : i32
        %dma_wait3A_216 = arith.constant 0 : i32
        %dma_wait3A_217 = tpu.memref_slice %arg10[%dma_wait3A_215, %dma_wait3A_216] : memref<1024x16xf32, #tpu.memory_space<vmem>> -> memref<128x16xf32, #tpu.memory_space<vmem>>
        %dma_wait3A_218 = arith.constant 0 : i32
        %dma_wait3A_219 = tpu.memref_slice %arg8[%run_scoped3A_200, %dma_wait3A_218] : memref<8x128xi32, #tpu.memory_space<vmem>> -> memref<1x128xi32, #tpu.memory_space<vmem>>
        %dma_wait3A_220 = tpu.memref_squeeze %dma_wait3A_219 : memref<1x128xi32, #tpu.memory_space<vmem>> -> memref<128xi32, #tpu.memory_space<vmem>>
        %dma_wait3A_221 = arith.constant 0 : i32
        %dma_wait3A_222 = arith.constant 0 : i32
        %dma_wait3A_223 = tpu.memref_slice %arg12[%dma_wait3A_221, %dma_wait3A_222] : memref<10112x16xf32, #tpu.memory_space<vmem_shared>> -> memref<10112x16xf32, #tpu.memory_space<vmem_shared>>
        tpu.wait_indirect_dma semaphore(%run_scoped3A_205 : memref<!tpu.dma_semaphore, #tpu.memory_space<semaphore_mem>>) src(%dma_wait3A_217 : memref<128x16xf32, #tpu.memory_space<vmem>>) dst(%dma_wait3A_223 : memref<10112x16xf32, #tpu.memory_space<vmem_shared>>)
        tpu.yield
      }) : () -> ()
      %run_scoped3A_201 = arith.constant 5 : i32
      "tpu.region"() ({
        %run_scoped3A_205 = tpu.sem_alloc : memref<!tpu.dma_semaphore, #tpu.memory_space<semaphore_mem>>
        %dma_start3A_206 = arith.constant 640 : i32
        %dma_start3A_207 = arith.constant 0 : i32
        %dma_start3A_208 = tpu.memref_slice %arg10[%dma_start3A_206, %dma_start3A_207] : memref<1024x16xf32, #tpu.memory_space<vmem>> -> memref<128x16xf32, #tpu.memory_space<vmem>>
        %dma_start3A_209 = arith.constant 0 : i32
        %dma_start3A_210 = tpu.memref_slice %arg8[%run_scoped3A_201, %dma_start3A_209] : memref<8x128xi32, #tpu.memory_space<vmem>> -> memref<1x128xi32, #tpu.memory_space<vmem>>
        %dma_start3A_211 = tpu.memref_squeeze %dma_start3A_210 : memref<1x128xi32, #tpu.memory_space<vmem>> -> memref<128xi32, #tpu.memory_space<vmem>>
        %dma_start3A_212 = arith.constant 0 : i32
        %dma_start3A_213 = arith.constant 0 : i32
        %dma_start3A_214 = tpu.memref_slice %arg12[%dma_start3A_212, %dma_start3A_213] : memref<10112x16xf32, #tpu.memory_space<vmem_shared>> -> memref<10112x16xf32, #tpu.memory_space<vmem_shared>>
        tpu.enqueue_indirect_dma source(%dma_start3A_208 : memref<128x16xf32, #tpu.memory_space<vmem>>) target(%dma_start3A_214 : memref<10112x16xf32, #tpu.memory_space<vmem_shared>>) offsets(%dma_start3A_211 : memref<128xi32, #tpu.memory_space<vmem>>) semaphore(%run_scoped3A_205 : memref<!tpu.dma_semaphore, #tpu.memory_space<semaphore_mem>>) {add = true}
        %dma_wait3A_215 = arith.constant 640 : i32
        %dma_wait3A_216 = arith.constant 0 : i32
        %dma_wait3A_217 = tpu.memref_slice %arg10[%dma_wait3A_215, %dma_wait3A_216] : memref<1024x16xf32, #tpu.memory_space<vmem>> -> memref<128x16xf32, #tpu.memory_space<vmem>>
        %dma_wait3A_218 = arith.constant 0 : i32
        %dma_wait3A_219 = tpu.memref_slice %arg8[%run_scoped3A_201, %dma_wait3A_218] : memref<8x128xi32, #tpu.memory_space<vmem>> -> memref<1x128xi32, #tpu.memory_space<vmem>>
        %dma_wait3A_220 = tpu.memref_squeeze %dma_wait3A_219 : memref<1x128xi32, #tpu.memory_space<vmem>> -> memref<128xi32, #tpu.memory_space<vmem>>
        %dma_wait3A_221 = arith.constant 0 : i32
        %dma_wait3A_222 = arith.constant 0 : i32
        %dma_wait3A_223 = tpu.memref_slice %arg12[%dma_wait3A_221, %dma_wait3A_222] : memref<10112x16xf32, #tpu.memory_space<vmem_shared>> -> memref<10112x16xf32, #tpu.memory_space<vmem_shared>>
        tpu.wait_indirect_dma semaphore(%run_scoped3A_205 : memref<!tpu.dma_semaphore, #tpu.memory_space<semaphore_mem>>) src(%dma_wait3A_217 : memref<128x16xf32, #tpu.memory_space<vmem>>) dst(%dma_wait3A_223 : memref<10112x16xf32, #tpu.memory_space<vmem_shared>>)
        tpu.yield
      }) : () -> ()
      %run_scoped3A_202 = arith.constant 6 : i32
      "tpu.region"() ({
        %run_scoped3A_205 = tpu.sem_alloc : memref<!tpu.dma_semaphore, #tpu.memory_space<semaphore_mem>>
        %dma_start3A_206 = arith.constant 768 : i32
        %dma_start3A_207 = arith.constant 0 : i32
        %dma_start3A_208 = tpu.memref_slice %arg10[%dma_start3A_206, %dma_start3A_207] : memref<1024x16xf32, #tpu.memory_space<vmem>> -> memref<128x16xf32, #tpu.memory_space<vmem>>
        %dma_start3A_209 = arith.constant 0 : i32
        %dma_start3A_210 = tpu.memref_slice %arg8[%run_scoped3A_202, %dma_start3A_209] : memref<8x128xi32, #tpu.memory_space<vmem>> -> memref<1x128xi32, #tpu.memory_space<vmem>>
        %dma_start3A_211 = tpu.memref_squeeze %dma_start3A_210 : memref<1x128xi32, #tpu.memory_space<vmem>> -> memref<128xi32, #tpu.memory_space<vmem>>
        %dma_start3A_212 = arith.constant 0 : i32
        %dma_start3A_213 = arith.constant 0 : i32
        %dma_start3A_214 = tpu.memref_slice %arg12[%dma_start3A_212, %dma_start3A_213] : memref<10112x16xf32, #tpu.memory_space<vmem_shared>> -> memref<10112x16xf32, #tpu.memory_space<vmem_shared>>
        tpu.enqueue_indirect_dma source(%dma_start3A_208 : memref<128x16xf32, #tpu.memory_space<vmem>>) target(%dma_start3A_214 : memref<10112x16xf32, #tpu.memory_space<vmem_shared>>) offsets(%dma_start3A_211 : memref<128xi32, #tpu.memory_space<vmem>>) semaphore(%run_scoped3A_205 : memref<!tpu.dma_semaphore, #tpu.memory_space<semaphore_mem>>) {add = true}
        %dma_wait3A_215 = arith.constant 768 : i32
        %dma_wait3A_216 = arith.constant 0 : i32
        %dma_wait3A_217 = tpu.memref_slice %arg10[%dma_wait3A_215, %dma_wait3A_216] : memref<1024x16xf32, #tpu.memory_space<vmem>> -> memref<128x16xf32, #tpu.memory_space<vmem>>
        %dma_wait3A_218 = arith.constant 0 : i32
        %dma_wait3A_219 = tpu.memref_slice %arg8[%run_scoped3A_202, %dma_wait3A_218] : memref<8x128xi32, #tpu.memory_space<vmem>> -> memref<1x128xi32, #tpu.memory_space<vmem>>
        %dma_wait3A_220 = tpu.memref_squeeze %dma_wait3A_219 : memref<1x128xi32, #tpu.memory_space<vmem>> -> memref<128xi32, #tpu.memory_space<vmem>>
        %dma_wait3A_221 = arith.constant 0 : i32
        %dma_wait3A_222 = arith.constant 0 : i32
        %dma_wait3A_223 = tpu.memref_slice %arg12[%dma_wait3A_221, %dma_wait3A_222] : memref<10112x16xf32, #tpu.memory_space<vmem_shared>> -> memref<10112x16xf32, #tpu.memory_space<vmem_shared>>
        tpu.wait_indirect_dma semaphore(%run_scoped3A_205 : memref<!tpu.dma_semaphore, #tpu.memory_space<semaphore_mem>>) src(%dma_wait3A_217 : memref<128x16xf32, #tpu.memory_space<vmem>>) dst(%dma_wait3A_223 : memref<10112x16xf32, #tpu.memory_space<vmem_shared>>)
        tpu.yield
      }) : () -> ()
      %run_scoped3A_203 = arith.constant 7 : i32
      "tpu.region"() ({
        %run_scoped3A_205 = tpu.sem_alloc : memref<!tpu.dma_semaphore, #tpu.memory_space<semaphore_mem>>
        %dma_start3A_206 = arith.constant 896 : i32
        %dma_start3A_207 = arith.constant 0 : i32
        %dma_start3A_208 = tpu.memref_slice %arg10[%dma_start3A_206, %dma_start3A_207] : memref<1024x16xf32, #tpu.memory_space<vmem>> -> memref<128x16xf32, #tpu.memory_space<vmem>>
        %dma_start3A_209 = arith.constant 0 : i32
        %dma_start3A_210 = tpu.memref_slice %arg8[%run_scoped3A_203, %dma_start3A_209] : memref<8x128xi32, #tpu.memory_space<vmem>> -> memref<1x128xi32, #tpu.memory_space<vmem>>
        %dma_start3A_211 = tpu.memref_squeeze %dma_start3A_210 : memref<1x128xi32, #tpu.memory_space<vmem>> -> memref<128xi32, #tpu.memory_space<vmem>>
        %dma_start3A_212 = arith.constant 0 : i32
        %dma_start3A_213 = arith.constant 0 : i32
        %dma_start3A_214 = tpu.memref_slice %arg12[%dma_start3A_212, %dma_start3A_213] : memref<10112x16xf32, #tpu.memory_space<vmem_shared>> -> memref<10112x16xf32, #tpu.memory_space<vmem_shared>>
        tpu.enqueue_indirect_dma source(%dma_start3A_208 : memref<128x16xf32, #tpu.memory_space<vmem>>) target(%dma_start3A_214 : memref<10112x16xf32, #tpu.memory_space<vmem_shared>>) offsets(%dma_start3A_211 : memref<128xi32, #tpu.memory_space<vmem>>) semaphore(%run_scoped3A_205 : memref<!tpu.dma_semaphore, #tpu.memory_space<semaphore_mem>>) {add = true}
        %dma_wait3A_215 = arith.constant 896 : i32
        %dma_wait3A_216 = arith.constant 0 : i32
        %dma_wait3A_217 = tpu.memref_slice %arg10[%dma_wait3A_215, %dma_wait3A_216] : memref<1024x16xf32, #tpu.memory_space<vmem>> -> memref<128x16xf32, #tpu.memory_space<vmem>>
        %dma_wait3A_218 = arith.constant 0 : i32
        %dma_wait3A_219 = tpu.memref_slice %arg8[%run_scoped3A_203, %dma_wait3A_218] : memref<8x128xi32, #tpu.memory_space<vmem>> -> memref<1x128xi32, #tpu.memory_space<vmem>>
        %dma_wait3A_220 = tpu.memref_squeeze %dma_wait3A_219 : memref<1x128xi32, #tpu.memory_space<vmem>> -> memref<128xi32, #tpu.memory_space<vmem>>
        %dma_wait3A_221 = arith.constant 0 : i32
        %dma_wait3A_222 = arith.constant 0 : i32
        %dma_wait3A_223 = tpu.memref_slice %arg12[%dma_wait3A_221, %dma_wait3A_222] : memref<10112x16xf32, #tpu.memory_space<vmem_shared>> -> memref<10112x16xf32, #tpu.memory_space<vmem_shared>>
        tpu.wait_indirect_dma semaphore(%run_scoped3A_205 : memref<!tpu.dma_semaphore, #tpu.memory_space<semaphore_mem>>) src(%dma_wait3A_217 : memref<128x16xf32, #tpu.memory_space<vmem>>) dst(%dma_wait3A_223 : memref<10112x16xf32, #tpu.memory_space<vmem_shared>>)
        tpu.yield
      }) : () -> ()
      %scan3A_204 = arith.constant 0 : i32
      scf.yield %scan3A_204 : i32
    }
    %scan3A_16 = arith.constant 10 : i32
    %barrier3A_17 = arith.constant 0 : index
    tpu.barrier barrier_id(%barrier3A_17)
    %mul3A_18 = arith.constant 632 : i32
    %mul3A_19 = arith.muli %arg1, %mul3A_18 : i32
    "tpu.region"() ({
      %run_scoped3A = tpu.sem_alloc : memref<!tpu.dma_semaphore, #tpu.memory_space<semaphore_mem>>
      %dma_start3A = arith.constant 0 : i32
      %dma_start3A_20 = tpu.memref_slice %arg12[%mul3A_19, %dma_start3A] : memref<10112x16xf32, #tpu.memory_space<vmem_shared>> -> memref<632x16xf32, #tpu.memory_space<vmem_shared>>
      %dma_start3A_21 = arith.constant 0 : i32
      %dma_start3A_22 = tpu.memref_slice %arg12[%mul3A_19, %dma_start3A_21] : memref<10112x16xf32, #tpu.memory_space<vmem_shared>> -> memref<632x16xf32, #tpu.memory_space<vmem_shared>>
      tpu.enqueue_dma source(%dma_start3A_22 : memref<632x16xf32, #tpu.memory_space<vmem_shared>>) target(%arg11 : memref<632x16xf32, #tpu.memory_space<vmem>>) target_semaphore(%run_scoped3A : memref<!tpu.dma_semaphore, #tpu.memory_space<semaphore_mem>>)
      %dma_wait3A = arith.constant 0 : i32
      %dma_wait3A_23 = tpu.memref_slice %arg12[%mul3A_19, %dma_wait3A] : memref<10112x16xf32, #tpu.memory_space<vmem_shared>> -> memref<632x16xf32, #tpu.memory_space<vmem_shared>>
      %dma_wait3A_24 = arith.constant 0 : i32
      %dma_wait3A_25 = tpu.memref_slice %arg12[%mul3A_19, %dma_wait3A_24] : memref<10112x16xf32, #tpu.memory_space<vmem_shared>> -> memref<632x16xf32, #tpu.memory_space<vmem_shared>>
      tpu.wait_dma2 semaphore(%run_scoped3A : memref<!tpu.dma_semaphore, #tpu.memory_space<semaphore_mem>>) src(%dma_wait3A_25 : memref<632x16xf32, #tpu.memory_space<vmem_shared>>) dst(%arg11 : memref<632x16xf32, #tpu.memory_space<vmem>>)
      tpu.yield
    }) : () -> ()
    "tpu.region"() ({
      %run_scoped3A = tpu.sem_alloc : memref<!tpu.dma_semaphore, #tpu.memory_space<semaphore_mem>>
      %dma_start3A = arith.constant 0 : i32
      %dma_start3A_20 = tpu.memref_slice %arg6[%arg0, %mul3A_19, %dma_start3A] : memref<2x10112x16xf32, #tpu.memory_space<hbm>> -> memref<1x632x16xf32, #tpu.memory_space<hbm>>
      %dma_start3A_21 = tpu.memref_squeeze %dma_start3A_20 : memref<1x632x16xf32, #tpu.memory_space<hbm>> -> memref<632x16xf32, #tpu.memory_space<hbm>>
      %dma_start3A_22 = arith.constant 0 : i32
      %dma_start3A_23 = tpu.memref_slice %arg6[%arg0, %mul3A_19, %dma_start3A_22] : memref<2x10112x16xf32, #tpu.memory_space<hbm>> -> memref<1x632x16xf32, #tpu.memory_space<hbm>>
      %dma_start3A_24 = tpu.memref_squeeze %dma_start3A_23 : memref<1x632x16xf32, #tpu.memory_space<hbm>> -> memref<632x16xf32, #tpu.memory_space<hbm>>
      tpu.enqueue_dma source(%arg11 : memref<632x16xf32, #tpu.memory_space<vmem>>) target(%dma_start3A_24 : memref<632x16xf32, #tpu.memory_space<hbm>>) target_semaphore(%run_scoped3A : memref<!tpu.dma_semaphore, #tpu.memory_space<semaphore_mem>>)
      %dma_wait3A = arith.constant 0 : i32
      %dma_wait3A_25 = tpu.memref_slice %arg6[%arg0, %mul3A_19, %dma_wait3A] : memref<2x10112x16xf32, #tpu.memory_space<hbm>> -> memref<1x632x16xf32, #tpu.memory_space<hbm>>
      %dma_wait3A_26 = tpu.memref_squeeze %dma_wait3A_25 : memref<1x632x16xf32, #tpu.memory_space<hbm>> -> memref<632x16xf32, #tpu.memory_space<hbm>>
      %dma_wait3A_27 = arith.constant 0 : i32
      %dma_wait3A_28 = tpu.memref_slice %arg6[%arg0, %mul3A_19, %dma_wait3A_27] : memref<2x10112x16xf32, #tpu.memory_space<hbm>> -> memref<1x632x16xf32, #tpu.memory_space<hbm>>
      %dma_wait3A_29 = tpu.memref_squeeze %dma_wait3A_28 : memref<1x632x16xf32, #tpu.memory_space<hbm>> -> memref<632x16xf32, #tpu.memory_space<hbm>>
      tpu.wait_dma2 semaphore(%run_scoped3A : memref<!tpu.dma_semaphore, #tpu.memory_space<semaphore_mem>>) src(%arg11 : memref<632x16xf32, #tpu.memory_space<vmem>>) dst(%dma_wait3A_29 : memref<632x16xf32, #tpu.memory_space<hbm>>)
      tpu.yield
    }) : () -> ()
    return
  }
}

#map = affine_map<(d0, d1) -> (0, 0)>
#map1 = affine_map<(d0, d1) -> (0)>
#map2 = affine_map<(d0, d1) -> (0, 0, 0)>
module attributes {stable_mosaic.version = 14 : i64} {
  func.func @body(%arg0: i32, %arg1: i32, %arg2: memref<10112x16xf32, #tpu.memory_space<hbm>>, %arg3: memref<2560x128xi32, #tpu.memory_space<hbm>>, %arg4: memref<2560x128xi32, #tpu.memory_space<hbm>>, %arg5: memref<327680xf32, #tpu.memory_space<hbm>>, %arg6: memref<2x10112x16xf32, #tpu.memory_space<hbm>>, %arg7: memref<8x128xi32, #tpu.memory_space<vmem>>, %arg8: memref<8x128xi32, #tpu.memory_space<vmem>>, %arg9: memref<1024xf32, #tpu.memory_space<vmem>>, %arg10: memref<1024x16xf32, #tpu.memory_space<vmem>>, %arg11: memref<632x16xf32, #tpu.memory_space<vmem>>, %arg12: memref<10112x16xf32, #tpu.memory_space<vmem_shared>>, %arg13: memref<!tpu.dma_semaphore, #tpu.memory_space<semaphore_mem>>) attributes {dimension_semantics = [#tpu.dimension_semantics<core_parallel>, #tpu.dimension_semantics<subcore_parallel>], iteration_bounds = array<i64: 2, 16>, scalar_prefetch = 0 : i64, scratch_operands = 7 : i64, tpu.core_type = #tpu.core_type<sc_vector_subcore>, window_params = [{transform_indices = #map}, {transform_indices = #map}, {transform_indices = #map}, {transform_indices = #map1}, {transform_indices = #map2}]} {
    %mul3A = arith.constant 16 : i32
    %mul3A_0 = arith.muli %arg0, %mul3A : i32
    %add3A = arith.addi %mul3A_0, %arg1 : i32
    %broadcast_in_dim3A = arith.constant 0.000000e+00 : f32
    %broadcast_in_dim3A_1 = vector.broadcast %broadcast_in_dim3A : f32 to vector<16xf32>
    %scan3A = arith.constant 0 : i32
    %scan3A_2 = arith.constant 0 : i32
    %scan3A_3 = arith.constant 632 : i32
    %scan3A_4 = arith.addi %scan3A_2, %scan3A_3 : i32
    %scan3A_5 = arith.constant 1 : i32
    %scan3A_6 = scf.for %scan3A_20 = %scan3A_2 to %scan3A_4 step %scan3A_5 iter_args(%scan3A_21 = %scan3A) -> (i32)  : i32 {
      %swap3A = arith.index_cast %scan3A_20 : i32 to index
      %swap3A_22 = arith.constant 0 : index
      %swap3A_23 = tpu.vector_load %arg11[%swap3A, %swap3A_22] {strides = array<i32>} : memref<632x16xf32, #tpu.memory_space<vmem>>, vector<1x16xf32>,
      %swap3A_24 = vector.shape_cast %swap3A_23 : vector<1x16xf32> to vector<16xf32>
      %swap3A_25 = vector.shape_cast %broadcast_in_dim3A_1 : vector<16xf32> to vector<1x16xf32>
      tpu.vector_store %arg11[%swap3A, %swap3A_22], %swap3A_25 {strides = array<i32>} : memref<632x16xf32, #tpu.memory_space<vmem>>, vector<1x16xf32>,
      %scan3A_26 = arith.constant 0 : i32
      scf.yield %scan3A_26 : i32
    }
    %scan3A_7 = arith.constant 632 : i32
    %mul3A_8 = arith.constant 632 : i32
    %mul3A_9 = arith.muli %arg1, %mul3A_8 : i32
    "tpu.region"() ({
      %run_scoped3A = tpu.sem_alloc : memref<!tpu.dma_semaphore, #tpu.memory_space<semaphore_mem>>
      %dma_start3A = arith.constant 0 : i32
      %dma_start3A_20 = tpu.memref_slice %arg12[%mul3A_9, %dma_start3A] : memref<10112x16xf32, #tpu.memory_space<vmem_shared>> -> memref<632x16xf32, #tpu.memory_space<vmem_shared>>
      %dma_start3A_21 = arith.constant 0 : i32
      %dma_start3A_22 = tpu.memref_slice %arg12[%mul3A_9, %dma_start3A_21] : memref<10112x16xf32, #tpu.memory_space<vmem_shared>> -> memref<632x16xf32, #tpu.memory_space<vmem_shared>>
      tpu.enqueue_dma source(%arg11 : memref<632x16xf32, #tpu.memory_space<vmem>>) target(%dma_start3A_22 : memref<632x16xf32, #tpu.memory_space<vmem_shared>>) target_semaphore(%run_scoped3A : memref<!tpu.dma_semaphore, #tpu.memory_space<semaphore_mem>>)
      %dma_wait3A = arith.constant 0 : i32
      %dma_wait3A_23 = tpu.memref_slice %arg12[%mul3A_9, %dma_wait3A] : memref<10112x16xf32, #tpu.memory_space<vmem_shared>> -> memref<632x16xf32, #tpu.memory_space<vmem_shared>>
      %dma_wait3A_24 = arith.constant 0 : i32
      %dma_wait3A_25 = tpu.memref_slice %arg12[%mul3A_9, %dma_wait3A_24] : memref<10112x16xf32, #tpu.memory_space<vmem_shared>> -> memref<632x16xf32, #tpu.memory_space<vmem_shared>>
      tpu.wait_dma2 semaphore(%run_scoped3A : memref<!tpu.dma_semaphore, #tpu.memory_space<semaphore_mem>>) src(%arg11 : memref<632x16xf32, #tpu.memory_space<vmem>>) dst(%dma_wait3A_25 : memref<632x16xf32, #tpu.memory_space<vmem_shared>>)
      tpu.yield
    }) : () -> ()
    %barrier3A = arith.constant 0 : index
    tpu.barrier barrier_id(%barrier3A)
    %scan3A_10 = arith.constant 0 : i32
    %scan3A_11 = arith.constant 0 : i32
    %scan3A_12 = arith.constant 10 : i32
    %scan3A_13 = arith.addi %scan3A_11, %scan3A_12 : i32
    %scan3A_14 = arith.constant 1 : i32
    %scan3A_15 = scf.for %scan3A_20 = %scan3A_11 to %scan3A_13 step %scan3A_14 iter_args(%scan3A_21 = %scan3A_10) -> (i32)  : i32 {
      %mul3A_22 = arith.constant 10 : i32
      %mul3A_23 = arith.muli %add3A, %mul3A_22 : i32
      %add3A_24 = arith.addi %mul3A_23, %scan3A_20 : i32
      %mul3A_25 = arith.constant 8 : i32
      %mul3A_26 = arith.muli %add3A_24, %mul3A_25 : i32
      %mul3A_27 = arith.constant 10 : i32
      %mul3A_28 = arith.muli %add3A, %mul3A_27 : i32
      %add3A_29 = arith.addi %mul3A_28, %scan3A_20 : i32
      %mul3A_30 = arith.constant 1024 : i32
      %mul3A_31 = arith.muli %add3A_29, %mul3A_30 : i32
      "tpu.region"() ({
        %run_scoped3A_205 = tpu.sem_alloc : memref<!tpu.dma_semaphore, #tpu.memory_space<semaphore_mem>>
        %dma_start3A_206 = arith.constant 0 : i32
        %dma_start3A_207 = tpu.memref_slice %arg3[%mul3A_26, %dma_start3A_206] : memref<2560x128xi32, #tpu.memory_space<hbm>> -> memref<8x128xi32, #tpu.memory_space<hbm>>
        %dma_start3A_208 = arith.constant 0 : i32
        %dma_start3A_209 = tpu.memref_slice %arg3[%mul3A_26, %dma_start3A_208] : memref<2560x128xi32, #tpu.memory_space<hbm>> -> memref<8x128xi32, #tpu.memory_space<hbm>>
        tpu.enqueue_dma source(%dma_start3A_209 : memref<8x128xi32, #tpu.memory_space<hbm>>) target(%arg7 : memref<8x128xi32, #tpu.memory_space<vmem>>) target_semaphore(%run_scoped3A_205 : memref<!tpu.dma_semaphore, #tpu.memory_space<semaphore_mem>>)
        %dma_wait3A_210 = arith.constant 0 : i32
        %dma_wait3A_211 = tpu.memref_slice %arg3[%mul3A_26, %dma_wait3A_210] : memref<2560x128xi32, #tpu.memory_space<hbm>> -> memref<8x128xi32, #tpu.memory_space<hbm>>
        %dma_wait3A_212 = arith.constant 0 : i32
        %dma_wait3A_213 = tpu.memref_slice %arg3[%mul3A_26, %dma_wait3A_212] : memref<2560x128xi32, #tpu.memory_space<hbm>> -> memref<8x128xi32, #tpu.memory_space<hbm>>
        tpu.wait_dma2 semaphore(%run_scoped3A_205 : memref<!tpu.dma_semaphore, #tpu.memory_space<semaphore_mem>>) src(%dma_wait3A_213 : memref<8x128xi32, #tpu.memory_space<hbm>>) dst(%arg7 : memref<8x128xi32, #tpu.memory_space<vmem>>)
        tpu.yield
      }) : () -> ()
      "tpu.region"() ({
        %run_scoped3A_205 = tpu.sem_alloc : memref<!tpu.dma_semaphore, #tpu.memory_space<semaphore_mem>>
        %dma_start3A_206 = arith.constant 0 : i32
        %dma_start3A_207 = tpu.memref_slice %arg4[%mul3A_26, %dma_start3A_206] : memref<2560x128xi32, #tpu.memory_space<hbm>> -> memref<8x128xi32, #tpu.memory_space<hbm>>
        %dma_start3A_208 = arith.constant 0 : i32
        %dma_start3A_209 = tpu.memref_slice %arg4[%mul3A_26, %dma_start3A_208] : memref<2560x128xi32, #tpu.memory_space<hbm>> -> memref<8x128xi32, #tpu.memory_space<hbm>>
        tpu.enqueue_dma source(%dma_start3A_209 : memref<8x128xi32, #tpu.memory_space<hbm>>) target(%arg8 : memref<8x128xi32, #tpu.memory_space<vmem>>) target_semaphore(%run_scoped3A_205 : memref<!tpu.dma_semaphore, #tpu.memory_space<semaphore_mem>>)
        %dma_wait3A_210 = arith.constant 0 : i32
        %dma_wait3A_211 = tpu.memref_slice %arg4[%mul3A_26, %dma_wait3A_210] : memref<2560x128xi32, #tpu.memory_space<hbm>> -> memref<8x128xi32, #tpu.memory_space<hbm>>
        %dma_wait3A_212 = arith.constant 0 : i32
        %dma_wait3A_213 = tpu.memref_slice %arg4[%mul3A_26, %dma_wait3A_212] : memref<2560x128xi32, #tpu.memory_space<hbm>> -> memref<8x128xi32, #tpu.memory_space<hbm>>
        tpu.wait_dma2 semaphore(%run_scoped3A_205 : memref<!tpu.dma_semaphore, #tpu.memory_space<semaphore_mem>>) src(%dma_wait3A_213 : memref<8x128xi32, #tpu.memory_space<hbm>>) dst(%arg8 : memref<8x128xi32, #tpu.memory_space<vmem>>)
        tpu.yield
      }) : () -> ()
      "tpu.region"() ({
        %run_scoped3A_205 = tpu.sem_alloc : memref<!tpu.dma_semaphore, #tpu.memory_space<semaphore_mem>>
        %dma_start3A_206 = tpu.memref_slice %arg5[%mul3A_31] : memref<327680xf32, #tpu.memory_space<hbm>> -> memref<1024xf32, #tpu.memory_space<hbm>>
        %dma_start3A_207 = tpu.memref_slice %arg5[%mul3A_31] : memref<327680xf32, #tpu.memory_space<hbm>> -> memref<1024xf32, #tpu.memory_space<hbm>>
        tpu.enqueue_dma source(%dma_start3A_207 : memref<1024xf32, #tpu.memory_space<hbm>>) target(%arg9 : memref<1024xf32, #tpu.memory_space<vmem>>) target_semaphore(%run_scoped3A_205 : memref<!tpu.dma_semaphore, #tpu.memory_space<semaphore_mem>>)
        %dma_wait3A_208 = tpu.memref_slice %arg5[%mul3A_31] : memref<327680xf32, #tpu.memory_space<hbm>> -> memref<1024xf32, #tpu.memory_space<hbm>>
        %dma_wait3A_209 = tpu.memref_slice %arg5[%mul3A_31] : memref<327680xf32, #tpu.memory_space<hbm>> -> memref<1024xf32, #tpu.memory_space<hbm>>
        tpu.wait_dma2 semaphore(%run_scoped3A_205 : memref<!tpu.dma_semaphore, #tpu.memory_space<semaphore_mem>>) src(%dma_wait3A_209 : memref<1024xf32, #tpu.memory_space<hbm>>) dst(%arg9 : memref<1024xf32, #tpu.memory_space<vmem>>)
        tpu.yield
      }) : () -> ()
      %dma_start3A = arith.constant 0 : i32
      %dma_start3A_32 = arith.constant 0 : i32
      %dma_start3A_33 = arith.constant 0 : i32
      %dma_start3A_34 = tpu.memref_slice %arg10[%dma_start3A_32, %dma_start3A_33] : memref<1024x16xf32, #tpu.memory_space<vmem>> -> memref<128x16xf32, #tpu.memory_space<vmem>>
      %dma_start3A_35 = arith.constant 0 : i32
      %dma_start3A_36 = tpu.memref_slice %arg7[%dma_start3A, %dma_start3A_35] : memref<8x128xi32, #tpu.memory_space<vmem>> -> memref<1x128xi32, #tpu.memory_space<vmem>>
      %dma_start3A_37 = tpu.memref_squeeze %dma_start3A_36 : memref<1x128xi32, #tpu.memory_space<vmem>> -> memref<128xi32, #tpu.memory_space<vmem>>
      %dma_start3A_38 = arith.constant 0 : i32
      %dma_start3A_39 = arith.constant 0 : i32
      %dma_start3A_40 = tpu.memref_slice %arg2[%dma_start3A_38, %dma_start3A_39] : memref<10112x16xf32, #tpu.memory_space<hbm>> -> memref<10112x16xf32, #tpu.memory_space<hbm>>
      tpu.enqueue_indirect_dma source(%dma_start3A_40 : memref<10112x16xf32, #tpu.memory_space<hbm>>) target(%dma_start3A_34 : memref<128x16xf32, #tpu.memory_space<vmem>>) offsets(%dma_start3A_37 : memref<128xi32, #tpu.memory_space<vmem>>) semaphore(%arg13 : memref<!tpu.dma_semaphore, #tpu.memory_space<semaphore_mem>>)
      %dma_start3A_41 = arith.constant 1 : i32
      %dma_start3A_42 = arith.constant 128 : i32
      %dma_start3A_43 = arith.constant 0 : i32
      %dma_start3A_44 = tpu.memref_slice %arg10[%dma_start3A_42, %dma_start3A_43] : memref<1024x16xf32, #tpu.memory_space<vmem>> -> memref<128x16xf32, #tpu.memory_space<vmem>>
      %dma_start3A_45 = arith.constant 0 : i32
      %dma_start3A_46 = tpu.memref_slice %arg7[%dma_start3A_41, %dma_start3A_45] : memref<8x128xi32, #tpu.memory_space<vmem>> -> memref<1x128xi32, #tpu.memory_space<vmem>>
      %dma_start3A_47 = tpu.memref_squeeze %dma_start3A_46 : memref<1x128xi32, #tpu.memory_space<vmem>> -> memref<128xi32, #tpu.memory_space<vmem>>
      %dma_start3A_48 = arith.constant 0 : i32
      %dma_start3A_49 = arith.constant 0 : i32
      %dma_start3A_50 = tpu.memref_slice %arg2[%dma_start3A_48, %dma_start3A_49] : memref<10112x16xf32, #tpu.memory_space<hbm>> -> memref<10112x16xf32, #tpu.memory_space<hbm>>
      tpu.enqueue_indirect_dma source(%dma_start3A_50 : memref<10112x16xf32, #tpu.memory_space<hbm>>) target(%dma_start3A_44 : memref<128x16xf32, #tpu.memory_space<vmem>>) offsets(%dma_start3A_47 : memref<128xi32, #tpu.memory_space<vmem>>) semaphore(%arg13 : memref<!tpu.dma_semaphore, #tpu.memory_space<semaphore_mem>>)
      %dma_start3A_51 = arith.constant 2 : i32
      %dma_start3A_52 = arith.constant 256 : i32
      %dma_start3A_53 = arith.constant 0 : i32
      %dma_start3A_54 = tpu.memref_slice %arg10[%dma_start3A_52, %dma_start3A_53] : memref<1024x16xf32, #tpu.memory_space<vmem>> -> memref<128x16xf32, #tpu.memory_space<vmem>>
      %dma_start3A_55 = arith.constant 0 : i32
      %dma_start3A_56 = tpu.memref_slice %arg7[%dma_start3A_51, %dma_start3A_55] : memref<8x128xi32, #tpu.memory_space<vmem>> -> memref<1x128xi32, #tpu.memory_space<vmem>>
      %dma_start3A_57 = tpu.memref_squeeze %dma_start3A_56 : memref<1x128xi32, #tpu.memory_space<vmem>> -> memref<128xi32, #tpu.memory_space<vmem>>
      %dma_start3A_58 = arith.constant 0 : i32
      %dma_start3A_59 = arith.constant 0 : i32
      %dma_start3A_60 = tpu.memref_slice %arg2[%dma_start3A_58, %dma_start3A_59] : memref<10112x16xf32, #tpu.memory_space<hbm>> -> memref<10112x16xf32, #tpu.memory_space<hbm>>
      tpu.enqueue_indirect_dma source(%dma_start3A_60 : memref<10112x16xf32, #tpu.memory_space<hbm>>) target(%dma_start3A_54 : memref<128x16xf32, #tpu.memory_space<vmem>>) offsets(%dma_start3A_57 : memref<128xi32, #tpu.memory_space<vmem>>) semaphore(%arg13 : memref<!tpu.dma_semaphore, #tpu.memory_space<semaphore_mem>>)
      %dma_start3A_61 = arith.constant 3 : i32
      %dma_start3A_62 = arith.constant 384 : i32
      %dma_start3A_63 = arith.constant 0 : i32
      %dma_start3A_64 = tpu.memref_slice %arg10[%dma_start3A_62, %dma_start3A_63] : memref<1024x16xf32, #tpu.memory_space<vmem>> -> memref<128x16xf32, #tpu.memory_space<vmem>>
      %dma_start3A_65 = arith.constant 0 : i32
      %dma_start3A_66 = tpu.memref_slice %arg7[%dma_start3A_61, %dma_start3A_65] : memref<8x128xi32, #tpu.memory_space<vmem>> -> memref<1x128xi32, #tpu.memory_space<vmem>>
      %dma_start3A_67 = tpu.memref_squeeze %dma_start3A_66 : memref<1x128xi32, #tpu.memory_space<vmem>> -> memref<128xi32, #tpu.memory_space<vmem>>
      %dma_start3A_68 = arith.constant 0 : i32
      %dma_start3A_69 = arith.constant 0 : i32
      %dma_start3A_70 = tpu.memref_slice %arg2[%dma_start3A_68, %dma_start3A_69] : memref<10112x16xf32, #tpu.memory_space<hbm>> -> memref<10112x16xf32, #tpu.memory_space<hbm>>
      tpu.enqueue_indirect_dma source(%dma_start3A_70 : memref<10112x16xf32, #tpu.memory_space<hbm>>) target(%dma_start3A_64 : memref<128x16xf32, #tpu.memory_space<vmem>>) offsets(%dma_start3A_67 : memref<128xi32, #tpu.memory_space<vmem>>) semaphore(%arg13 : memref<!tpu.dma_semaphore, #tpu.memory_space<semaphore_mem>>)
      %dma_start3A_71 = arith.constant 4 : i32
      %dma_start3A_72 = arith.constant 512 : i32
      %dma_start3A_73 = arith.constant 0 : i32
      %dma_start3A_74 = tpu.memref_slice %arg10[%dma_start3A_72, %dma_start3A_73] : memref<1024x16xf32, #tpu.memory_space<vmem>> -> memref<128x16xf32, #tpu.memory_space<vmem>>
      %dma_start3A_75 = arith.constant 0 : i32
      %dma_start3A_76 = tpu.memref_slice %arg7[%dma_start3A_71, %dma_start3A_75] : memref<8x128xi32, #tpu.memory_space<vmem>> -> memref<1x128xi32, #tpu.memory_space<vmem>>
      %dma_start3A_77 = tpu.memref_squeeze %dma_start3A_76 : memref<1x128xi32, #tpu.memory_space<vmem>> -> memref<128xi32, #tpu.memory_space<vmem>>
      %dma_start3A_78 = arith.constant 0 : i32
      %dma_start3A_79 = arith.constant 0 : i32
      %dma_start3A_80 = tpu.memref_slice %arg2[%dma_start3A_78, %dma_start3A_79] : memref<10112x16xf32, #tpu.memory_space<hbm>> -> memref<10112x16xf32, #tpu.memory_space<hbm>>
      tpu.enqueue_indirect_dma source(%dma_start3A_80 : memref<10112x16xf32, #tpu.memory_space<hbm>>) target(%dma_start3A_74 : memref<128x16xf32, #tpu.memory_space<vmem>>) offsets(%dma_start3A_77 : memref<128xi32, #tpu.memory_space<vmem>>) semaphore(%arg13 : memref<!tpu.dma_semaphore, #tpu.memory_space<semaphore_mem>>)
      %dma_start3A_81 = arith.constant 5 : i32
      %dma_start3A_82 = arith.constant 640 : i32
      %dma_start3A_83 = arith.constant 0 : i32
      %dma_start3A_84 = tpu.memref_slice %arg10[%dma_start3A_82, %dma_start3A_83] : memref<1024x16xf32, #tpu.memory_space<vmem>> -> memref<128x16xf32, #tpu.memory_space<vmem>>
      %dma_start3A_85 = arith.constant 0 : i32
      %dma_start3A_86 = tpu.memref_slice %arg7[%dma_start3A_81, %dma_start3A_85] : memref<8x128xi32, #tpu.memory_space<vmem>> -> memref<1x128xi32, #tpu.memory_space<vmem>>
      %dma_start3A_87 = tpu.memref_squeeze %dma_start3A_86 : memref<1x128xi32, #tpu.memory_space<vmem>> -> memref<128xi32, #tpu.memory_space<vmem>>
      %dma_start3A_88 = arith.constant 0 : i32
      %dma_start3A_89 = arith.constant 0 : i32
      %dma_start3A_90 = tpu.memref_slice %arg2[%dma_start3A_88, %dma_start3A_89] : memref<10112x16xf32, #tpu.memory_space<hbm>> -> memref<10112x16xf32, #tpu.memory_space<hbm>>
      tpu.enqueue_indirect_dma source(%dma_start3A_90 : memref<10112x16xf32, #tpu.memory_space<hbm>>) target(%dma_start3A_84 : memref<128x16xf32, #tpu.memory_space<vmem>>) offsets(%dma_start3A_87 : memref<128xi32, #tpu.memory_space<vmem>>) semaphore(%arg13 : memref<!tpu.dma_semaphore, #tpu.memory_space<semaphore_mem>>)
      %dma_start3A_91 = arith.constant 6 : i32
      %dma_start3A_92 = arith.constant 768 : i32
      %dma_start3A_93 = arith.constant 0 : i32
      %dma_start3A_94 = tpu.memref_slice %arg10[%dma_start3A_92, %dma_start3A_93] : memref<1024x16xf32, #tpu.memory_space<vmem>> -> memref<128x16xf32, #tpu.memory_space<vmem>>
      %dma_start3A_95 = arith.constant 0 : i32
      %dma_start3A_96 = tpu.memref_slice %arg7[%dma_start3A_91, %dma_start3A_95] : memref<8x128xi32, #tpu.memory_space<vmem>> -> memref<1x128xi32, #tpu.memory_space<vmem>>
      %dma_start3A_97 = tpu.memref_squeeze %dma_start3A_96 : memref<1x128xi32, #tpu.memory_space<vmem>> -> memref<128xi32, #tpu.memory_space<vmem>>
      %dma_start3A_98 = arith.constant 0 : i32
      %dma_start3A_99 = arith.constant 0 : i32
      %dma_start3A_100 = tpu.memref_slice %arg2[%dma_start3A_98, %dma_start3A_99] : memref<10112x16xf32, #tpu.memory_space<hbm>> -> memref<10112x16xf32, #tpu.memory_space<hbm>>
      tpu.enqueue_indirect_dma source(%dma_start3A_100 : memref<10112x16xf32, #tpu.memory_space<hbm>>) target(%dma_start3A_94 : memref<128x16xf32, #tpu.memory_space<vmem>>) offsets(%dma_start3A_97 : memref<128xi32, #tpu.memory_space<vmem>>) semaphore(%arg13 : memref<!tpu.dma_semaphore, #tpu.memory_space<semaphore_mem>>)
      %dma_start3A_101 = arith.constant 7 : i32
      %dma_start3A_102 = arith.constant 896 : i32
      %dma_start3A_103 = arith.constant 0 : i32
      %dma_start3A_104 = tpu.memref_slice %arg10[%dma_start3A_102, %dma_start3A_103] : memref<1024x16xf32, #tpu.memory_space<vmem>> -> memref<128x16xf32, #tpu.memory_space<vmem>>
      %dma_start3A_105 = arith.constant 0 : i32
      %dma_start3A_106 = tpu.memref_slice %arg7[%dma_start3A_101, %dma_start3A_105] : memref<8x128xi32, #tpu.memory_space<vmem>> -> memref<1x128xi32, #tpu.memory_space<vmem>>
      %dma_start3A_107 = tpu.memref_squeeze %dma_start3A_106 : memref<1x128xi32, #tpu.memory_space<vmem>> -> memref<128xi32, #tpu.memory_space<vmem>>
      %dma_start3A_108 = arith.constant 0 : i32
      %dma_start3A_109 = arith.constant 0 : i32
      %dma_start3A_110 = tpu.memref_slice %arg2[%dma_start3A_108, %dma_start3A_109] : memref<10112x16xf32, #tpu.memory_space<hbm>> -> memref<10112x16xf32, #tpu.memory_space<hbm>>
      tpu.enqueue_indirect_dma source(%dma_start3A_110 : memref<10112x16xf32, #tpu.memory_space<hbm>>) target(%dma_start3A_104 : memref<128x16xf32, #tpu.memory_space<vmem>>) offsets(%dma_start3A_107 : memref<128xi32, #tpu.memory_space<vmem>>) semaphore(%arg13 : memref<!tpu.dma_semaphore, #tpu.memory_space<semaphore_mem>>)
      %dma_wait3A = arith.constant 0 : i32
      %dma_wait3A_111 = arith.constant 0 : i32
      %dma_wait3A_112 = arith.constant 0 : i32
      %dma_wait3A_113 = tpu.memref_slice %arg10[%dma_wait3A_111, %dma_wait3A_112] : memref<1024x16xf32, #tpu.memory_space<vmem>> -> memref<128x16xf32, #tpu.memory_space<vmem>>
      %dma_wait3A_114 = arith.constant 0 : i32
      %dma_wait3A_115 = tpu.memref_slice %arg7[%dma_wait3A, %dma_wait3A_114] : memref<8x128xi32, #tpu.memory_space<vmem>> -> memref<1x128xi32, #tpu.memory_space<vmem>>
      %dma_wait3A_116 = tpu.memref_squeeze %dma_wait3A_115 : memref<1x128xi32, #tpu.memory_space<vmem>> -> memref<128xi32, #tpu.memory_space<vmem>>
      %dma_wait3A_117 = arith.constant 0 : i32
      %dma_wait3A_118 = arith.constant 0 : i32
      %dma_wait3A_119 = tpu.memref_slice %arg2[%dma_wait3A_117, %dma_wait3A_118] : memref<10112x16xf32, #tpu.memory_space<hbm>> -> memref<10112x16xf32, #tpu.memory_space<hbm>>
      tpu.wait_indirect_dma semaphore(%arg13 : memref<!tpu.dma_semaphore, #tpu.memory_space<semaphore_mem>>) src(%dma_wait3A_119 : memref<10112x16xf32, #tpu.memory_space<hbm>>) dst(%dma_wait3A_113 : memref<128x16xf32, #tpu.memory_space<vmem>>)
      %dma_wait3A_120 = arith.constant 1 : i32
      %dma_wait3A_121 = arith.constant 128 : i32
      %dma_wait3A_122 = arith.constant 0 : i32
      %dma_wait3A_123 = tpu.memref_slice %arg10[%dma_wait3A_121, %dma_wait3A_122] : memref<1024x16xf32, #tpu.memory_space<vmem>> -> memref<128x16xf32, #tpu.memory_space<vmem>>
      %dma_wait3A_124 = arith.constant 0 : i32
      %dma_wait3A_125 = tpu.memref_slice %arg7[%dma_wait3A_120, %dma_wait3A_124] : memref<8x128xi32, #tpu.memory_space<vmem>> -> memref<1x128xi32, #tpu.memory_space<vmem>>
      %dma_wait3A_126 = tpu.memref_squeeze %dma_wait3A_125 : memref<1x128xi32, #tpu.memory_space<vmem>> -> memref<128xi32, #tpu.memory_space<vmem>>
      %dma_wait3A_127 = arith.constant 0 : i32
      %dma_wait3A_128 = arith.constant 0 : i32
      %dma_wait3A_129 = tpu.memref_slice %arg2[%dma_wait3A_127, %dma_wait3A_128] : memref<10112x16xf32, #tpu.memory_space<hbm>> -> memref<10112x16xf32, #tpu.memory_space<hbm>>
      tpu.wait_indirect_dma semaphore(%arg13 : memref<!tpu.dma_semaphore, #tpu.memory_space<semaphore_mem>>) src(%dma_wait3A_129 : memref<10112x16xf32, #tpu.memory_space<hbm>>) dst(%dma_wait3A_123 : memref<128x16xf32, #tpu.memory_space<vmem>>)
      %dma_wait3A_130 = arith.constant 2 : i32
      %dma_wait3A_131 = arith.constant 256 : i32
      %dma_wait3A_132 = arith.constant 0 : i32
      %dma_wait3A_133 = tpu.memref_slice %arg10[%dma_wait3A_131, %dma_wait3A_132] : memref<1024x16xf32, #tpu.memory_space<vmem>> -> memref<128x16xf32, #tpu.memory_space<vmem>>
      %dma_wait3A_134 = arith.constant 0 : i32
      %dma_wait3A_135 = tpu.memref_slice %arg7[%dma_wait3A_130, %dma_wait3A_134] : memref<8x128xi32, #tpu.memory_space<vmem>> -> memref<1x128xi32, #tpu.memory_space<vmem>>
      %dma_wait3A_136 = tpu.memref_squeeze %dma_wait3A_135 : memref<1x128xi32, #tpu.memory_space<vmem>> -> memref<128xi32, #tpu.memory_space<vmem>>
      %dma_wait3A_137 = arith.constant 0 : i32
      %dma_wait3A_138 = arith.constant 0 : i32
      %dma_wait3A_139 = tpu.memref_slice %arg2[%dma_wait3A_137, %dma_wait3A_138] : memref<10112x16xf32, #tpu.memory_space<hbm>> -> memref<10112x16xf32, #tpu.memory_space<hbm>>
      tpu.wait_indirect_dma semaphore(%arg13 : memref<!tpu.dma_semaphore, #tpu.memory_space<semaphore_mem>>) src(%dma_wait3A_139 : memref<10112x16xf32, #tpu.memory_space<hbm>>) dst(%dma_wait3A_133 : memref<128x16xf32, #tpu.memory_space<vmem>>)
      %dma_wait3A_140 = arith.constant 3 : i32
      %dma_wait3A_141 = arith.constant 384 : i32
      %dma_wait3A_142 = arith.constant 0 : i32
      %dma_wait3A_143 = tpu.memref_slice %arg10[%dma_wait3A_141, %dma_wait3A_142] : memref<1024x16xf32, #tpu.memory_space<vmem>> -> memref<128x16xf32, #tpu.memory_space<vmem>>
      %dma_wait3A_144 = arith.constant 0 : i32
      %dma_wait3A_145 = tpu.memref_slice %arg7[%dma_wait3A_140, %dma_wait3A_144] : memref<8x128xi32, #tpu.memory_space<vmem>> -> memref<1x128xi32, #tpu.memory_space<vmem>>
      %dma_wait3A_146 = tpu.memref_squeeze %dma_wait3A_145 : memref<1x128xi32, #tpu.memory_space<vmem>> -> memref<128xi32, #tpu.memory_space<vmem>>
      %dma_wait3A_147 = arith.constant 0 : i32
      %dma_wait3A_148 = arith.constant 0 : i32
      %dma_wait3A_149 = tpu.memref_slice %arg2[%dma_wait3A_147, %dma_wait3A_148] : memref<10112x16xf32, #tpu.memory_space<hbm>> -> memref<10112x16xf32, #tpu.memory_space<hbm>>
      tpu.wait_indirect_dma semaphore(%arg13 : memref<!tpu.dma_semaphore, #tpu.memory_space<semaphore_mem>>) src(%dma_wait3A_149 : memref<10112x16xf32, #tpu.memory_space<hbm>>) dst(%dma_wait3A_143 : memref<128x16xf32, #tpu.memory_space<vmem>>)
      %dma_wait3A_150 = arith.constant 4 : i32
      %dma_wait3A_151 = arith.constant 512 : i32
      %dma_wait3A_152 = arith.constant 0 : i32
      %dma_wait3A_153 = tpu.memref_slice %arg10[%dma_wait3A_151, %dma_wait3A_152] : memref<1024x16xf32, #tpu.memory_space<vmem>> -> memref<128x16xf32, #tpu.memory_space<vmem>>
      %dma_wait3A_154 = arith.constant 0 : i32
      %dma_wait3A_155 = tpu.memref_slice %arg7[%dma_wait3A_150, %dma_wait3A_154] : memref<8x128xi32, #tpu.memory_space<vmem>> -> memref<1x128xi32, #tpu.memory_space<vmem>>
      %dma_wait3A_156 = tpu.memref_squeeze %dma_wait3A_155 : memref<1x128xi32, #tpu.memory_space<vmem>> -> memref<128xi32, #tpu.memory_space<vmem>>
      %dma_wait3A_157 = arith.constant 0 : i32
      %dma_wait3A_158 = arith.constant 0 : i32
      %dma_wait3A_159 = tpu.memref_slice %arg2[%dma_wait3A_157, %dma_wait3A_158] : memref<10112x16xf32, #tpu.memory_space<hbm>> -> memref<10112x16xf32, #tpu.memory_space<hbm>>
      tpu.wait_indirect_dma semaphore(%arg13 : memref<!tpu.dma_semaphore, #tpu.memory_space<semaphore_mem>>) src(%dma_wait3A_159 : memref<10112x16xf32, #tpu.memory_space<hbm>>) dst(%dma_wait3A_153 : memref<128x16xf32, #tpu.memory_space<vmem>>)
      %dma_wait3A_160 = arith.constant 5 : i32
      %dma_wait3A_161 = arith.constant 640 : i32
      %dma_wait3A_162 = arith.constant 0 : i32
      %dma_wait3A_163 = tpu.memref_slice %arg10[%dma_wait3A_161, %dma_wait3A_162] : memref<1024x16xf32, #tpu.memory_space<vmem>> -> memref<128x16xf32, #tpu.memory_space<vmem>>
      %dma_wait3A_164 = arith.constant 0 : i32
      %dma_wait3A_165 = tpu.memref_slice %arg7[%dma_wait3A_160, %dma_wait3A_164] : memref<8x128xi32, #tpu.memory_space<vmem>> -> memref<1x128xi32, #tpu.memory_space<vmem>>
      %dma_wait3A_166 = tpu.memref_squeeze %dma_wait3A_165 : memref<1x128xi32, #tpu.memory_space<vmem>> -> memref<128xi32, #tpu.memory_space<vmem>>
      %dma_wait3A_167 = arith.constant 0 : i32
      %dma_wait3A_168 = arith.constant 0 : i32
      %dma_wait3A_169 = tpu.memref_slice %arg2[%dma_wait3A_167, %dma_wait3A_168] : memref<10112x16xf32, #tpu.memory_space<hbm>> -> memref<10112x16xf32, #tpu.memory_space<hbm>>
      tpu.wait_indirect_dma semaphore(%arg13 : memref<!tpu.dma_semaphore, #tpu.memory_space<semaphore_mem>>) src(%dma_wait3A_169 : memref<10112x16xf32, #tpu.memory_space<hbm>>) dst(%dma_wait3A_163 : memref<128x16xf32, #tpu.memory_space<vmem>>)
      %dma_wait3A_170 = arith.constant 6 : i32
      %dma_wait3A_171 = arith.constant 768 : i32
      %dma_wait3A_172 = arith.constant 0 : i32
      %dma_wait3A_173 = tpu.memref_slice %arg10[%dma_wait3A_171, %dma_wait3A_172] : memref<1024x16xf32, #tpu.memory_space<vmem>> -> memref<128x16xf32, #tpu.memory_space<vmem>>
      %dma_wait3A_174 = arith.constant 0 : i32
      %dma_wait3A_175 = tpu.memref_slice %arg7[%dma_wait3A_170, %dma_wait3A_174] : memref<8x128xi32, #tpu.memory_space<vmem>> -> memref<1x128xi32, #tpu.memory_space<vmem>>
      %dma_wait3A_176 = tpu.memref_squeeze %dma_wait3A_175 : memref<1x128xi32, #tpu.memory_space<vmem>> -> memref<128xi32, #tpu.memory_space<vmem>>
      %dma_wait3A_177 = arith.constant 0 : i32
      %dma_wait3A_178 = arith.constant 0 : i32
      %dma_wait3A_179 = tpu.memref_slice %arg2[%dma_wait3A_177, %dma_wait3A_178] : memref<10112x16xf32, #tpu.memory_space<hbm>> -> memref<10112x16xf32, #tpu.memory_space<hbm>>
      tpu.wait_indirect_dma semaphore(%arg13 : memref<!tpu.dma_semaphore, #tpu.memory_space<semaphore_mem>>) src(%dma_wait3A_179 : memref<10112x16xf32, #tpu.memory_space<hbm>>) dst(%dma_wait3A_173 : memref<128x16xf32, #tpu.memory_space<vmem>>)
      %dma_wait3A_180 = arith.constant 7 : i32
      %dma_wait3A_181 = arith.constant 896 : i32
      %dma_wait3A_182 = arith.constant 0 : i32
      %dma_wait3A_183 = tpu.memref_slice %arg10[%dma_wait3A_181, %dma_wait3A_182] : memref<1024x16xf32, #tpu.memory_space<vmem>> -> memref<128x16xf32, #tpu.memory_space<vmem>>
      %dma_wait3A_184 = arith.constant 0 : i32
      %dma_wait3A_185 = tpu.memref_slice %arg7[%dma_wait3A_180, %dma_wait3A_184] : memref<8x128xi32, #tpu.memory_space<vmem>> -> memref<1x128xi32, #tpu.memory_space<vmem>>
      %dma_wait3A_186 = tpu.memref_squeeze %dma_wait3A_185 : memref<1x128xi32, #tpu.memory_space<vmem>> -> memref<128xi32, #tpu.memory_space<vmem>>
      %dma_wait3A_187 = arith.constant 0 : i32
      %dma_wait3A_188 = arith.constant 0 : i32
      %dma_wait3A_189 = tpu.memref_slice %arg2[%dma_wait3A_187, %dma_wait3A_188] : memref<10112x16xf32, #tpu.memory_space<hbm>> -> memref<10112x16xf32, #tpu.memory_space<hbm>>
      tpu.wait_indirect_dma semaphore(%arg13 : memref<!tpu.dma_semaphore, #tpu.memory_space<semaphore_mem>>) src(%dma_wait3A_189 : memref<10112x16xf32, #tpu.memory_space<hbm>>) dst(%dma_wait3A_183 : memref<128x16xf32, #tpu.memory_space<vmem>>)
      %scan3A_190 = arith.constant 0 : i32
      %scan3A_191 = arith.constant 0 : i32
      %scan3A_192 = arith.constant 64 : i32
      %scan3A_193 = arith.addi %scan3A_191, %scan3A_192 : i32
      %scan3A_194 = arith.constant 1 : i32
      %scan3A_195 = scf.for %scan3A_205 = %scan3A_191 to %scan3A_193 step %scan3A_194 iter_args(%scan3A_206 = %scan3A_190) -> (i32)  : i32 {
        %mul3A_207 = arith.constant 16 : i32
        %mul3A_208 = arith.muli %scan3A_205, %mul3A_207 : i32
        %get3A = arith.index_cast %mul3A_208 : i32 to index
        %get3A_209 = tpu.vector_load %arg9[%get3A] {strides = array<i32>} : memref<1024xf32, #tpu.memory_space<vmem>>, vector<16xf32>,
        %get3A_210 = vector.shape_cast %get3A_209 : vector<16xf32> to vector<16xf32>
        %broadcast_in_dim3A_211 = arith.constant 0 : i32
        %broadcast_in_dim3A_212 = vector.broadcast %broadcast_in_dim3A_211 : i32 to vector<16x1xi32>
        %gather3A = vector.shape_cast %broadcast_in_dim3A_212 : vector<16x1xi32> to vector<16xi32>
        %gather3A_213 = tpu.dynamic_gather %get3A_210[%gather3A] in [0] : vector<16xf32>, vector<16xi32> -> vector<16xf32>
        %add3A_214 = arith.constant 0 : i32
        %add3A_215 = arith.addi %mul3A_208, %add3A_214 : i32
        %get3A_216 = arith.index_cast %add3A_215 : i32 to index
        %get3A_217 = arith.constant 0 : index
        %get3A_218 = tpu.vector_load %arg10[%get3A_216, %get3A_217] {strides = array<i32>} : memref<1024x16xf32, #tpu.memory_space<vmem>>, vector<1x16xf32>,
        %get3A_219 = vector.shape_cast %get3A_218 : vector<1x16xf32> to vector<16xf32>
        %mul3A_220 = arith.mulf %get3A_219, %gather3A_213 : vector<16xf32>
        %add3A_221 = arith.constant 0 : i32
        %add3A_222 = arith.addi %mul3A_208, %add3A_221 : i32
        %swap3A = arith.index_cast %add3A_222 : i32 to index
        %swap3A_223 = arith.constant 0 : index
        %swap3A_224 = tpu.vector_load %arg10[%swap3A, %swap3A_223] {strides = array<i32>} : memref<1024x16xf32, #tpu.memory_space<vmem>>, vector<1x16xf32>,
        %swap3A_225 = vector.shape_cast %swap3A_224 : vector<1x16xf32> to vector<16xf32>
        %swap3A_226 = vector.shape_cast %mul3A_220 : vector<16xf32> to vector<1x16xf32>
        tpu.vector_store %arg10[%swap3A, %swap3A_223], %swap3A_226 {strides = array<i32>} : memref<1024x16xf32, #tpu.memory_space<vmem>>, vector<1x16xf32>,
        %broadcast_in_dim3A_227 = arith.constant 1 : i32
        %broadcast_in_dim3A_228 = vector.broadcast %broadcast_in_dim3A_227 : i32 to vector<16x1xi32>
        %gather3A_229 = vector.shape_cast %broadcast_in_dim3A_228 : vector<16x1xi32> to vector<16xi32>
        %gather3A_230 = tpu.dynamic_gather %get3A_210[%gather3A_229] in [0] : vector<16xf32>, vector<16xi32> -> vector<16xf32>
        %add3A_231 = arith.constant 1 : i32
        %add3A_232 = arith.addi %mul3A_208, %add3A_231 : i32
        %get3A_233 = arith.index_cast %add3A_232 : i32 to index
        %get3A_234 = arith.constant 0 : index
        %get3A_235 = tpu.vector_load %arg10[%get3A_233, %get3A_234] {strides = array<i32>} : memref<1024x16xf32, #tpu.memory_space<vmem>>, vector<1x16xf32>,
        %get3A_236 = vector.shape_cast %get3A_235 : vector<1x16xf32> to vector<16xf32>
        %mul3A_237 = arith.mulf %get3A_236, %gather3A_230 : vector<16xf32>
        %add3A_238 = arith.constant 1 : i32
        %add3A_239 = arith.addi %mul3A_208, %add3A_238 : i32
        %swap3A_240 = arith.index_cast %add3A_239 : i32 to index
        %swap3A_241 = arith.constant 0 : index
        %swap3A_242 = tpu.vector_load %arg10[%swap3A_240, %swap3A_241] {strides = array<i32>} : memref<1024x16xf32, #tpu.memory_space<vmem>>, vector<1x16xf32>,
        %swap3A_243 = vector.shape_cast %swap3A_242 : vector<1x16xf32> to vector<16xf32>
        %swap3A_244 = vector.shape_cast %mul3A_237 : vector<16xf32> to vector<1x16xf32>
        tpu.vector_store %arg10[%swap3A_240, %swap3A_241], %swap3A_244 {strides = array<i32>} : memref<1024x16xf32, #tpu.memory_space<vmem>>, vector<1x16xf32>,
        %broadcast_in_dim3A_245 = arith.constant 2 : i32
        %broadcast_in_dim3A_246 = vector.broadcast %broadcast_in_dim3A_245 : i32 to vector<16x1xi32>
        %gather3A_247 = vector.shape_cast %broadcast_in_dim3A_246 : vector<16x1xi32> to vector<16xi32>
        %gather3A_248 = tpu.dynamic_gather %get3A_210[%gather3A_247] in [0] : vector<16xf32>, vector<16xi32> -> vector<16xf32>
        %add3A_249 = arith.constant 2 : i32
        %add3A_250 = arith.addi %mul3A_208, %add3A_249 : i32
        %get3A_251 = arith.index_cast %add3A_250 : i32 to index
        %get3A_252 = arith.constant 0 : index
        %get3A_253 = tpu.vector_load %arg10[%get3A_251, %get3A_252] {strides = array<i32>} : memref<1024x16xf32, #tpu.memory_space<vmem>>, vector<1x16xf32>,
        %get3A_254 = vector.shape_cast %get3A_253 : vector<1x16xf32> to vector<16xf32>
        %mul3A_255 = arith.mulf %get3A_254, %gather3A_248 : vector<16xf32>
        %add3A_256 = arith.constant 2 : i32
        %add3A_257 = arith.addi %mul3A_208, %add3A_256 : i32
        %swap3A_258 = arith.index_cast %add3A_257 : i32 to index
        %swap3A_259 = arith.constant 0 : index
        %swap3A_260 = tpu.vector_load %arg10[%swap3A_258, %swap3A_259] {strides = array<i32>} : memref<1024x16xf32, #tpu.memory_space<vmem>>, vector<1x16xf32>,
        %swap3A_261 = vector.shape_cast %swap3A_260 : vector<1x16xf32> to vector<16xf32>
        %swap3A_262 = vector.shape_cast %mul3A_255 : vector<16xf32> to vector<1x16xf32>
        tpu.vector_store %arg10[%swap3A_258, %swap3A_259], %swap3A_262 {strides = array<i32>} : memref<1024x16xf32, #tpu.memory_space<vmem>>, vector<1x16xf32>,
        %broadcast_in_dim3A_263 = arith.constant 3 : i32
        %broadcast_in_dim3A_264 = vector.broadcast %broadcast_in_dim3A_263 : i32 to vector<16x1xi32>
        %gather3A_265 = vector.shape_cast %broadcast_in_dim3A_264 : vector<16x1xi32> to vector<16xi32>
        %gather3A_266 = tpu.dynamic_gather %get3A_210[%gather3A_265] in [0] : vector<16xf32>, vector<16xi32> -> vector<16xf32>
        %add3A_267 = arith.constant 3 : i32
        %add3A_268 = arith.addi %mul3A_208, %add3A_267 : i32
        %get3A_269 = arith.index_cast %add3A_268 : i32 to index
        %get3A_270 = arith.constant 0 : index
        %get3A_271 = tpu.vector_load %arg10[%get3A_269, %get3A_270] {strides = array<i32>} : memref<1024x16xf32, #tpu.memory_space<vmem>>, vector<1x16xf32>,
        %get3A_272 = vector.shape_cast %get3A_271 : vector<1x16xf32> to vector<16xf32>
        %mul3A_273 = arith.mulf %get3A_272, %gather3A_266 : vector<16xf32>
        %add3A_274 = arith.constant 3 : i32
        %add3A_275 = arith.addi %mul3A_208, %add3A_274 : i32
        %swap3A_276 = arith.index_cast %add3A_275 : i32 to index
        %swap3A_277 = arith.constant 0 : index
        %swap3A_278 = tpu.vector_load %arg10[%swap3A_276, %swap3A_277] {strides = array<i32>} : memref<1024x16xf32, #tpu.memory_space<vmem>>, vector<1x16xf32>,
        %swap3A_279 = vector.shape_cast %swap3A_278 : vector<1x16xf32> to vector<16xf32>
        %swap3A_280 = vector.shape_cast %mul3A_273 : vector<16xf32> to vector<1x16xf32>
        tpu.vector_store %arg10[%swap3A_276, %swap3A_277], %swap3A_280 {strides = array<i32>} : memref<1024x16xf32, #tpu.memory_space<vmem>>, vector<1x16xf32>,
        %broadcast_in_dim3A_281 = arith.constant 4 : i32
        %broadcast_in_dim3A_282 = vector.broadcast %broadcast_in_dim3A_281 : i32 to vector<16x1xi32>
        %gather3A_283 = vector.shape_cast %broadcast_in_dim3A_282 : vector<16x1xi32> to vector<16xi32>
        %gather3A_284 = tpu.dynamic_gather %get3A_210[%gather3A_283] in [0] : vector<16xf32>, vector<16xi32> -> vector<16xf32>
        %add3A_285 = arith.constant 4 : i32
        %add3A_286 = arith.addi %mul3A_208, %add3A_285 : i32
        %get3A_287 = arith.index_cast %add3A_286 : i32 to index
        %get3A_288 = arith.constant 0 : index
        %get3A_289 = tpu.vector_load %arg10[%get3A_287, %get3A_288] {strides = array<i32>} : memref<1024x16xf32, #tpu.memory_space<vmem>>, vector<1x16xf32>,
        %get3A_290 = vector.shape_cast %get3A_289 : vector<1x16xf32> to vector<16xf32>
        %mul3A_291 = arith.mulf %get3A_290, %gather3A_284 : vector<16xf32>
        %add3A_292 = arith.constant 4 : i32
        %add3A_293 = arith.addi %mul3A_208, %add3A_292 : i32
        %swap3A_294 = arith.index_cast %add3A_293 : i32 to index
        %swap3A_295 = arith.constant 0 : index
        %swap3A_296 = tpu.vector_load %arg10[%swap3A_294, %swap3A_295] {strides = array<i32>} : memref<1024x16xf32, #tpu.memory_space<vmem>>, vector<1x16xf32>,
        %swap3A_297 = vector.shape_cast %swap3A_296 : vector<1x16xf32> to vector<16xf32>
        %swap3A_298 = vector.shape_cast %mul3A_291 : vector<16xf32> to vector<1x16xf32>
        tpu.vector_store %arg10[%swap3A_294, %swap3A_295], %swap3A_298 {strides = array<i32>} : memref<1024x16xf32, #tpu.memory_space<vmem>>, vector<1x16xf32>,
        %broadcast_in_dim3A_299 = arith.constant 5 : i32
        %broadcast_in_dim3A_300 = vector.broadcast %broadcast_in_dim3A_299 : i32 to vector<16x1xi32>
        %gather3A_301 = vector.shape_cast %broadcast_in_dim3A_300 : vector<16x1xi32> to vector<16xi32>
        %gather3A_302 = tpu.dynamic_gather %get3A_210[%gather3A_301] in [0] : vector<16xf32>, vector<16xi32> -> vector<16xf32>
        %add3A_303 = arith.constant 5 : i32
        %add3A_304 = arith.addi %mul3A_208, %add3A_303 : i32
        %get3A_305 = arith.index_cast %add3A_304 : i32 to index
        %get3A_306 = arith.constant 0 : index
        %get3A_307 = tpu.vector_load %arg10[%get3A_305, %get3A_306] {strides = array<i32>} : memref<1024x16xf32, #tpu.memory_space<vmem>>, vector<1x16xf32>,
        %get3A_308 = vector.shape_cast %get3A_307 : vector<1x16xf32> to vector<16xf32>
        %mul3A_309 = arith.mulf %get3A_308, %gather3A_302 : vector<16xf32>
        %add3A_310 = arith.constant 5 : i32
        %add3A_311 = arith.addi %mul3A_208, %add3A_310 : i32
        %swap3A_312 = arith.index_cast %add3A_311 : i32 to index
        %swap3A_313 = arith.constant 0 : index
        %swap3A_314 = tpu.vector_load %arg10[%swap3A_312, %swap3A_313] {strides = array<i32>} : memref<1024x16xf32, #tpu.memory_space<vmem>>, vector<1x16xf32>,
        %swap3A_315 = vector.shape_cast %swap3A_314 : vector<1x16xf32> to vector<16xf32>
        %swap3A_316 = vector.shape_cast %mul3A_309 : vector<16xf32> to vector<1x16xf32>
        tpu.vector_store %arg10[%swap3A_312, %swap3A_313], %swap3A_316 {strides = array<i32>} : memref<1024x16xf32, #tpu.memory_space<vmem>>, vector<1x16xf32>,
        %broadcast_in_dim3A_317 = arith.constant 6 : i32
        %broadcast_in_dim3A_318 = vector.broadcast %broadcast_in_dim3A_317 : i32 to vector<16x1xi32>
        %gather3A_319 = vector.shape_cast %broadcast_in_dim3A_318 : vector<16x1xi32> to vector<16xi32>
        %gather3A_320 = tpu.dynamic_gather %get3A_210[%gather3A_319] in [0] : vector<16xf32>, vector<16xi32> -> vector<16xf32>
        %add3A_321 = arith.constant 6 : i32
        %add3A_322 = arith.addi %mul3A_208, %add3A_321 : i32
        %get3A_323 = arith.index_cast %add3A_322 : i32 to index
        %get3A_324 = arith.constant 0 : index
        %get3A_325 = tpu.vector_load %arg10[%get3A_323, %get3A_324] {strides = array<i32>} : memref<1024x16xf32, #tpu.memory_space<vmem>>, vector<1x16xf32>,
        %get3A_326 = vector.shape_cast %get3A_325 : vector<1x16xf32> to vector<16xf32>
        %mul3A_327 = arith.mulf %get3A_326, %gather3A_320 : vector<16xf32>
        %add3A_328 = arith.constant 6 : i32
        %add3A_329 = arith.addi %mul3A_208, %add3A_328 : i32
        %swap3A_330 = arith.index_cast %add3A_329 : i32 to index
        %swap3A_331 = arith.constant 0 : index
        %swap3A_332 = tpu.vector_load %arg10[%swap3A_330, %swap3A_331] {strides = array<i32>} : memref<1024x16xf32, #tpu.memory_space<vmem>>, vector<1x16xf32>,
        %swap3A_333 = vector.shape_cast %swap3A_332 : vector<1x16xf32> to vector<16xf32>
        %swap3A_334 = vector.shape_cast %mul3A_327 : vector<16xf32> to vector<1x16xf32>
        tpu.vector_store %arg10[%swap3A_330, %swap3A_331], %swap3A_334 {strides = array<i32>} : memref<1024x16xf32, #tpu.memory_space<vmem>>, vector<1x16xf32>,
        %broadcast_in_dim3A_335 = arith.constant 7 : i32
        %broadcast_in_dim3A_336 = vector.broadcast %broadcast_in_dim3A_335 : i32 to vector<16x1xi32>
        %gather3A_337 = vector.shape_cast %broadcast_in_dim3A_336 : vector<16x1xi32> to vector<16xi32>
        %gather3A_338 = tpu.dynamic_gather %get3A_210[%gather3A_337] in [0] : vector<16xf32>, vector<16xi32> -> vector<16xf32>
        %add3A_339 = arith.constant 7 : i32
        %add3A_340 = arith.addi %mul3A_208, %add3A_339 : i32
        %get3A_341 = arith.index_cast %add3A_340 : i32 to index
        %get3A_342 = arith.constant 0 : index
        %get3A_343 = tpu.vector_load %arg10[%get3A_341, %get3A_342] {strides = array<i32>} : memref<1024x16xf32, #tpu.memory_space<vmem>>, vector<1x16xf32>,
        %get3A_344 = vector.shape_cast %get3A_343 : vector<1x16xf32> to vector<16xf32>
        %mul3A_345 = arith.mulf %get3A_344, %gather3A_338 : vector<16xf32>
        %add3A_346 = arith.constant 7 : i32
        %add3A_347 = arith.addi %mul3A_208, %add3A_346 : i32
        %swap3A_348 = arith.index_cast %add3A_347 : i32 to index
        %swap3A_349 = arith.constant 0 : index
        %swap3A_350 = tpu.vector_load %arg10[%swap3A_348, %swap3A_349] {strides = array<i32>} : memref<1024x16xf32, #tpu.memory_space<vmem>>, vector<1x16xf32>,
        %swap3A_351 = vector.shape_cast %swap3A_350 : vector<1x16xf32> to vector<16xf32>
        %swap3A_352 = vector.shape_cast %mul3A_345 : vector<16xf32> to vector<1x16xf32>
        tpu.vector_store %arg10[%swap3A_348, %swap3A_349], %swap3A_352 {strides = array<i32>} : memref<1024x16xf32, #tpu.memory_space<vmem>>, vector<1x16xf32>,
        %broadcast_in_dim3A_353 = arith.constant 8 : i32
        %broadcast_in_dim3A_354 = vector.broadcast %broadcast_in_dim3A_353 : i32 to vector<16x1xi32>
        %gather3A_355 = vector.shape_cast %broadcast_in_dim3A_354 : vector<16x1xi32> to vector<16xi32>
        %gather3A_356 = tpu.dynamic_gather %get3A_210[%gather3A_355] in [0] : vector<16xf32>, vector<16xi32> -> vector<16xf32>
        %add3A_357 = arith.constant 8 : i32
        %add3A_358 = arith.addi %mul3A_208, %add3A_357 : i32
        %get3A_359 = arith.index_cast %add3A_358 : i32 to index
        %get3A_360 = arith.constant 0 : index
        %get3A_361 = tpu.vector_load %arg10[%get3A_359, %get3A_360] {strides = array<i32>} : memref<1024x16xf32, #tpu.memory_space<vmem>>, vector<1x16xf32>,
        %get3A_362 = vector.shape_cast %get3A_361 : vector<1x16xf32> to vector<16xf32>
        %mul3A_363 = arith.mulf %get3A_362, %gather3A_356 : vector<16xf32>
        %add3A_364 = arith.constant 8 : i32
        %add3A_365 = arith.addi %mul3A_208, %add3A_364 : i32
        %swap3A_366 = arith.index_cast %add3A_365 : i32 to index
        %swap3A_367 = arith.constant 0 : index
        %swap3A_368 = tpu.vector_load %arg10[%swap3A_366, %swap3A_367] {strides = array<i32>} : memref<1024x16xf32, #tpu.memory_space<vmem>>, vector<1x16xf32>,
        %swap3A_369 = vector.shape_cast %swap3A_368 : vector<1x16xf32> to vector<16xf32>
        %swap3A_370 = vector.shape_cast %mul3A_363 : vector<16xf32> to vector<1x16xf32>
        tpu.vector_store %arg10[%swap3A_366, %swap3A_367], %swap3A_370 {strides = array<i32>} : memref<1024x16xf32, #tpu.memory_space<vmem>>, vector<1x16xf32>,
        %broadcast_in_dim3A_371 = arith.constant 9 : i32
        %broadcast_in_dim3A_372 = vector.broadcast %broadcast_in_dim3A_371 : i32 to vector<16x1xi32>
        %gather3A_373 = vector.shape_cast %broadcast_in_dim3A_372 : vector<16x1xi32> to vector<16xi32>
        %gather3A_374 = tpu.dynamic_gather %get3A_210[%gather3A_373] in [0] : vector<16xf32>, vector<16xi32> -> vector<16xf32>
        %add3A_375 = arith.constant 9 : i32
        %add3A_376 = arith.addi %mul3A_208, %add3A_375 : i32
        %get3A_377 = arith.index_cast %add3A_376 : i32 to index
        %get3A_378 = arith.constant 0 : index
        %get3A_379 = tpu.vector_load %arg10[%get3A_377, %get3A_378] {strides = array<i32>} : memref<1024x16xf32, #tpu.memory_space<vmem>>, vector<1x16xf32>,
        %get3A_380 = vector.shape_cast %get3A_379 : vector<1x16xf32> to vector<16xf32>
        %mul3A_381 = arith.mulf %get3A_380, %gather3A_374 : vector<16xf32>
        %add3A_382 = arith.constant 9 : i32
        %add3A_383 = arith.addi %mul3A_208, %add3A_382 : i32
        %swap3A_384 = arith.index_cast %add3A_383 : i32 to index
        %swap3A_385 = arith.constant 0 : index
        %swap3A_386 = tpu.vector_load %arg10[%swap3A_384, %swap3A_385] {strides = array<i32>} : memref<1024x16xf32, #tpu.memory_space<vmem>>, vector<1x16xf32>,
        %swap3A_387 = vector.shape_cast %swap3A_386 : vector<1x16xf32> to vector<16xf32>
        %swap3A_388 = vector.shape_cast %mul3A_381 : vector<16xf32> to vector<1x16xf32>
        tpu.vector_store %arg10[%swap3A_384, %swap3A_385], %swap3A_388 {strides = array<i32>} : memref<1024x16xf32, #tpu.memory_space<vmem>>, vector<1x16xf32>,
        %broadcast_in_dim3A_389 = arith.constant 10 : i32
        %broadcast_in_dim3A_390 = vector.broadcast %broadcast_in_dim3A_389 : i32 to vector<16x1xi32>
        %gather3A_391 = vector.shape_cast %broadcast_in_dim3A_390 : vector<16x1xi32> to vector<16xi32>
        %gather3A_392 = tpu.dynamic_gather %get3A_210[%gather3A_391] in [0] : vector<16xf32>, vector<16xi32> -> vector<16xf32>
        %add3A_393 = arith.constant 10 : i32
        %add3A_394 = arith.addi %mul3A_208, %add3A_393 : i32
        %get3A_395 = arith.index_cast %add3A_394 : i32 to index
        %get3A_396 = arith.constant 0 : index
        %get3A_397 = tpu.vector_load %arg10[%get3A_395, %get3A_396] {strides = array<i32>} : memref<1024x16xf32, #tpu.memory_space<vmem>>, vector<1x16xf32>,
        %get3A_398 = vector.shape_cast %get3A_397 : vector<1x16xf32> to vector<16xf32>
        %mul3A_399 = arith.mulf %get3A_398, %gather3A_392 : vector<16xf32>
        %add3A_400 = arith.constant 10 : i32
        %add3A_401 = arith.addi %mul3A_208, %add3A_400 : i32
        %swap3A_402 = arith.index_cast %add3A_401 : i32 to index
        %swap3A_403 = arith.constant 0 : index
        %swap3A_404 = tpu.vector_load %arg10[%swap3A_402, %swap3A_403] {strides = array<i32>} : memref<1024x16xf32, #tpu.memory_space<vmem>>, vector<1x16xf32>,
        %swap3A_405 = vector.shape_cast %swap3A_404 : vector<1x16xf32> to vector<16xf32>
        %swap3A_406 = vector.shape_cast %mul3A_399 : vector<16xf32> to vector<1x16xf32>
        tpu.vector_store %arg10[%swap3A_402, %swap3A_403], %swap3A_406 {strides = array<i32>} : memref<1024x16xf32, #tpu.memory_space<vmem>>, vector<1x16xf32>,
        %broadcast_in_dim3A_407 = arith.constant 11 : i32
        %broadcast_in_dim3A_408 = vector.broadcast %broadcast_in_dim3A_407 : i32 to vector<16x1xi32>
        %gather3A_409 = vector.shape_cast %broadcast_in_dim3A_408 : vector<16x1xi32> to vector<16xi32>
        %gather3A_410 = tpu.dynamic_gather %get3A_210[%gather3A_409] in [0] : vector<16xf32>, vector<16xi32> -> vector<16xf32>
        %add3A_411 = arith.constant 11 : i32
        %add3A_412 = arith.addi %mul3A_208, %add3A_411 : i32
        %get3A_413 = arith.index_cast %add3A_412 : i32 to index
        %get3A_414 = arith.constant 0 : index
        %get3A_415 = tpu.vector_load %arg10[%get3A_413, %get3A_414] {strides = array<i32>} : memref<1024x16xf32, #tpu.memory_space<vmem>>, vector<1x16xf32>,
        %get3A_416 = vector.shape_cast %get3A_415 : vector<1x16xf32> to vector<16xf32>
        %mul3A_417 = arith.mulf %get3A_416, %gather3A_410 : vector<16xf32>
        %add3A_418 = arith.constant 11 : i32
        %add3A_419 = arith.addi %mul3A_208, %add3A_418 : i32
        %swap3A_420 = arith.index_cast %add3A_419 : i32 to index
        %swap3A_421 = arith.constant 0 : index
        %swap3A_422 = tpu.vector_load %arg10[%swap3A_420, %swap3A_421] {strides = array<i32>} : memref<1024x16xf32, #tpu.memory_space<vmem>>, vector<1x16xf32>,
        %swap3A_423 = vector.shape_cast %swap3A_422 : vector<1x16xf32> to vector<16xf32>
        %swap3A_424 = vector.shape_cast %mul3A_417 : vector<16xf32> to vector<1x16xf32>
        tpu.vector_store %arg10[%swap3A_420, %swap3A_421], %swap3A_424 {strides = array<i32>} : memref<1024x16xf32, #tpu.memory_space<vmem>>, vector<1x16xf32>,
        %broadcast_in_dim3A_425 = arith.constant 12 : i32
        %broadcast_in_dim3A_426 = vector.broadcast %broadcast_in_dim3A_425 : i32 to vector<16x1xi32>
        %gather3A_427 = vector.shape_cast %broadcast_in_dim3A_426 : vector<16x1xi32> to vector<16xi32>
        %gather3A_428 = tpu.dynamic_gather %get3A_210[%gather3A_427] in [0] : vector<16xf32>, vector<16xi32> -> vector<16xf32>
        %add3A_429 = arith.constant 12 : i32
        %add3A_430 = arith.addi %mul3A_208, %add3A_429 : i32
        %get3A_431 = arith.index_cast %add3A_430 : i32 to index
        %get3A_432 = arith.constant 0 : index
        %get3A_433 = tpu.vector_load %arg10[%get3A_431, %get3A_432] {strides = array<i32>} : memref<1024x16xf32, #tpu.memory_space<vmem>>, vector<1x16xf32>,
        %get3A_434 = vector.shape_cast %get3A_433 : vector<1x16xf32> to vector<16xf32>
        %mul3A_435 = arith.mulf %get3A_434, %gather3A_428 : vector<16xf32>
        %add3A_436 = arith.constant 12 : i32
        %add3A_437 = arith.addi %mul3A_208, %add3A_436 : i32
        %swap3A_438 = arith.index_cast %add3A_437 : i32 to index
        %swap3A_439 = arith.constant 0 : index
        %swap3A_440 = tpu.vector_load %arg10[%swap3A_438, %swap3A_439] {strides = array<i32>} : memref<1024x16xf32, #tpu.memory_space<vmem>>, vector<1x16xf32>,
        %swap3A_441 = vector.shape_cast %swap3A_440 : vector<1x16xf32> to vector<16xf32>
        %swap3A_442 = vector.shape_cast %mul3A_435 : vector<16xf32> to vector<1x16xf32>
        tpu.vector_store %arg10[%swap3A_438, %swap3A_439], %swap3A_442 {strides = array<i32>} : memref<1024x16xf32, #tpu.memory_space<vmem>>, vector<1x16xf32>,
        %broadcast_in_dim3A_443 = arith.constant 13 : i32
        %broadcast_in_dim3A_444 = vector.broadcast %broadcast_in_dim3A_443 : i32 to vector<16x1xi32>
        %gather3A_445 = vector.shape_cast %broadcast_in_dim3A_444 : vector<16x1xi32> to vector<16xi32>
        %gather3A_446 = tpu.dynamic_gather %get3A_210[%gather3A_445] in [0] : vector<16xf32>, vector<16xi32> -> vector<16xf32>
        %add3A_447 = arith.constant 13 : i32
        %add3A_448 = arith.addi %mul3A_208, %add3A_447 : i32
        %get3A_449 = arith.index_cast %add3A_448 : i32 to index
        %get3A_450 = arith.constant 0 : index
        %get3A_451 = tpu.vector_load %arg10[%get3A_449, %get3A_450] {strides = array<i32>} : memref<1024x16xf32, #tpu.memory_space<vmem>>, vector<1x16xf32>,
        %get3A_452 = vector.shape_cast %get3A_451 : vector<1x16xf32> to vector<16xf32>
        %mul3A_453 = arith.mulf %get3A_452, %gather3A_446 : vector<16xf32>
        %add3A_454 = arith.constant 13 : i32
        %add3A_455 = arith.addi %mul3A_208, %add3A_454 : i32
        %swap3A_456 = arith.index_cast %add3A_455 : i32 to index
        %swap3A_457 = arith.constant 0 : index
        %swap3A_458 = tpu.vector_load %arg10[%swap3A_456, %swap3A_457] {strides = array<i32>} : memref<1024x16xf32, #tpu.memory_space<vmem>>, vector<1x16xf32>,
        %swap3A_459 = vector.shape_cast %swap3A_458 : vector<1x16xf32> to vector<16xf32>
        %swap3A_460 = vector.shape_cast %mul3A_453 : vector<16xf32> to vector<1x16xf32>
        tpu.vector_store %arg10[%swap3A_456, %swap3A_457], %swap3A_460 {strides = array<i32>} : memref<1024x16xf32, #tpu.memory_space<vmem>>, vector<1x16xf32>,
        %broadcast_in_dim3A_461 = arith.constant 14 : i32
        %broadcast_in_dim3A_462 = vector.broadcast %broadcast_in_dim3A_461 : i32 to vector<16x1xi32>
        %gather3A_463 = vector.shape_cast %broadcast_in_dim3A_462 : vector<16x1xi32> to vector<16xi32>
        %gather3A_464 = tpu.dynamic_gather %get3A_210[%gather3A_463] in [0] : vector<16xf32>, vector<16xi32> -> vector<16xf32>
        %add3A_465 = arith.constant 14 : i32
        %add3A_466 = arith.addi %mul3A_208, %add3A_465 : i32
        %get3A_467 = arith.index_cast %add3A_466 : i32 to index
        %get3A_468 = arith.constant 0 : index
        %get3A_469 = tpu.vector_load %arg10[%get3A_467, %get3A_468] {strides = array<i32>} : memref<1024x16xf32, #tpu.memory_space<vmem>>, vector<1x16xf32>,
        %get3A_470 = vector.shape_cast %get3A_469 : vector<1x16xf32> to vector<16xf32>
        %mul3A_471 = arith.mulf %get3A_470, %gather3A_464 : vector<16xf32>
        %add3A_472 = arith.constant 14 : i32
        %add3A_473 = arith.addi %mul3A_208, %add3A_472 : i32
        %swap3A_474 = arith.index_cast %add3A_473 : i32 to index
        %swap3A_475 = arith.constant 0 : index
        %swap3A_476 = tpu.vector_load %arg10[%swap3A_474, %swap3A_475] {strides = array<i32>} : memref<1024x16xf32, #tpu.memory_space<vmem>>, vector<1x16xf32>,
        %swap3A_477 = vector.shape_cast %swap3A_476 : vector<1x16xf32> to vector<16xf32>
        %swap3A_478 = vector.shape_cast %mul3A_471 : vector<16xf32> to vector<1x16xf32>
        tpu.vector_store %arg10[%swap3A_474, %swap3A_475], %swap3A_478 {strides = array<i32>} : memref<1024x16xf32, #tpu.memory_space<vmem>>, vector<1x16xf32>,
        %broadcast_in_dim3A_479 = arith.constant 15 : i32
        %broadcast_in_dim3A_480 = vector.broadcast %broadcast_in_dim3A_479 : i32 to vector<16x1xi32>
        %gather3A_481 = vector.shape_cast %broadcast_in_dim3A_480 : vector<16x1xi32> to vector<16xi32>
        %gather3A_482 = tpu.dynamic_gather %get3A_210[%gather3A_481] in [0] : vector<16xf32>, vector<16xi32> -> vector<16xf32>
        %add3A_483 = arith.constant 15 : i32
        %add3A_484 = arith.addi %mul3A_208, %add3A_483 : i32
        %get3A_485 = arith.index_cast %add3A_484 : i32 to index
        %get3A_486 = arith.constant 0 : index
        %get3A_487 = tpu.vector_load %arg10[%get3A_485, %get3A_486] {strides = array<i32>} : memref<1024x16xf32, #tpu.memory_space<vmem>>, vector<1x16xf32>,
        %get3A_488 = vector.shape_cast %get3A_487 : vector<1x16xf32> to vector<16xf32>
        %mul3A_489 = arith.mulf %get3A_488, %gather3A_482 : vector<16xf32>
        %add3A_490 = arith.constant 15 : i32
        %add3A_491 = arith.addi %mul3A_208, %add3A_490 : i32
        %swap3A_492 = arith.index_cast %add3A_491 : i32 to index
        %swap3A_493 = arith.constant 0 : index
        %swap3A_494 = tpu.vector_load %arg10[%swap3A_492, %swap3A_493] {strides = array<i32>} : memref<1024x16xf32, #tpu.memory_space<vmem>>, vector<1x16xf32>,
        %swap3A_495 = vector.shape_cast %swap3A_494 : vector<1x16xf32> to vector<16xf32>
        %swap3A_496 = vector.shape_cast %mul3A_489 : vector<16xf32> to vector<1x16xf32>
        tpu.vector_store %arg10[%swap3A_492, %swap3A_493], %swap3A_496 {strides = array<i32>} : memref<1024x16xf32, #tpu.memory_space<vmem>>, vector<1x16xf32>,
        %scan3A_497 = arith.constant 0 : i32
        scf.yield %scan3A_497 : i32
      }
      %scan3A_196 = arith.constant 64 : i32
      %run_scoped3A = arith.constant 0 : i32
      "tpu.region"() ({
        %run_scoped3A_205 = tpu.sem_alloc : memref<!tpu.dma_semaphore, #tpu.memory_space<semaphore_mem>>
        %dma_start3A_206 = arith.constant 0 : i32
        %dma_start3A_207 = arith.constant 0 : i32
        %dma_start3A_208 = tpu.memref_slice %arg10[%dma_start3A_206, %dma_start3A_207] : memref<1024x16xf32, #tpu.memory_space<vmem>> -> memref<128x16xf32, #tpu.memory_space<vmem>>
        %dma_start3A_209 = arith.constant 0 : i32
        %dma_start3A_210 = tpu.memref_slice %arg8[%run_scoped3A, %dma_start3A_209] : memref<8x128xi32, #tpu.memory_space<vmem>> -> memref<1x128xi32, #tpu.memory_space<vmem>>
        %dma_start3A_211 = tpu.memref_squeeze %dma_start3A_210 : memref<1x128xi32, #tpu.memory_space<vmem>> -> memref<128xi32, #tpu.memory_space<vmem>>
        %dma_start3A_212 = arith.constant 0 : i32
        %dma_start3A_213 = arith.constant 0 : i32
        %dma_start3A_214 = tpu.memref_slice %arg12[%dma_start3A_212, %dma_start3A_213] : memref<10112x16xf32, #tpu.memory_space<vmem_shared>> -> memref<10112x16xf32, #tpu.memory_space<vmem_shared>>
        tpu.enqueue_indirect_dma source(%dma_start3A_208 : memref<128x16xf32, #tpu.memory_space<vmem>>) target(%dma_start3A_214 : memref<10112x16xf32, #tpu.memory_space<vmem_shared>>) offsets(%dma_start3A_211 : memref<128xi32, #tpu.memory_space<vmem>>) semaphore(%run_scoped3A_205 : memref<!tpu.dma_semaphore, #tpu.memory_space<semaphore_mem>>) {add = true}
        %dma_wait3A_215 = arith.constant 0 : i32
        %dma_wait3A_216 = arith.constant 0 : i32
        %dma_wait3A_217 = tpu.memref_slice %arg10[%dma_wait3A_215, %dma_wait3A_216] : memref<1024x16xf32, #tpu.memory_space<vmem>> -> memref<128x16xf32, #tpu.memory_space<vmem>>
        %dma_wait3A_218 = arith.constant 0 : i32
        %dma_wait3A_219 = tpu.memref_slice %arg8[%run_scoped3A, %dma_wait3A_218] : memref<8x128xi32, #tpu.memory_space<vmem>> -> memref<1x128xi32, #tpu.memory_space<vmem>>
        %dma_wait3A_220 = tpu.memref_squeeze %dma_wait3A_219 : memref<1x128xi32, #tpu.memory_space<vmem>> -> memref<128xi32, #tpu.memory_space<vmem>>
        %dma_wait3A_221 = arith.constant 0 : i32
        %dma_wait3A_222 = arith.constant 0 : i32
        %dma_wait3A_223 = tpu.memref_slice %arg12[%dma_wait3A_221, %dma_wait3A_222] : memref<10112x16xf32, #tpu.memory_space<vmem_shared>> -> memref<10112x16xf32, #tpu.memory_space<vmem_shared>>
        tpu.wait_indirect_dma semaphore(%run_scoped3A_205 : memref<!tpu.dma_semaphore, #tpu.memory_space<semaphore_mem>>) src(%dma_wait3A_217 : memref<128x16xf32, #tpu.memory_space<vmem>>) dst(%dma_wait3A_223 : memref<10112x16xf32, #tpu.memory_space<vmem_shared>>)
        tpu.yield
      }) : () -> ()
      %run_scoped3A_197 = arith.constant 1 : i32
      "tpu.region"() ({
        %run_scoped3A_205 = tpu.sem_alloc : memref<!tpu.dma_semaphore, #tpu.memory_space<semaphore_mem>>
        %dma_start3A_206 = arith.constant 128 : i32
        %dma_start3A_207 = arith.constant 0 : i32
        %dma_start3A_208 = tpu.memref_slice %arg10[%dma_start3A_206, %dma_start3A_207] : memref<1024x16xf32, #tpu.memory_space<vmem>> -> memref<128x16xf32, #tpu.memory_space<vmem>>
        %dma_start3A_209 = arith.constant 0 : i32
        %dma_start3A_210 = tpu.memref_slice %arg8[%run_scoped3A_197, %dma_start3A_209] : memref<8x128xi32, #tpu.memory_space<vmem>> -> memref<1x128xi32, #tpu.memory_space<vmem>>
        %dma_start3A_211 = tpu.memref_squeeze %dma_start3A_210 : memref<1x128xi32, #tpu.memory_space<vmem>> -> memref<128xi32, #tpu.memory_space<vmem>>
        %dma_start3A_212 = arith.constant 0 : i32
        %dma_start3A_213 = arith.constant 0 : i32
        %dma_start3A_214 = tpu.memref_slice %arg12[%dma_start3A_212, %dma_start3A_213] : memref<10112x16xf32, #tpu.memory_space<vmem_shared>> -> memref<10112x16xf32, #tpu.memory_space<vmem_shared>>
        tpu.enqueue_indirect_dma source(%dma_start3A_208 : memref<128x16xf32, #tpu.memory_space<vmem>>) target(%dma_start3A_214 : memref<10112x16xf32, #tpu.memory_space<vmem_shared>>) offsets(%dma_start3A_211 : memref<128xi32, #tpu.memory_space<vmem>>) semaphore(%run_scoped3A_205 : memref<!tpu.dma_semaphore, #tpu.memory_space<semaphore_mem>>) {add = true}
        %dma_wait3A_215 = arith.constant 128 : i32
        %dma_wait3A_216 = arith.constant 0 : i32
        %dma_wait3A_217 = tpu.memref_slice %arg10[%dma_wait3A_215, %dma_wait3A_216] : memref<1024x16xf32, #tpu.memory_space<vmem>> -> memref<128x16xf32, #tpu.memory_space<vmem>>
        %dma_wait3A_218 = arith.constant 0 : i32
        %dma_wait3A_219 = tpu.memref_slice %arg8[%run_scoped3A_197, %dma_wait3A_218] : memref<8x128xi32, #tpu.memory_space<vmem>> -> memref<1x128xi32, #tpu.memory_space<vmem>>
        %dma_wait3A_220 = tpu.memref_squeeze %dma_wait3A_219 : memref<1x128xi32, #tpu.memory_space<vmem>> -> memref<128xi32, #tpu.memory_space<vmem>>
        %dma_wait3A_221 = arith.constant 0 : i32
        %dma_wait3A_222 = arith.constant 0 : i32
        %dma_wait3A_223 = tpu.memref_slice %arg12[%dma_wait3A_221, %dma_wait3A_222] : memref<10112x16xf32, #tpu.memory_space<vmem_shared>> -> memref<10112x16xf32, #tpu.memory_space<vmem_shared>>
        tpu.wait_indirect_dma semaphore(%run_scoped3A_205 : memref<!tpu.dma_semaphore, #tpu.memory_space<semaphore_mem>>) src(%dma_wait3A_217 : memref<128x16xf32, #tpu.memory_space<vmem>>) dst(%dma_wait3A_223 : memref<10112x16xf32, #tpu.memory_space<vmem_shared>>)
        tpu.yield
      }) : () -> ()
      %run_scoped3A_198 = arith.constant 2 : i32
      "tpu.region"() ({
        %run_scoped3A_205 = tpu.sem_alloc : memref<!tpu.dma_semaphore, #tpu.memory_space<semaphore_mem>>
        %dma_start3A_206 = arith.constant 256 : i32
        %dma_start3A_207 = arith.constant 0 : i32
        %dma_start3A_208 = tpu.memref_slice %arg10[%dma_start3A_206, %dma_start3A_207] : memref<1024x16xf32, #tpu.memory_space<vmem>> -> memref<128x16xf32, #tpu.memory_space<vmem>>
        %dma_start3A_209 = arith.constant 0 : i32
        %dma_start3A_210 = tpu.memref_slice %arg8[%run_scoped3A_198, %dma_start3A_209] : memref<8x128xi32, #tpu.memory_space<vmem>> -> memref<1x128xi32, #tpu.memory_space<vmem>>
        %dma_start3A_211 = tpu.memref_squeeze %dma_start3A_210 : memref<1x128xi32, #tpu.memory_space<vmem>> -> memref<128xi32, #tpu.memory_space<vmem>>
        %dma_start3A_212 = arith.constant 0 : i32
        %dma_start3A_213 = arith.constant 0 : i32
        %dma_start3A_214 = tpu.memref_slice %arg12[%dma_start3A_212, %dma_start3A_213] : memref<10112x16xf32, #tpu.memory_space<vmem_shared>> -> memref<10112x16xf32, #tpu.memory_space<vmem_shared>>
        tpu.enqueue_indirect_dma source(%dma_start3A_208 : memref<128x16xf32, #tpu.memory_space<vmem>>) target(%dma_start3A_214 : memref<10112x16xf32, #tpu.memory_space<vmem_shared>>) offsets(%dma_start3A_211 : memref<128xi32, #tpu.memory_space<vmem>>) semaphore(%run_scoped3A_205 : memref<!tpu.dma_semaphore, #tpu.memory_space<semaphore_mem>>) {add = true}
        %dma_wait3A_215 = arith.constant 256 : i32
        %dma_wait3A_216 = arith.constant 0 : i32
        %dma_wait3A_217 = tpu.memref_slice %arg10[%dma_wait3A_215, %dma_wait3A_216] : memref<1024x16xf32, #tpu.memory_space<vmem>> -> memref<128x16xf32, #tpu.memory_space<vmem>>
        %dma_wait3A_218 = arith.constant 0 : i32
        %dma_wait3A_219 = tpu.memref_slice %arg8[%run_scoped3A_198, %dma_wait3A_218] : memref<8x128xi32, #tpu.memory_space<vmem>> -> memref<1x128xi32, #tpu.memory_space<vmem>>
        %dma_wait3A_220 = tpu.memref_squeeze %dma_wait3A_219 : memref<1x128xi32, #tpu.memory_space<vmem>> -> memref<128xi32, #tpu.memory_space<vmem>>
        %dma_wait3A_221 = arith.constant 0 : i32
        %dma_wait3A_222 = arith.constant 0 : i32
        %dma_wait3A_223 = tpu.memref_slice %arg12[%dma_wait3A_221, %dma_wait3A_222] : memref<10112x16xf32, #tpu.memory_space<vmem_shared>> -> memref<10112x16xf32, #tpu.memory_space<vmem_shared>>
        tpu.wait_indirect_dma semaphore(%run_scoped3A_205 : memref<!tpu.dma_semaphore, #tpu.memory_space<semaphore_mem>>) src(%dma_wait3A_217 : memref<128x16xf32, #tpu.memory_space<vmem>>) dst(%dma_wait3A_223 : memref<10112x16xf32, #tpu.memory_space<vmem_shared>>)
        tpu.yield
      }) : () -> ()
      %run_scoped3A_199 = arith.constant 3 : i32
      "tpu.region"() ({
        %run_scoped3A_205 = tpu.sem_alloc : memref<!tpu.dma_semaphore, #tpu.memory_space<semaphore_mem>>
        %dma_start3A_206 = arith.constant 384 : i32
        %dma_start3A_207 = arith.constant 0 : i32
        %dma_start3A_208 = tpu.memref_slice %arg10[%dma_start3A_206, %dma_start3A_207] : memref<1024x16xf32, #tpu.memory_space<vmem>> -> memref<128x16xf32, #tpu.memory_space<vmem>>
        %dma_start3A_209 = arith.constant 0 : i32
        %dma_start3A_210 = tpu.memref_slice %arg8[%run_scoped3A_199, %dma_start3A_209] : memref<8x128xi32, #tpu.memory_space<vmem>> -> memref<1x128xi32, #tpu.memory_space<vmem>>
        %dma_start3A_211 = tpu.memref_squeeze %dma_start3A_210 : memref<1x128xi32, #tpu.memory_space<vmem>> -> memref<128xi32, #tpu.memory_space<vmem>>
        %dma_start3A_212 = arith.constant 0 : i32
        %dma_start3A_213 = arith.constant 0 : i32
        %dma_start3A_214 = tpu.memref_slice %arg12[%dma_start3A_212, %dma_start3A_213] : memref<10112x16xf32, #tpu.memory_space<vmem_shared>> -> memref<10112x16xf32, #tpu.memory_space<vmem_shared>>
        tpu.enqueue_indirect_dma source(%dma_start3A_208 : memref<128x16xf32, #tpu.memory_space<vmem>>) target(%dma_start3A_214 : memref<10112x16xf32, #tpu.memory_space<vmem_shared>>) offsets(%dma_start3A_211 : memref<128xi32, #tpu.memory_space<vmem>>) semaphore(%run_scoped3A_205 : memref<!tpu.dma_semaphore, #tpu.memory_space<semaphore_mem>>) {add = true}
        %dma_wait3A_215 = arith.constant 384 : i32
        %dma_wait3A_216 = arith.constant 0 : i32
        %dma_wait3A_217 = tpu.memref_slice %arg10[%dma_wait3A_215, %dma_wait3A_216] : memref<1024x16xf32, #tpu.memory_space<vmem>> -> memref<128x16xf32, #tpu.memory_space<vmem>>
        %dma_wait3A_218 = arith.constant 0 : i32
        %dma_wait3A_219 = tpu.memref_slice %arg8[%run_scoped3A_199, %dma_wait3A_218] : memref<8x128xi32, #tpu.memory_space<vmem>> -> memref<1x128xi32, #tpu.memory_space<vmem>>
        %dma_wait3A_220 = tpu.memref_squeeze %dma_wait3A_219 : memref<1x128xi32, #tpu.memory_space<vmem>> -> memref<128xi32, #tpu.memory_space<vmem>>
        %dma_wait3A_221 = arith.constant 0 : i32
        %dma_wait3A_222 = arith.constant 0 : i32
        %dma_wait3A_223 = tpu.memref_slice %arg12[%dma_wait3A_221, %dma_wait3A_222] : memref<10112x16xf32, #tpu.memory_space<vmem_shared>> -> memref<10112x16xf32, #tpu.memory_space<vmem_shared>>
        tpu.wait_indirect_dma semaphore(%run_scoped3A_205 : memref<!tpu.dma_semaphore, #tpu.memory_space<semaphore_mem>>) src(%dma_wait3A_217 : memref<128x16xf32, #tpu.memory_space<vmem>>) dst(%dma_wait3A_223 : memref<10112x16xf32, #tpu.memory_space<vmem_shared>>)
        tpu.yield
      }) : () -> ()
      %run_scoped3A_200 = arith.constant 4 : i32
      "tpu.region"() ({
        %run_scoped3A_205 = tpu.sem_alloc : memref<!tpu.dma_semaphore, #tpu.memory_space<semaphore_mem>>
        %dma_start3A_206 = arith.constant 512 : i32
        %dma_start3A_207 = arith.constant 0 : i32
        %dma_start3A_208 = tpu.memref_slice %arg10[%dma_start3A_206, %dma_start3A_207] : memref<1024x16xf32, #tpu.memory_space<vmem>> -> memref<128x16xf32, #tpu.memory_space<vmem>>
        %dma_start3A_209 = arith.constant 0 : i32
        %dma_start3A_210 = tpu.memref_slice %arg8[%run_scoped3A_200, %dma_start3A_209] : memref<8x128xi32, #tpu.memory_space<vmem>> -> memref<1x128xi32, #tpu.memory_space<vmem>>
        %dma_start3A_211 = tpu.memref_squeeze %dma_start3A_210 : memref<1x128xi32, #tpu.memory_space<vmem>> -> memref<128xi32, #tpu.memory_space<vmem>>
        %dma_start3A_212 = arith.constant 0 : i32
        %dma_start3A_213 = arith.constant 0 : i32
        %dma_start3A_214 = tpu.memref_slice %arg12[%dma_start3A_212, %dma_start3A_213] : memref<10112x16xf32, #tpu.memory_space<vmem_shared>> -> memref<10112x16xf32, #tpu.memory_space<vmem_shared>>
        tpu.enqueue_indirect_dma source(%dma_start3A_208 : memref<128x16xf32, #tpu.memory_space<vmem>>) target(%dma_start3A_214 : memref<10112x16xf32, #tpu.memory_space<vmem_shared>>) offsets(%dma_start3A_211 : memref<128xi32, #tpu.memory_space<vmem>>) semaphore(%run_scoped3A_205 : memref<!tpu.dma_semaphore, #tpu.memory_space<semaphore_mem>>) {add = true}
        %dma_wait3A_215 = arith.constant 512 : i32
        %dma_wait3A_216 = arith.constant 0 : i32
        %dma_wait3A_217 = tpu.memref_slice %arg10[%dma_wait3A_215, %dma_wait3A_216] : memref<1024x16xf32, #tpu.memory_space<vmem>> -> memref<128x16xf32, #tpu.memory_space<vmem>>
        %dma_wait3A_218 = arith.constant 0 : i32
        %dma_wait3A_219 = tpu.memref_slice %arg8[%run_scoped3A_200, %dma_wait3A_218] : memref<8x128xi32, #tpu.memory_space<vmem>> -> memref<1x128xi32, #tpu.memory_space<vmem>>
        %dma_wait3A_220 = tpu.memref_squeeze %dma_wait3A_219 : memref<1x128xi32, #tpu.memory_space<vmem>> -> memref<128xi32, #tpu.memory_space<vmem>>
        %dma_wait3A_221 = arith.constant 0 : i32
        %dma_wait3A_222 = arith.constant 0 : i32
        %dma_wait3A_223 = tpu.memref_slice %arg12[%dma_wait3A_221, %dma_wait3A_222] : memref<10112x16xf32, #tpu.memory_space<vmem_shared>> -> memref<10112x16xf32, #tpu.memory_space<vmem_shared>>
        tpu.wait_indirect_dma semaphore(%run_scoped3A_205 : memref<!tpu.dma_semaphore, #tpu.memory_space<semaphore_mem>>) src(%dma_wait3A_217 : memref<128x16xf32, #tpu.memory_space<vmem>>) dst(%dma_wait3A_223 : memref<10112x16xf32, #tpu.memory_space<vmem_shared>>)
        tpu.yield
      }) : () -> ()
      %run_scoped3A_201 = arith.constant 5 : i32
      "tpu.region"() ({
        %run_scoped3A_205 = tpu.sem_alloc : memref<!tpu.dma_semaphore, #tpu.memory_space<semaphore_mem>>
        %dma_start3A_206 = arith.constant 640 : i32
        %dma_start3A_207 = arith.constant 0 : i32
        %dma_start3A_208 = tpu.memref_slice %arg10[%dma_start3A_206, %dma_start3A_207] : memref<1024x16xf32, #tpu.memory_space<vmem>> -> memref<128x16xf32, #tpu.memory_space<vmem>>
        %dma_start3A_209 = arith.constant 0 : i32
        %dma_start3A_210 = tpu.memref_slice %arg8[%run_scoped3A_201, %dma_start3A_209] : memref<8x128xi32, #tpu.memory_space<vmem>> -> memref<1x128xi32, #tpu.memory_space<vmem>>
        %dma_start3A_211 = tpu.memref_squeeze %dma_start3A_210 : memref<1x128xi32, #tpu.memory_space<vmem>> -> memref<128xi32, #tpu.memory_space<vmem>>
        %dma_start3A_212 = arith.constant 0 : i32
        %dma_start3A_213 = arith.constant 0 : i32
        %dma_start3A_214 = tpu.memref_slice %arg12[%dma_start3A_212, %dma_start3A_213] : memref<10112x16xf32, #tpu.memory_space<vmem_shared>> -> memref<10112x16xf32, #tpu.memory_space<vmem_shared>>
        tpu.enqueue_indirect_dma source(%dma_start3A_208 : memref<128x16xf32, #tpu.memory_space<vmem>>) target(%dma_start3A_214 : memref<10112x16xf32, #tpu.memory_space<vmem_shared>>) offsets(%dma_start3A_211 : memref<128xi32, #tpu.memory_space<vmem>>) semaphore(%run_scoped3A_205 : memref<!tpu.dma_semaphore, #tpu.memory_space<semaphore_mem>>) {add = true}
        %dma_wait3A_215 = arith.constant 640 : i32
        %dma_wait3A_216 = arith.constant 0 : i32
        %dma_wait3A_217 = tpu.memref_slice %arg10[%dma_wait3A_215, %dma_wait3A_216] : memref<1024x16xf32, #tpu.memory_space<vmem>> -> memref<128x16xf32, #tpu.memory_space<vmem>>
        %dma_wait3A_218 = arith.constant 0 : i32
        %dma_wait3A_219 = tpu.memref_slice %arg8[%run_scoped3A_201, %dma_wait3A_218] : memref<8x128xi32, #tpu.memory_space<vmem>> -> memref<1x128xi32, #tpu.memory_space<vmem>>
        %dma_wait3A_220 = tpu.memref_squeeze %dma_wait3A_219 : memref<1x128xi32, #tpu.memory_space<vmem>> -> memref<128xi32, #tpu.memory_space<vmem>>
        %dma_wait3A_221 = arith.constant 0 : i32
        %dma_wait3A_222 = arith.constant 0 : i32
        %dma_wait3A_223 = tpu.memref_slice %arg12[%dma_wait3A_221, %dma_wait3A_222] : memref<10112x16xf32, #tpu.memory_space<vmem_shared>> -> memref<10112x16xf32, #tpu.memory_space<vmem_shared>>
        tpu.wait_indirect_dma semaphore(%run_scoped3A_205 : memref<!tpu.dma_semaphore, #tpu.memory_space<semaphore_mem>>) src(%dma_wait3A_217 : memref<128x16xf32, #tpu.memory_space<vmem>>) dst(%dma_wait3A_223 : memref<10112x16xf32, #tpu.memory_space<vmem_shared>>)
        tpu.yield
      }) : () -> ()
      %run_scoped3A_202 = arith.constant 6 : i32
      "tpu.region"() ({
        %run_scoped3A_205 = tpu.sem_alloc : memref<!tpu.dma_semaphore, #tpu.memory_space<semaphore_mem>>
        %dma_start3A_206 = arith.constant 768 : i32
        %dma_start3A_207 = arith.constant 0 : i32
        %dma_start3A_208 = tpu.memref_slice %arg10[%dma_start3A_206, %dma_start3A_207] : memref<1024x16xf32, #tpu.memory_space<vmem>> -> memref<128x16xf32, #tpu.memory_space<vmem>>
        %dma_start3A_209 = arith.constant 0 : i32
        %dma_start3A_210 = tpu.memref_slice %arg8[%run_scoped3A_202, %dma_start3A_209] : memref<8x128xi32, #tpu.memory_space<vmem>> -> memref<1x128xi32, #tpu.memory_space<vmem>>
        %dma_start3A_211 = tpu.memref_squeeze %dma_start3A_210 : memref<1x128xi32, #tpu.memory_space<vmem>> -> memref<128xi32, #tpu.memory_space<vmem>>
        %dma_start3A_212 = arith.constant 0 : i32
        %dma_start3A_213 = arith.constant 0 : i32
        %dma_start3A_214 = tpu.memref_slice %arg12[%dma_start3A_212, %dma_start3A_213] : memref<10112x16xf32, #tpu.memory_space<vmem_shared>> -> memref<10112x16xf32, #tpu.memory_space<vmem_shared>>
        tpu.enqueue_indirect_dma source(%dma_start3A_208 : memref<128x16xf32, #tpu.memory_space<vmem>>) target(%dma_start3A_214 : memref<10112x16xf32, #tpu.memory_space<vmem_shared>>) offsets(%dma_start3A_211 : memref<128xi32, #tpu.memory_space<vmem>>) semaphore(%run_scoped3A_205 : memref<!tpu.dma_semaphore, #tpu.memory_space<semaphore_mem>>) {add = true}
        %dma_wait3A_215 = arith.constant 768 : i32
        %dma_wait3A_216 = arith.constant 0 : i32
        %dma_wait3A_217 = tpu.memref_slice %arg10[%dma_wait3A_215, %dma_wait3A_216] : memref<1024x16xf32, #tpu.memory_space<vmem>> -> memref<128x16xf32, #tpu.memory_space<vmem>>
        %dma_wait3A_218 = arith.constant 0 : i32
        %dma_wait3A_219 = tpu.memref_slice %arg8[%run_scoped3A_202, %dma_wait3A_218] : memref<8x128xi32, #tpu.memory_space<vmem>> -> memref<1x128xi32, #tpu.memory_space<vmem>>
        %dma_wait3A_220 = tpu.memref_squeeze %dma_wait3A_219 : memref<1x128xi32, #tpu.memory_space<vmem>> -> memref<128xi32, #tpu.memory_space<vmem>>
        %dma_wait3A_221 = arith.constant 0 : i32
        %dma_wait3A_222 = arith.constant 0 : i32
        %dma_wait3A_223 = tpu.memref_slice %arg12[%dma_wait3A_221, %dma_wait3A_222] : memref<10112x16xf32, #tpu.memory_space<vmem_shared>> -> memref<10112x16xf32, #tpu.memory_space<vmem_shared>>
        tpu.wait_indirect_dma semaphore(%run_scoped3A_205 : memref<!tpu.dma_semaphore, #tpu.memory_space<semaphore_mem>>) src(%dma_wait3A_217 : memref<128x16xf32, #tpu.memory_space<vmem>>) dst(%dma_wait3A_223 : memref<10112x16xf32, #tpu.memory_space<vmem_shared>>)
        tpu.yield
      }) : () -> ()
      %run_scoped3A_203 = arith.constant 7 : i32
      "tpu.region"() ({
        %run_scoped3A_205 = tpu.sem_alloc : memref<!tpu.dma_semaphore, #tpu.memory_space<semaphore_mem>>
        %dma_start3A_206 = arith.constant 896 : i32
        %dma_start3A_207 = arith.constant 0 : i32
        %dma_start3A_208 = tpu.memref_slice %arg10[%dma_start3A_206, %dma_start3A_207] : memref<1024x16xf32, #tpu.memory_space<vmem>> -> memref<128x16xf32, #tpu.memory_space<vmem>>
        %dma_start3A_209 = arith.constant 0 : i32
        %dma_start3A_210 = tpu.memref_slice %arg8[%run_scoped3A_203, %dma_start3A_209] : memref<8x128xi32, #tpu.memory_space<vmem>> -> memref<1x128xi32, #tpu.memory_space<vmem>>
        %dma_start3A_211 = tpu.memref_squeeze %dma_start3A_210 : memref<1x128xi32, #tpu.memory_space<vmem>> -> memref<128xi32, #tpu.memory_space<vmem>>
        %dma_start3A_212 = arith.constant 0 : i32
        %dma_start3A_213 = arith.constant 0 : i32
        %dma_start3A_214 = tpu.memref_slice %arg12[%dma_start3A_212, %dma_start3A_213] : memref<10112x16xf32, #tpu.memory_space<vmem_shared>> -> memref<10112x16xf32, #tpu.memory_space<vmem_shared>>
        tpu.enqueue_indirect_dma source(%dma_start3A_208 : memref<128x16xf32, #tpu.memory_space<vmem>>) target(%dma_start3A_214 : memref<10112x16xf32, #tpu.memory_space<vmem_shared>>) offsets(%dma_start3A_211 : memref<128xi32, #tpu.memory_space<vmem>>) semaphore(%run_scoped3A_205 : memref<!tpu.dma_semaphore, #tpu.memory_space<semaphore_mem>>) {add = true}
        %dma_wait3A_215 = arith.constant 896 : i32
        %dma_wait3A_216 = arith.constant 0 : i32
        %dma_wait3A_217 = tpu.memref_slice %arg10[%dma_wait3A_215, %dma_wait3A_216] : memref<1024x16xf32, #tpu.memory_space<vmem>> -> memref<128x16xf32, #tpu.memory_space<vmem>>
        %dma_wait3A_218 = arith.constant 0 : i32
        %dma_wait3A_219 = tpu.memref_slice %arg8[%run_scoped3A_203, %dma_wait3A_218] : memref<8x128xi32, #tpu.memory_space<vmem>> -> memref<1x128xi32, #tpu.memory_space<vmem>>
        %dma_wait3A_220 = tpu.memref_squeeze %dma_wait3A_219 : memref<1x128xi32, #tpu.memory_space<vmem>> -> memref<128xi32, #tpu.memory_space<vmem>>
        %dma_wait3A_221 = arith.constant 0 : i32
        %dma_wait3A_222 = arith.constant 0 : i32
        %dma_wait3A_223 = tpu.memref_slice %arg12[%dma_wait3A_221, %dma_wait3A_222] : memref<10112x16xf32, #tpu.memory_space<vmem_shared>> -> memref<10112x16xf32, #tpu.memory_space<vmem_shared>>
        tpu.wait_indirect_dma semaphore(%run_scoped3A_205 : memref<!tpu.dma_semaphore, #tpu.memory_space<semaphore_mem>>) src(%dma_wait3A_217 : memref<128x16xf32, #tpu.memory_space<vmem>>) dst(%dma_wait3A_223 : memref<10112x16xf32, #tpu.memory_space<vmem_shared>>)
        tpu.yield
      }) : () -> ()
      %scan3A_204 = arith.constant 0 : i32
      scf.yield %scan3A_204 : i32
    }
    %scan3A_16 = arith.constant 10 : i32
    %barrier3A_17 = arith.constant 0 : index
    tpu.barrier barrier_id(%barrier3A_17)
    %mul3A_18 = arith.constant 632 : i32
    %mul3A_19 = arith.muli %arg1, %mul3A_18 : i32
    "tpu.region"() ({
      %run_scoped3A = tpu.sem_alloc : memref<!tpu.dma_semaphore, #tpu.memory_space<semaphore_mem>>
      %dma_start3A = arith.constant 0 : i32
      %dma_start3A_20 = tpu.memref_slice %arg12[%mul3A_19, %dma_start3A] : memref<10112x16xf32, #tpu.memory_space<vmem_shared>> -> memref<632x16xf32, #tpu.memory_space<vmem_shared>>
      %dma_start3A_21 = arith.constant 0 : i32
      %dma_start3A_22 = tpu.memref_slice %arg12[%mul3A_19, %dma_start3A_21] : memref<10112x16xf32, #tpu.memory_space<vmem_shared>> -> memref<632x16xf32, #tpu.memory_space<vmem_shared>>
      tpu.enqueue_dma source(%dma_start3A_22 : memref<632x16xf32, #tpu.memory_space<vmem_shared>>) target(%arg11 : memref<632x16xf32, #tpu.memory_space<vmem>>) target_semaphore(%run_scoped3A : memref<!tpu.dma_semaphore, #tpu.memory_space<semaphore_mem>>)
      %dma_wait3A = arith.constant 0 : i32
      %dma_wait3A_23 = tpu.memref_slice %arg12[%mul3A_19, %dma_wait3A] : memref<10112x16xf32, #tpu.memory_space<vmem_shared>> -> memref<632x16xf32, #tpu.memory_space<vmem_shared>>
      %dma_wait3A_24 = arith.constant 0 : i32
      %dma_wait3A_25 = tpu.memref_slice %arg12[%mul3A_19, %dma_wait3A_24] : memref<10112x16xf32, #tpu.memory_space<vmem_shared>> -> memref<632x16xf32, #tpu.memory_space<vmem_shared>>
      tpu.wait_dma2 semaphore(%run_scoped3A : memref<!tpu.dma_semaphore, #tpu.memory_space<semaphore_mem>>) src(%dma_wait3A_25 : memref<632x16xf32, #tpu.memory_space<vmem_shared>>) dst(%arg11 : memref<632x16xf32, #tpu.memory_space<vmem>>)
      tpu.yield
    }) : () -> ()
    "tpu.region"() ({
      %run_scoped3A = tpu.sem_alloc : memref<!tpu.dma_semaphore, #tpu.memory_space<semaphore_mem>>
      %dma_start3A = arith.constant 0 : i32
      %dma_start3A_20 = tpu.memref_slice %arg6[%arg0, %mul3A_19, %dma_start3A] : memref<2x10112x16xf32, #tpu.memory_space<hbm>> -> memref<1x632x16xf32, #tpu.memory_space<hbm>>
      %dma_start3A_21 = tpu.memref_squeeze %dma_start3A_20 : memref<1x632x16xf32, #tpu.memory_space<hbm>> -> memref<632x16xf32, #tpu.memory_space<hbm>>
      %dma_start3A_22 = arith.constant 0 : i32
      %dma_start3A_23 = tpu.memref_slice %arg6[%arg0, %mul3A_19, %dma_start3A_22] : memref<2x10112x16xf32, #tpu.memory_space<hbm>> -> memref<1x632x16xf32, #tpu.memory_space<hbm>>
      %dma_start3A_24 = tpu.memref_squeeze %dma_start3A_23 : memref<1x632x16xf32, #tpu.memory_space<hbm>> -> memref<632x16xf32, #tpu.memory_space<hbm>>
      tpu.enqueue_dma source(%arg11 : memref<632x16xf32, #tpu.memory_space<vmem>>) target(%dma_start3A_24 : memref<632x16xf32, #tpu.memory_space<hbm>>) target_semaphore(%run_scoped3A : memref<!tpu.dma_semaphore, #tpu.memory_space<semaphore_mem>>)
      %dma_wait3A = arith.constant 0 : i32
      %dma_wait3A_25 = tpu.memref_slice %arg6[%arg0, %mul3A_19, %dma_wait3A] : memref<2x10112x16xf32, #tpu.memory_space<hbm>> -> memref<1x632x16xf32, #tpu.memory_space<hbm>>
      %dma_wait3A_26 = tpu.memref_squeeze %dma_wait3A_25 : memref<1x632x16xf32, #tpu.memory_space<hbm>> -> memref<632x16xf32, #tpu.memory_space<hbm>>
      %dma_wait3A_27 = arith.constant 0 : i32
      %dma_wait3A_28 = tpu.memref_slice %arg6[%arg0, %mul3A_19, %dma_wait3A_27] : memref<2x10112x16xf32, #tpu.memory_space<hbm>> -> memref<1x632x16xf32, #tpu.memory_space<hbm>>
      %dma_wait3A_29 = tpu.memref_squeeze %dma_wait3A_28 : memref<1x632x16xf32, #tpu.memory_space<hbm>> -> memref<632x16xf32, #tpu.memory_space<hbm>>
      tpu.wait_dma2 semaphore(%run_scoped3A : memref<!tpu.dma_semaphore, #tpu.memory_space<semaphore_mem>>) src(%arg11 : memref<632x16xf32, #tpu.memory_space<vmem>>) dst(%dma_wait3A_29 : memref<632x16xf32, #tpu.memory_space<hbm>>)
      tpu.yield
    }) : () -> ()
    return
  }
}

module attributes {stable_mosaic.version = 14 : i64} {
  func.func @_mm_body(%arg0: memref<10000x128xf32, #tpu.memory_space<vmem>>, %arg1: memref<128x16xf32, #tpu.memory_space<vmem>>, %arg2: memref<10000x16xf32, #tpu.memory_space<vmem>>) attributes {dimension_semantics = [], scalar_prefetch = 0 : i64, scratch_operands = 0 : i64, tpu.core_type = #tpu.core_type<tc>} {
    %get3A = arith.constant 0 : index
    %get3A_0 = arith.constant 0 : index
    %get3A_1 = vector.load %arg0[%get3A, %get3A_0] : memref<10000x128xf32, #tpu.memory_space<vmem>>, vector<10000x128xf32>
    %get3A_2 = arith.constant 0 : index
    %get3A_3 = arith.constant 0 : index
    %get3A_4 = vector.load %arg1[%get3A_2, %get3A_3] : memref<128x16xf32, #tpu.memory_space<vmem>>, vector<128x16xf32>
    %dot_general3A = arith.constant dense<0.000000e+00> : vector<10000x16xf32>
    %dot_general3A_5 = tpu.matmul %get3A_1, %get3A_4, %dot_general3A {dimension_numbers = #tpu.dot_dimension_numbers<[1], [0], [0], [1], [0, 0, 1, 1], [], []>, transpose_lhs_hint = false} : vector<10000x128xf32>, vector<128x16xf32>, vector<10000x16xf32> -> vector<10000x16xf32>
    %swap3A = arith.constant 0 : index
    %swap3A_6 = arith.constant 0 : index
    %swap3A_7 = vector.load %arg2[%swap3A, %swap3A_6] : memref<10000x16xf32, #tpu.memory_space<vmem>>, vector<10000x16xf32>
    tpu.vector_store %arg2[%swap3A, %swap3A_6], %dot_general3A_5 {strides = array<i32>} : memref<10000x16xf32, #tpu.memory_space<vmem>>, vector<10000x16xf32>,
    return
  }
}

module attributes {stable_mosaic.version = 14 : i64} {
  func.func @_combine_relu_mm_body(%arg0: memref<2x10112x16xf32, #tpu.memory_space<vmem>>, %arg1: memref<1x16xf32, #tpu.memory_space<vmem>>, %arg2: memref<16x16xf32, #tpu.memory_space<vmem>>, %arg3: memref<10112x16xf32, #tpu.memory_space<vmem>>) attributes {dimension_semantics = [], scalar_prefetch = 0 : i64, scratch_operands = 0 : i64, tpu.core_type = #tpu.core_type<tc>} {
    %get3A = arith.constant 0 : index
    %get3A_0 = arith.constant 0 : index
    %get3A_1 = arith.constant 0 : index
    %get3A_2 = vector.load %arg0[%get3A, %get3A_0, %get3A_1] : memref<2x10112x16xf32, #tpu.memory_space<vmem>>, vector<1x10112x16xf32>
    %get3A_3 = vector.shape_cast %get3A_2 : vector<1x10112x16xf32> to vector<10112x16xf32>
    %get3A_4 = arith.constant 1 : index
    %get3A_5 = arith.constant 0 : index
    %get3A_6 = arith.constant 0 : index
    %get3A_7 = vector.load %arg0[%get3A_4, %get3A_5, %get3A_6] : memref<2x10112x16xf32, #tpu.memory_space<vmem>>, vector<1x10112x16xf32>
    %get3A_8 = vector.shape_cast %get3A_7 : vector<1x10112x16xf32> to vector<10112x16xf32>
    %add3A = arith.addf %get3A_3, %get3A_8 : vector<10112x16xf32>
    %get3A_9 = arith.constant 0 : index
    %get3A_10 = arith.constant 0 : index
    %get3A_11 = vector.load %arg1[%get3A_9, %get3A_10] : memref<1x16xf32, #tpu.memory_space<vmem>>, vector<1x16xf32>
    %add3A_12 = vector.broadcast %get3A_11 : vector<1x16xf32> to vector<10112x16xf32>
    %add3A_13 = arith.addf %add3A, %add3A_12 : vector<10112x16xf32>
    %max3A = arith.constant 0.000000e+00 : f32
    %max3A_14 = vector.broadcast %max3A : f32 to vector<10112x16xf32>
    %max3A_15 = arith.maximumf %add3A_13, %max3A_14 : vector<10112x16xf32>
    %get3A_16 = arith.constant 0 : index
    %get3A_17 = arith.constant 0 : index
    %get3A_18 = vector.load %arg2[%get3A_16, %get3A_17] : memref<16x16xf32, #tpu.memory_space<vmem>>, vector<16x16xf32>
    %dot_general3A = arith.constant dense<0.000000e+00> : vector<10112x16xf32>
    %dot_general3A_19 = tpu.matmul %max3A_15, %get3A_18, %dot_general3A {dimension_numbers = #tpu.dot_dimension_numbers<[1], [0], [0], [1], [0, 0, 1, 1], [], []>, transpose_lhs_hint = false} : vector<10112x16xf32>, vector<16x16xf32>, vector<10112x16xf32> -> vector<10112x16xf32>
    %swap3A = arith.constant 0 : index
    %swap3A_20 = arith.constant 0 : index
    %swap3A_21 = vector.load %arg3[%swap3A, %swap3A_20] : memref<10112x16xf32, #tpu.memory_space<vmem>>, vector<10112x16xf32>
    tpu.vector_store %arg3[%swap3A, %swap3A_20], %dot_general3A_19 {strides = array<i32>} : memref<10112x16xf32, #tpu.memory_space<vmem>>, vector<10112x16xf32>,
    return
  }
}

module attributes {stable_mosaic.version = 14 : i64} {
  func.func @_combine_body(%arg0: memref<2x10112x16xf32, #tpu.memory_space<vmem>>, %arg1: memref<1x16xf32, #tpu.memory_space<vmem>>, %arg2: memref<10112x16xf32, #tpu.memory_space<vmem>>) attributes {dimension_semantics = [], scalar_prefetch = 0 : i64, scratch_operands = 0 : i64, tpu.core_type = #tpu.core_type<tc>} {
    %get3A = arith.constant 0 : index
    %get3A_0 = arith.constant 0 : index
    %get3A_1 = arith.constant 0 : index
    %get3A_2 = vector.load %arg0[%get3A, %get3A_0, %get3A_1] : memref<2x10112x16xf32, #tpu.memory_space<vmem>>, vector<1x10112x16xf32>
    %get3A_3 = vector.shape_cast %get3A_2 : vector<1x10112x16xf32> to vector<10112x16xf32>
    %get3A_4 = arith.constant 1 : index
    %get3A_5 = arith.constant 0 : index
    %get3A_6 = arith.constant 0 : index
    %get3A_7 = vector.load %arg0[%get3A_4, %get3A_5, %get3A_6] : memref<2x10112x16xf32, #tpu.memory_space<vmem>>, vector<1x10112x16xf32>
    %get3A_8 = vector.shape_cast %get3A_7 : vector<1x10112x16xf32> to vector<10112x16xf32>
    %add3A = arith.addf %get3A_3, %get3A_8 : vector<10112x16xf32>
    %get3A_9 = arith.constant 0 : index
    %get3A_10 = arith.constant 0 : index
    %get3A_11 = vector.load %arg1[%get3A_9, %get3A_10] : memref<1x16xf32, #tpu.memory_space<vmem>>, vector<1x16xf32>
    %add3A_12 = vector.broadcast %get3A_11 : vector<1x16xf32> to vector<10112x16xf32>
    %add3A_13 = arith.addf %add3A, %add3A_12 : vector<10112x16xf32>
    %swap3A = arith.constant 0 : index
    %swap3A_14 = arith.constant 0 : index
    %swap3A_15 = vector.load %arg2[%swap3A, %swap3A_14] : memref<10112x16xf32, #tpu.memory_space<vmem>>, vector<10112x16xf32>
    tpu.vector_store %arg2[%swap3A, %swap3A_14], %add3A_13 {strides = array<i32>} : memref<10112x16xf32, #tpu.memory_space<vmem>>, vector<10112x16xf32>,
    return
  }
}

</mosaic_0001>

<sc_bundles>
// kernel: kernel.10.cloned.1.call-start
scs
__scs_entry_jumppad:
0x0: {  	(pc) =	sbr.rel $0x88, $3  }
0x1: {  	(tag) =	ssettag $0x0;
	lr =	simm.s32 $0x1  }
0x2: {  	[smem:$0x3F9A] =	sst lr;
	_ =	strace $0xD0000000  }
0x3: {  	_ = 	snop  }
0x4: {  	_ = 	snop  }
0x5: {  	_ = 	snop  }
0x6: {  	_ = 	snop  }
0x7: {  	_ = 	snop  }
__scs_overlays_trampoline_lowered:
0x8: {  	[smem:$0x3FA9] =	sst s0  }
0x9: {  	[smem:$0x3FAA] =	sst s1  }
0xa: {  	[smem:$0x3FAB] =	sst s2  }
0xb: {  	[smem:$0x3FAC] =	sst s3  }
0xc: {  	[smem:$0x3FAD] =	sst s4  }
0xd: {  	[smem:$0x3FAE] =	sst s5  }
0xe: {  	[smem:$0x3FAF] =	sst s6  }
0xf: {  	[smem:$0x3FB0] =	sst s7  }
0x10: {  	[smem:$0x3FB1] =	sst s8  }
0x11: {  	[smem:$0x3FB2] =	sst s9;
	s0 =	simm.s32 @!p0 $0x0  }
0x12: {  	s1 =	sld [smem:$0x3F98];
	s0 =	simm.s32 @p0 $0x1  }
0x13: {  	[smem:$0x3FB3] =	sst s0;
	s0 =	simm.s32 @!p1 $0x0  }
0x14: {  	s2 =	sld [smem:$0x3F97];
	s0 =	simm.s32 @p1 $0x1  }
0x15: {  	[smem:$0x3FB4] =	sst s0;
	s0 =	simm.s32 @!p2 $0x0  }
0x16: {  	s3 =	sld [smem:$0x3FDB];
	s0 =	simm.s32 @p2 $0x1  }
0x17: {  	s4 =	simm.s32 $0x1BF5;
	[smem:$0x3FB6] =	sst s0  }
0x18: {  	s0 =	sld [smem:$0x3F99];
	_ =	swait.ge [sflag:s4], $0x0  }
0x19: {  	s7 =	sld [smem:$0x3F9A]  }
0x1a: {  	s8 =	sadd.s32 $0xFFFFE003, lr  }
0x1b: {  	s9 =	sadd.s32 $0xFFFFFEF7, lr;
	s5 =	simm.s32 $0xFFFFFFFF;
	p2 =	slt.u32 s8, $0xFFFFF086  }
0x1c: {  	p1 =	slt.u32 s9, $0xF7A;
	s5 =	simm.s32 @!p2 $0x0  }
0x1d: {  	s5 =	simm.s32 @p1 $0x1;
	p0 =	seq.s32 s7, s2  }
0x1e: {  	s7 =	smul.u32 @!p0 $0xF7A, s2;
	p2 =	seq.s32 @!p0 s5, $0x0  }
0x1f: {  	s9 =	smul.u32 $0xF7A, s1;
	s8 =	simm.s32 @!p0 $0x1BF5;
	p2 =	por !p2, p0  }
0x20: {  	[sflag:s8] =	ssyncset.s32 @!p0 $0xFFFFF086;
	s6 =	sadd.s32 @!p0 s3, s7;
	s7 =	simm.s32 @!p0 $0x108  }
0x21: {  	s3 =	sadd.s32 s3, s9;
	s6 =	sadd.s32 @!p0 $0x88, s6;
	s7 =	simm.s32 @p2 $0x1082  }
0x22: {  	[simem:s7], [sflag:s8] =	dma.local @!p0 [hbm:s6], $0xF7A  }
0x23: {  	s9 =	sor.u32 $0xD0000000, s2;
	s6 =	simm.s32 $0x108;
	_ =	swait.ge @!p0 [sflag:s8], $0x0  }
0x24: {  	s3 =	sadd.s32 $0x88, s3;
	s6 =	simm.s32 @!p1 $0x1082;
	[sflag:s4] =	ssyncset.s32 $0xFFFFF086  }
0x25: {  	[simem:s6], [sflag:s4] =	dma.local [hbm:s3], $0xF7A  }
0x26: {  	[smem:$0x3F9A] =	sst s1;
	(tag) =	ssettag s2;
	_ =	strace s9  }
0x27: {  	s1 =	sld [smem:$0x3FAA]  }
0x28: {  	s2 =	sld [smem:$0x3FAB]  }
0x29: {  	s4 =	sld [smem:$0x3FAD]  }
0x2a: {  	p0 =	seq.s32 s5, $0x0;
	s5 =	sld [smem:$0x3FAE]  }
0x2b: {  	s6 =	sld [smem:$0x3FAF]  }
0x2c: {  	s7 =	sld [smem:$0x3FB0]  }
0x2d: {  	s3 =	simm.s32 $0x108;
	s8 =	sld [smem:$0x3FB1]  }
0x2e: {  	s3 =	simm.s32 @!p0 $0x1082;
	s9 =	sld [smem:$0x3FB2]  }
0x2f: {  	lr =	sadd.s32 s0, s3;
	s0 =	sld [smem:$0x3FA9]  }
0x30: {  	s3 =	sld [smem:$0x3FAC]  }
0x31: {  	[smem:$0x3FB5] =	sst s10  }
0x32: {  	s10 =	sld [smem:$0x3FB3];
	_ =	sdelay $0x3  }
0x33: {  	p0 =	seq.s32 s10, $0x1;
	s10 =	sld [smem:$0x3FB5];
	_ =	sdelay $0x3  }
0x34: {  	[smem:$0x3FB5] =	sst s10  }
0x35: {  	s10 =	sld [smem:$0x3FB4];
	_ =	sdelay $0x3  }
0x36: {  	p1 =	seq.s32 s10, $0x1;
	s10 =	sld [smem:$0x3FB5];
	_ =	sdelay $0x3  }
0x37: {  	[smem:$0x3FB5] =	sst s10  }
0x38: {  	s10 =	sld [smem:$0x3FB6]  }
0x39: {  	_ = 	snop;
	(pc) =	sbr.ind lr, $3  }
0x3a: {  	_ = 	snop  }
0x3b: {  	_ = 	snop  }
0x3c: {  	p2 =	seq.s32 s10, $0x1;
	s10 =	sld [smem:$0x3FB5]  }
0x3d: {  	_ =	shalt  }
0x3e: {  	_ =	shalt  }
0x3f: {  	_ =	shalt  }
0x40: {  	_ =	shalt  }
0x41: {  	_ =	shalt  }
0x42: {  	_ =	shalt  }
0x43: {  	_ =	shalt  }
0x44: {  	_ =	shalt  }
0x45: {  	_ =	shalt  }
0x46: {  	_ =	shalt  }
0x47: {  	_ =	shalt  }
0x48: {  	_ =	shalt  }
0x49: {  	_ =	shalt  }
0x4a: {  	_ =	shalt  }
0x4b: {  	_ =	shalt  }
0x4c: {  	_ =	shalt  }
0x4d: {  	_ =	shalt  }
0x4e: {  	_ =	shalt  }
0x4f: {  	_ =	shalt  }
0x50: {  	_ =	shalt  }
0x51: {  	_ =	shalt  }
0x52: {  	_ =	shalt  }
0x53: {  	_ =	shalt  }
0x54: {  	_ =	shalt  }
0x55: {  	_ =	shalt  }
0x56: {  	_ =	shalt  }
0x57: {  	_ =	shalt  }
0x58: {  	_ =	shalt  }
0x59: {  	_ =	shalt  }
0x5a: {  	_ =	shalt  }
0x5b: {  	_ =	shalt  }
0x5c: {  	_ =	shalt  }
0x5d: {  	_ =	shalt  }
0x5e: {  	_ =	shalt  }
0x5f: {  	_ =	shalt  }
0x60: {  	_ =	shalt  }
0x61: {  	_ =	shalt  }
0x62: {  	_ =	shalt  }
0x63: {  	_ =	shalt  }
0x64: {  	_ =	shalt  }
0x65: {  	_ =	shalt  }
0x66: {  	_ =	shalt  }
0x67: {  	_ =	shalt  }
0x68: {  	_ =	shalt  }
0x69: {  	_ =	shalt  }
0x6a: {  	_ =	shalt  }
0x6b: {  	_ =	shalt  }
0x6c: {  	_ =	shalt  }
0x6d: {  	_ =	shalt  }
0x6e: {  	_ =	shalt  }
0x6f: {  	_ =	shalt  }
0x70: {  	_ =	shalt  }
0x71: {  	_ =	shalt  }
0x72: {  	_ =	shalt  }
0x73: {  	_ =	shalt  }
0x74: {  	_ =	shalt  }
0x75: {  	_ =	shalt  }
0x76: {  	_ =	shalt  }
0x77: {  	_ =	shalt  }
0x78: {  	_ =	shalt  }
0x79: {  	_ =	shalt  }
0x7a: {  	_ =	shalt  }
0x7b: {  	_ =	shalt  }
0x7c: {  	_ =	shalt  }
0x7d: {  	_ =	shalt  }
0x7e: {  	_ =	shalt  }
0x7f: {  	_ =	shalt  }
0x80: {  	_ =	shalt  }
0x81: {  	_ =	shalt  }
0x82: {  	_ =	shalt  }
0x83: {  	_ =	shalt  }
0x84: {  	_ =	shalt  }
0x85: {  	_ =	shalt  }
0x86: {  	_ =	shalt  }
0x87: {  	_ =	shalt  }
.Lfunc_end0:
.L_simem_size_0:
called_computation.1_lowered:
.L_overlay_start_0:
0x88: {  	s2 =	sld [smem:$0x3FD9]  }
0x89: {  	s3 =	sld [smem:$0x3FFE];
	_ =	sdelay $0x1  }
0x8a: {  	s1 =	srdreg.scid  }
0x8b: {  	s0 =	sand.u32 $0x1, s1  }
0x8c: {  	s16 =	sshll.u32 s0, $0xA;
	s2 =	sadd.s32 s3, s2  }
0x8d: {  	s2 =	sadd.s32 s2, s16  }
0x8e: {  	[smem:$0x3FC1] =	sst s2  }
0x8f: {  	_ = 	snop  }
0x90: {  	(tm) =	ssettm $0x1  }
0x91: {  	s17 =	sld [smem:$0x3FFB];
	_ =	sdelay $0x3  }
0x92: {  	_ =	strace s17  }
0x93: {  	s2 =	sld [smem:$0x3FFC];
	_ =	sdelay $0x3  }
0x94: {  	_ =	strace s2  }
0x95: {  	s2 =	sld [smem:$0x3FFD];
	_ =	sdelay $0x3  }
0x96: {  	_ =	strace s2  }
0x97: {  	_ =	strace $0x8FFFFFFF  }
0x98: {  	s18 =	sld [smem:$0x3FDB];
	_ =	sdelay $0x1  }
0x99: {  	s19 =	simm.s32 $_scs_section_size  }
0x9a: {  	s4 =	simm.s32 $_size__tile_overlayer_lowered;
	s5 =	simm.s32 $_tile_overlayer_lowered  }
0x9b: {  	s22 =	simm.s32 $0x1BFF;
	s21 =	sshll.u32 s5, $0x1;
	s2 =	sadd.s32 s19, s18  }
0x9c: {  	s6 =	simm.s32 $0x0;
	s20 =	sshll.u32 s4, $0x1;
	s4 =	sadd.s32 s21, s2  }
0x9d: {  	[timem:s6], [sflag:s22] =	dma.local [hbm:s4], s20  }
0x9e: {  	_ =	swait.ge [sflag:s22], s20  }
0x9f: {  	s3 =	ssub.s32 $0x0, s20;
	[sflag:s22] =	ssyncset.done $0x0  }
0xa0: {  	[sflag:s22] =	ssyncadd.s32 s3;
	_ =	sdelay $0x1  }
0xa1: {  	s23 =	simm.s32 $0x1B8B  }
0xa2: {  	_ =	swait.ge [sflag:s23], $0x1  }
0xa3: {  	[sflag:s23] =	ssyncset.done $0x0  }
0xa4: {  	s25 =	simm.s32 $0x1B8E;
	s24 =	sld [smem:$0x3FFE];
	[sflag:s23] =	ssyncadd.s32 $0xFFFFFFFF  }
0xa5: {  	s26 =	simm.s32 $execute0_lowered;
	[smem:$0x3FD2] =	sst s25  }
0xa6: {  	s4 =	sshll.u32 s26, $0x1;
	_ =	strace $0x80000049;
	[dreg:$0x1] =	wrdreg $0xFFFFFFFF  }
0xa7: {  	s28 =	simm.s32 $_size_execute0_lowered;
	s2 =	sadd.s32 s2, s4;
	[dreg:$0x0] =	wrdreg $0x0  }
0xa8: {  	s4 =	sshll.u32 s28, $0x1;
	[dreg:$0x2] =	wrdreg s2  }
0xa9: {  	[dreg:$0x3] =	wrdreg s4  }
0xaa: {  	[dreg:$0x4] =	wrdreg $0xC0  }
0xab: {  	_ =	task [dreg:s6], $0x5FFFF  }
0xac: {  	[dreg:$0x1] =	wrdreg $0xFFFFFFFF  }
0xad: {  	[dreg:$0x0] =	wrdreg $0x60  }
0xae: {  	[dreg:$0x2] =	wrdreg s24  }
0xaf: {  	[dreg:$0x3] =	wrdreg $0x73800  }
0xb0: {  	[dreg:$0x4] =	wrdreg $0x9  }
0xb1: {  	_ =	task.clear_ibuf [dreg:s6], $0x5FFFF;
	_ =	strace $0x90000049  }
0xb2: {  	s29 =	simm.s32 $0x9;
	_ =	strace $0x8000004B  }
0xb3: {  	_ =	swait.ge [sflag:s29], $0x1  }
0xb4: {  	[sflag:s29] =	ssyncadd.s32 $0xFFFFFFFF  }
0xb5: {  	_ =	strace $0x9000004B  }
0xb6: {  	_ =	sfence  }
0xb7: {  	s30 =	sld [smem:$0x0];
	_ =	sdelay $0x2  }
0xb8: {  	s31 =	sshll.u32 s1, $0xD;
	s1 =	sshrl.u32 s1, $0x2  }
0xb9: {  	s3 =	sand.u32 $0x4000, s31;
	s1 =	sadd.s32 s1, s30  }
0xba: {  	s0 =	sor.u32 s3, s0;
	s1 =	sshll.u32 s1, $0x11  }
0xbb: {  	s0 =	sor.u32 s1, s0  }
0xbc: {  	s0 =	sadd.s32 $0x8F2B, s0  }
0xbd: {  	[sflag:s0] =	ssyncadd.remote.s32 $0x1  }
0xbe: {  	_ =	sfence.sel $0xFFFF  }
0xbf: {  	[dreg:$0x0] =	wrdreg $0xFFFFFFFF;
	(pc) =	sbr.abs _section_cstart, $3  }
0xc0: {  	[dreg:$0x1] =	wrdreg $0xFFFFFFFF  }
0xc1: {  	_ =	task.clear_ibuf [dreg:s6], $0x2FFFF;
	_ =	strace $0x9FFFFFFF  }
0xc2: {  	(tm) =	ssettm $0x7FFFFFFF  }
0xc3: {  	_ =	shalt  }
tec
execute0_lowered:
.L_overlay_start_1:
0x0: {  	(tag) =	ssettag $0x1  }
0x1: {  	s0 =	rddreg [dreg:$0x0]  }
0x2: {  	s2 =	rddreg [dreg:$0x1]  }
0x3: {  	s1 =	srdreg.scid;
	s10 =	stileid.u32;
	s4 =	simm.s32 $0x0  }
0x4: {  	s25 =	simm.s32 $0x4C00;
	s13 =	simm.s32 $0x2;
	s14 =	simm.s32 $0x400  }
0x5: {  	s16 =	simm.s32 $0x80;
	s17 =	simm.s32 $0xC00;
	s18 =	simm.s32 $0x1400  }
0x6: {  	s20 =	simm.s32 $0x1C00;
	s22 =	simm.s32 $0x2400;
	s24 =	simm.s32 $0x2C00  }
0x7: {  	s26 =	simm.s32 $0x3400;
	s29 =	simm.s32 $0x3C00;
	s31 =	simm.s32 $0x4400  }
0x8: {  	s11 =	simm.s32 $0x600;
	s12 =	simm.s32 $0x680;
	s15 =	simm.s32 $0x780  }
0x9: {  	s21 =	simm.s32 $0x0;
	s1 =	sand.u32 $0x1, s1;
	s3 =	smul.u32 $0x2780, s10  }
0xa: {  	[smem:$0x7FF] =	sst s4;
	s4 =	sadd.s32 $0x23C00, s0;
	s5 =	sadd.s32 $0xAC00, s0  }
0xb: {  	s6 =	sadd.s32 $0xC00, s0;
	s7 =	sadd.s32 $0x19C00, s0;
	s8 =	smul.u32 $0x27800, s1  }
0xc: {  	_ =	strace $0x8000004A;
	s9 =	ssub.s32 $0x2, s1;
	s1 =	sshll.u32 s1, $0x4  }
0xd: {  	v0 =	vimm.f32 $0.0e+00;
	v1 =	vimm.s32 $0x0;
	s28 =	sshrl.u32 s9, $0x1;
	s1 =	sor.u32 s10, s1;
	s8 =	sadd.s32 s3, s8  }
0xe: {  	v2 =	vimm.s32 $0x1;
	v3 =	vimm.s32 $0x2;
	v4 =	vimm.s32 $0x3;
	s23 =	sadd.s32 s3, s2;
	s10 =	simm.s32 $0x580;
	s8 =	sshrl.u32 s8, $0x3  }
0xf: {  	v5 =	vimm.s32 $0x4;
	v6 =	vimm.s32 $0x5;
	v7 =	vimm.s32 $0x6;
	s3 =	simm.s32 $0x500;
	[dreg:$0x3] =	wrdreg s23;
	s0 =	sadd.s32 s8, s0  }
0x10: {  	v8 =	vimm.s32 $0x7;
	v9 =	vimm.s32 $0x8;
	v10 =	vimm.s32 $0x9;
	s8 =	ssub.s32 s9, s28;
	s9 =	smul.u32 $0xA, s1;
	s0 =	sadd.s32 $0x28C00, s0  }
0x11: {  	v11 =	vimm.s32 $0xA;
	v12 =	vimm.s32 $0xB;
	v13 =	vimm.s32 $0xC;
	s1 =	simm.s32 $0x480;
	s30 =	smax.u32 s8, $0x1;
	[dreg:$0x4] =	wrdreg s0  }
0x12: {  	v14 =	vimm.s32 $0xD;
	v15 =	vimm.s32 $0xE;
	v16 =	vimm.s32 $0xF;
	s8 =	simm.s32 $0x700;
	[dreg:$0x5] =	wrdreg s30;
	s0 =	simm.s32 $0x1  }
.LBB2_1:
0x13: {  	[dreg:$0x6] =	wrdreg s21;
	s19 =	simm.s32 $0x40;
	s21 =	simm.s32 $0x0  }
.LBB2_2:
0x14: {  	p0 =	sne.s32 s19, $0x9DC0;
	[tilespmem:s21+$0x4C00] =	vst v0;
	s21 =	smov.u32 s19;
	s19 =	sadd.s32 $0x40, s19  }
.Ltmp0:
0x15: {  	(pc) =	sbr.rel @p0 .LBB2_2-.Ltmp0, $2  }
0x16: {  	_ =	sdelay $0x2  }
0x17: {  	s21 =	sshra.s32 s21, $0x2  }
0x18: {  	[tilespmem:s21+$0x4C00] =	vst v0  }
0x19: {  	[spmem:s23] =	stream.linear.scatter [tilespmem:s25], [sflag:$0x2], $0x2780, $0x38;
	[tilespmem:$0x9B00] =	vst v63  }
0x1a: {  	_ =	swait.ge [sflag:s13], $0x2780  }
0x1b: {  	[sflag:s13] =	ssyncset.done $0x0  }
0x1c: {  	[sflag:s13] =	ssyncadd.s32 $0xFFFFD880  }
0x1d: {  	s19 =	simm.s32 $0x0;
	s21 =	simm.s32 $0x0;
	[bflag:$0x0] =	sbarrier.arrive $0xFFFF  }
.LBB2_4:
0x1e: {  	s23 =	sadd.s32 s9, s21  }
0x1f: {  	s23 =	sshll.u32 s23, $0x7  }
0x20: {  	s25 =	sadd.s32 s5, s23  }
0x21: {  	[tilespmem:s19], [sflag:$0x2] =	stream.linear.gather [hbm4b:s25+s19], $0x400, $0x38;
	[tilespmem:$0x9B00] =	vst v63  }
0x22: {  	_ =	swait.ge [sflag:s13], $0x400  }
0x23: {  	[sflag:s13] =	ssyncset.done $0x0  }
0x24: {  	s25 =	sadd.s32 s6, s23;
	[sflag:s13] =	ssyncadd.s32 $0xFFFFFC00  }
0x25: {  	[tilespmem:s14], [sflag:$0x2] =	stream.linear.gather [hbm4b:s25+s19], $0x400, $0x38;
	[tilespmem:$0x9B00] =	vst v63  }
0x26: {  	_ =	swait.ge [sflag:s13], $0x400  }
0x27: {  	[sflag:s13] =	ssyncset.done $0x0  }
0x28: {  	s23 =	sadd.s32 s7, s23;
	s25 =	simm.s32 $0x800;
	[sflag:s13] =	ssyncadd.s32 $0xFFFFFC00  }
0x29: {  	[tilespmem:s25], [sflag:$0x2] =	stream.linear.gather [hbm4b:s23+s19], $0x400, $0x38;
	[tilespmem:$0x9B00] =	vst v63  }
0x2a: {  	_ =	swait.ge [sflag:s13], $0x400  }
0x2b: {  	[sflag:s13] =	ssyncset.done $0x0  }
0x2c: {  	[sflag:s13] =	ssyncadd.s32 $0xFFFFFC00  }
0x2d: {  	[tilespmem:s17], [sflag:$0x1] =	stream.indirect.gather [hbm4b:s4+s16], $0x10, s19, s16, $0xb8;
	[tilespmem:$0x9B00] =	vst v63  }
0x2e: {  	_ = 	snop  }
0x2f: {  	[tilespmem:s18], [sflag:$0x1] =	stream.indirect.gather [hbm4b:s4+s16], $0x10, s16, s16, $0xb8;
	[tilespmem:$0x9B00] =	vst v63  }
0x30: {  	s25 =	simm.s32 $0x100  }
0x31: {  	[tilespmem:s20], [sflag:$0x1] =	stream.indirect.gather [hbm4b:s4+s16], $0x10, s25, s16, $0xb8;
	[tilespmem:$0x9B00] =	vst v63  }
0x32: {  	s25 =	simm.s32 $0x180  }
0x33: {  	[tilespmem:s22], [sflag:$0x1] =	stream.indirect.gather [hbm4b:s4+s16], $0x10, s25, s16, $0xb8;
	[tilespmem:$0x9B00] =	vst v63  }
0x34: {  	s25 =	simm.s32 $0x200  }
0x35: {  	[tilespmem:s24], [sflag:$0x1] =	stream.indirect.gather [hbm4b:s4+s16], $0x10, s25, s16, $0xb8;
	[tilespmem:$0x9B00] =	vst v63  }
0x36: {  	s25 =	simm.s32 $0x280  }
0x37: {  	[tilespmem:s26], [sflag:$0x1] =	stream.indirect.gather [hbm4b:s4+s16], $0x10, s25, s16, $0xb8;
	[tilespmem:$0x9B00] =	vst v63  }
0x38: {  	s25 =	simm.s32 $0x300  }
0x39: {  	[tilespmem:s29], [sflag:$0x1] =	stream.indirect.gather [hbm4b:s4+s16], $0x10, s25, s16, $0xb8;
	[tilespmem:$0x9B00] =	vst v63  }
0x3a: {  	s25 =	simm.s32 $0x380  }
0x3b: {  	[tilespmem:s31], [sflag:$0x1] =	stream.indirect.gather [hbm4b:s4+s16], $0x10, s25, s16, $0xb8;
	[tilespmem:$0x9B00] =	vst v63  }
0x3c: {  	_ =	swait.ge [sflag:s0], $0x800  }
0x3d: {  	[sflag:s0] =	ssyncset.done $0x0  }
0x3e: {  	[sflag:s0] =	ssyncadd.s32 $0xFFFFF800  }
0x3f: {  	_ =	swait.ge [sflag:s0], $0x800  }
0x40: {  	[sflag:s0] =	ssyncset.done $0x0  }
0x41: {  	[sflag:s0] =	ssyncadd.s32 $0xFFFFF800  }
0x42: {  	_ =	swait.ge [sflag:s0], $0x800  }
0x43: {  	[sflag:s0] =	ssyncset.done $0x0  }
0x44: {  	[sflag:s0] =	ssyncadd.s32 $0xFFFFF800  }
0x45: {  	_ =	swait.ge [sflag:s0], $0x800  }
0x46: {  	[sflag:s0] =	ssyncset.done $0x0  }
0x47: {  	[sflag:s0] =	ssyncadd.s32 $0xFFFFF800  }
0x48: {  	_ =	swait.ge [sflag:s0], $0x800  }
0x49: {  	[sflag:s0] =	ssyncset.done $0x0  }
0x4a: {  	[sflag:s0] =	ssyncadd.s32 $0xFFFFF800  }
0x4b: {  	_ =	swait.ge [sflag:s0], $0x800  }
0x4c: {  	[sflag:s0] =	ssyncset.done $0x0  }
0x4d: {  	[sflag:s0] =	ssyncadd.s32 $0xFFFFF800  }
0x4e: {  	_ =	swait.ge [sflag:s0], $0x800  }
0x4f: {  	[sflag:s0] =	ssyncset.done $0x0  }
0x50: {  	[sflag:s0] =	ssyncadd.s32 $0xFFFFF800  }
0x51: {  	_ =	swait.ge [sflag:s0], $0x800  }
0x52: {  	[sflag:s0] =	ssyncset.done $0x0  }
0x53: {  	s23 =	simm.s32 $0xC80;
	[sflag:s0] =	ssyncadd.s32 $0xFFFFF800  }
0x54: {  	s30 =	simm.s32 $0x0;
	s28 =	simm.s32 $0x40;
	s25 =	simm.s32 $0xC80;
	v17 =	vld [tilespmem:s23+$0xFFFFFFB0]  }
.LBB2_5:
0x55: {  	p0 =	sne.s32 s28, $0xFC0;
	v18 =	vld [tilespmem:s30+$0x800]  }
0x56: {  	v19 =	vld [tilespmem:s23+$0xFFFFFF90]  }
0x57: {  	v20 =	vld [tilespmem:s23+$0xFFFFFF80]  }
0x58: {  	v21 =	vld [tilespmem:s23+$0xFFFFFFA0]  }
0x59: {  	v22 =	vld [tilespmem:s23+$0xFFFFFFF0]  }
0x5a: {  	v23 =	vperm.xlane v18, v1;
	v24 =	vperm.xlane v18, v2;
	v25 =	vld [tilespmem:s23+$0xFFFFFFD0]  }
0x5b: {  	v26 =	vperm.xlane v18, v3;
	v27 =	vperm.xlane v18, v4;
	v28 =	vld [tilespmem:s23+$0xFFFFFFC0]  }
0x5c: {  	v20 =	vmul.f32 v20, v23;
	v19 =	vmul.f32 v19, v24;
	v23 =	vld [tilespmem:s23+$0xFFFFFFE0]  }
0x5d: {  	v17 =	vmul.f32 v17, v27;
	v21 =	vmul.f32 v21, v26;
	v24 =	vld [tilespmem:s23+$0x30]  }
0x5e: {  	v26 =	vperm.xlane v18, v6;
	[tilespmem:s23+$0xFFFFFF80] =	vst v20;
	v20 =	vperm.xlane v18, v5;
	v27 =	vld [tilespmem:s23+$0x10]  }
0x5f: {  	v29 =	vperm.xlane v18, v8;
	[tilespmem:s23+$0xFFFFFF90] =	vst v19;
	v19 =	vperm.xlane v18, v7;
	v30 =	vld [tilespmem:s23+$0x0]  }
0x60: {  	[tilespmem:s23+$0xFFFFFFA0] =	vst v21;
	v20 =	vmul.f32 v28, v20;
	v21 =	vmul.f32 v25, v26;
	v25 =	vld [tilespmem:s23+$0x20]  }
0x61: {  	[tilespmem:s23+$0xFFFFFFB0] =	vst v17;
	v17 =	vmul.f32 v23, v19;
	v19 =	vmul.f32 v22, v29;
	v22 =	vld [tilespmem:s23+$0x70]  }
0x62: {  	v23 =	vperm.xlane v18, v10;
	[tilespmem:s23+$0xFFFFFFC0] =	vst v20;
	v20 =	vperm.xlane v18, v9;
	v26 =	vld [tilespmem:s23+$0x50]  }
0x63: {  	v28 =	vperm.xlane v18, v12;
	[tilespmem:s23+$0xFFFFFFD0] =	vst v21;
	v21 =	vperm.xlane v18, v11;
	v29 =	vld [tilespmem:s23+$0x40]  }
0x64: {  	[tilespmem:s23+$0xFFFFFFE0] =	vst v17;
	v17 =	vmul.f32 v30, v20;
	v20 =	vmul.f32 v27, v23;
	v23 =	vld [tilespmem:s23+$0x60]  }
0x65: {  	[tilespmem:s23+$0xFFFFFFF0] =	vst v19;
	v19 =	vmul.f32 v25, v21;
	v21 =	vmul.f32 v24, v28  }
0x66: {  	v24 =	vperm.xlane v18, v14;
	[tilespmem:s23+$0x0] =	vst v17;
	v17 =	vperm.xlane v18, v13  }
0x67: {  	[tilespmem:s23+$0x10] =	vst v20;
	v20 =	vperm.xlane v18, v15;
	v18 =	vperm.xlane v18, v16  }
0x68: {  	[tilespmem:s23+$0x20] =	vst v19;
	v17 =	vmul.f32 v29, v17;
	v19 =	vmul.f32 v26, v24  }
.Ltmp1:
0x69: {  	[tilespmem:s23+$0x30] =	vst v21;
	v20 =	vmul.f32 v23, v20;
	v18 =	vmul.f32 v22, v18;
	(pc) =	sbr.rel @p0 .LBB2_5-.Ltmp1, $4  }
0x6a: {  	[tilespmem:s23+$0x40] =	vst v17  }
0x6b: {  	[tilespmem:s23+$0x50] =	vst v19  }
0x6c: {  	s23 =	sadd.s32 $0x100, s23;
	[tilespmem:s25+$0x60] =	vst v20  }
0x6d: {  	s30 =	sshra.s32 s28, $0x2;
	s28 =	sadd.s32 $0x40, s28;
	v17 =	vld [tilespmem:s23+$0xFFFFFFB0];
	[tilespmem:s25+$0x70] =	vst v18;
	s25 =	smov.u32 s23  }
0x6e: {  	v18 =	vld [tilespmem:s30+$0x800];
	_ =	sdelay $0x1  }
0x6f: {  	v19 =	vld [tilespmem:s23+$0xFFFFFF80]  }
0x70: {  	v20 =	vld [tilespmem:s23+$0xFFFFFF90]  }
0x71: {  	v21 =	vld [tilespmem:s23+$0xFFFFFFA0]  }
0x72: {  	v22 =	vperm.xlane v18, v1  }
0x73: {  	v25 =	vld [tilespmem:s23+$0xFFFFFFD0];
	v23 =	vperm.xlane v18, v2  }
0x74: {  	v24 =	vld [tilespmem:s23+$0xFFFFFFC0];
	v26 =	vperm.xlane v18, v3;
	v19 =	vmul.f32 v19, v22  }
0x75: {  	v48 =	vld [tilespmem:s23+$0xFFFFFFE0];
	v47 =	vperm.xlane v18, v4;
	v20 =	vmul.f32 v20, v23  }
0x76: {  	v51 =	vld [tilespmem:s23+$0x10];
	v49 =	vperm.xlane v18, v6;
	v21 =	vmul.f32 v21, v26;
	[tilespmem:s23+$0xFFFFFF80] =	vst v19  }
0x77: {  	v27 =	vld [tilespmem:s23+$0xFFFFFFF0];
	v17 =	vmul.f32 v17, v47;
	v19 =	vperm.xlane v18, v5;
	[tilespmem:s23+$0xFFFFFF90] =	vst v20  }
0x78: {  	v50 =	vld [tilespmem:s23+$0x0];
	v28 =	vperm.xlane v18, v7;
	v22 =	vmul.f32 v25, v49;
	[tilespmem:s23+$0xFFFFFFA0] =	vst v21  }
0x79: {  	v56 =	vld [tilespmem:s23+$0x50];
	v54 =	vperm.xlane v18, v10;
	[tilespmem:s23+$0xFFFFFFB0] =	vst v17;
	v19 =	vmul.f32 v24, v19  }
0x7a: {  	v53 =	vld [tilespmem:s23+$0x20];
	v52 =	vperm.xlane v18, v8;
	v23 =	vmul.f32 v48, v28;
	[tilespmem:s23+$0xFFFFFFD0] =	vst v22  }
0x7b: {  	v59 =	vmul.f32 v51, v54;
	v17 =	vld [tilespmem:s23+$0x30];
	[tilespmem:s23+$0xFFFFFFC0] =	vst v19;
	v19 =	vperm.xlane v18, v9  }
0x7c: {  	v55 =	vld [tilespmem:s23+$0x40];
	v62 =	vperm.xlane v18, v14;
	v21 =	vmul.f32 v27, v52;
	[tilespmem:s23+$0xFFFFFFE0] =	vst v23  }
0x7d: {  	v60 =	vld [tilespmem:s23+$0x60];
	v57 =	vperm.xlane v18, v11;
	[tilespmem:s23+$0x10] =	vst v59;
	v19 =	vmul.f32 v50, v19  }
0x7e: {  	v61 =	vld [tilespmem:s23+$0x70];
	v58 =	vperm.xlane v18, v12;
	v20 =	vmul.f32 v56, v62;
	[tilespmem:s23+$0xFFFFFFF0] =	vst v21  }
0x7f: {  	v24 =	vmul.f32 v53, v57;
	[tilespmem:s23+$0x0] =	vst v19;
	v19 =	vperm.xlane v18, v13  }
0x80: {  	v63 =	vperm.xlane v18, v15;
	[tilespmem:s23+$0x50] =	vst v20;
	v17 =	vmul.f32 v17, v58  }
0x81: {  	[tilespmem:s23+$0x20] =	vst v24;
	v18 =	vperm.xlane v18, v16;
	v19 =	vmul.f32 v55, v19  }
0x82: {  	[tilespmem:s23+$0x30] =	vst v17;
	v17 =	vmul.f32 v60, v63  }
0x83: {  	v18 =	vmul.f32 v61, v18;
	[tilespmem:s23+$0x40] =	vst v19  }
0x84: {  	[tilespmem:s25+$0x60] =	vst v17  }
0x85: {  	[tilespmem:s25+$0x70] =	vst v18  }
0x86: {  	[spmem:s2] =	stream.indirect.scatter.add.f32 [tilespmem:s17], [sflag:$0x2], $0x10, s14, s16, $0xb8;
	[tilespmem:$0x9B00] =	vst v63  }
0x87: {  	_ =	swait.ge [sflag:s13], $0x800  }
0x88: {  	[sflag:s13] =	ssyncset.done $0x0  }
0x89: {  	[sflag:s13] =	ssyncadd.s32 $0xFFFFF800  }
0x8a: {  	[spmem:s2] =	stream.indirect.scatter.add.f32 [tilespmem:s18], [sflag:$0x2], $0x10, s1, s16, $0xb8;
	[tilespmem:$0x9B00] =	vst v63  }
0x8b: {  	_ =	swait.ge [sflag:s13], $0x800  }
0x8c: {  	[sflag:s13] =	ssyncset.done $0x0  }
0x8d: {  	[sflag:s13] =	ssyncadd.s32 $0xFFFFF800  }
0x8e: {  	[spmem:s2] =	stream.indirect.scatter.add.f32 [tilespmem:s20], [sflag:$0x2], $0x10, s3, s16, $0xb8;
	[tilespmem:$0x9B00] =	vst v63  }
0x8f: {  	_ =	swait.ge [sflag:s13], $0x800  }
0x90: {  	[sflag:s13] =	ssyncset.done $0x0  }
0x91: {  	[sflag:s13] =	ssyncadd.s32 $0xFFFFF800  }
0x92: {  	[spmem:s2] =	stream.indirect.scatter.add.f32 [tilespmem:s22], [sflag:$0x2], $0x10, s10, s16, $0xb8;
	[tilespmem:$0x9B00] =	vst v63  }
0x93: {  	_ =	swait.ge [sflag:s13], $0x800  }
0x94: {  	[sflag:s13] =	ssyncset.done $0x0  }
0x95: {  	[sflag:s13] =	ssyncadd.s32 $0xFFFFF800  }
0x96: {  	[spmem:s2] =	stream.indirect.scatter.add.f32 [tilespmem:s24], [sflag:$0x2], $0x10, s11, s16, $0xb8;
	[tilespmem:$0x9B00] =	vst v63  }
0x97: {  	_ =	swait.ge [sflag:s13], $0x800  }
0x98: {  	[sflag:s13] =	ssyncset.done $0x0  }
0x99: {  	[sflag:s13] =	ssyncadd.s32 $0xFFFFF800  }
0x9a: {  	[spmem:s2] =	stream.indirect.scatter.add.f32 [tilespmem:s26], [sflag:$0x2], $0x10, s12, s16, $0xb8;
	[tilespmem:$0x9B00] =	vst v63  }
0x9b: {  	_ =	swait.ge [sflag:s13], $0x800  }
0x9c: {  	[sflag:s13] =	ssyncset.done $0x0  }
0x9d: {  	[sflag:s13] =	ssyncadd.s32 $0xFFFFF800  }
0x9e: {  	[spmem:s2] =	stream.indirect.scatter.add.f32 [tilespmem:s29], [sflag:$0x2], $0x10, s8, s16, $0xb8;
	[tilespmem:$0x9B00] =	vst v63  }
0x9f: {  	s21 =	sadd.s32 $0x1, s21;
	_ =	swait.ge [sflag:s13], $0x800  }
0xa0: {  	p0 =	sne.s32 s21, $0xA;
	[sflag:s13] =	ssyncset.done $0x0  }
.Ltmp2:
0xa1: {  	[sflag:s13] =	ssyncadd.s32 $0xFFFFF800;
	(pc) =	sbr.rel @p0 .LBB2_4-.Ltmp2, $4  }
0xa2: {  	[spmem:s2] =	stream.indirect.scatter.add.f32 [tilespmem:s31], [sflag:$0x2], $0x10, s15, s16, $0xb8;
	[tilespmem:$0x9B00] =	vst v63  }
0xa3: {  	_ =	swait.ge [sflag:s13], $0x800  }
0xa4: {  	[sflag:s13] =	ssyncset.done $0x0  }
0xa5: {  	[sflag:s13] =	ssyncadd.s32 $0xFFFFF800  }
0xa6: {  	[bflag:$0x0] =	sbarrier.arrive $0xFFFF  }
0xa7: {  	s25 =	simm.s32 $0x4C00;
	s23 =	rddreg [dreg:$0x3]  }
0xa8: {  	[tilespmem:s25], [sflag:$0x2] =	stream.linear.gather [spmem:s23], $0x2780, $0x38;
	[tilespmem:$0x9B00] =	vst v63  }
0xa9: {  	_ =	swait.ge [sflag:s13], $0x2780  }
0xaa: {  	[sflag:s13] =	ssyncset.done $0x0  }
0xab: {  	s19 =	simm.s32 $0x0;
	s21 =	rddreg [dreg:$0x4];
	[sflag:s13] =	ssyncadd.s32 $0xFFFFD880  }
0xac: {  	[hbm4b:s21+s19] =	stream.linear.scatter [tilespmem:s25], [sflag:$0x2], $0x2780, $0x38;
	[tilespmem:$0x9B00] =	vst v63  }
0xad: {  	_ =	swait.ge [sflag:s13], $0x2780  }
0xae: {  	s28 =	rddreg [dreg:$0x6]  }
0xaf: {  	s30 =	rddreg [dreg:$0x5];
	s21 =	sadd.s32 $0x1, s28  }
0xb0: {  	p0 =	sne.s32 s21, s30  }
.Ltmp3:
0xb1: {  	_ = 	snop;
	(pc) =	sbr.rel @p0 .LBB2_1-.Ltmp3, $3  }
0xb2: {  	_ =	sdelay $0x1  }
0xb3: {  	[sflag:s13] =	ssyncset.done $0x0  }
0xb4: {  	[sflag:s13] =	ssyncadd.s32 $0xFFFFD880  }
0xb5: {  	_ =	sfence.sel $0x180000  }
0xb6: {  	[bflag:$0x0] =	sbarrier.arrive $0xFFFF  }
0xb7: {  	_ =	strace $0x9000004A  }
0xb8: {  	s0 =	stileid.u32;
	[bflag:$0x2] =	sbarrier.arrive $0xFFFF  }
0xb9: {  	p0 =	sne.s32 s0, $0x0;
	s0 =	rddreg [dreg:$0x2]  }
0xba: {  	s0 =	sadd.s32 @!p0 $0x100000, s0  }
0xbb: {  	[sflag:s0] =	ssyncadd.tile.s32 @!p0 $0x1;
	_ =	shalt  }
.Lfunc_end2:
_tile_overlayer_lowered:
.L_overlay_start_2:
0xbc: {  	(tag) =	ssettag $0x2  }
0xbd: {  	s0 =	rddreg [dreg:$0x0];
	s2 =	stileid.u32  }
0xbe: {  	s1 =	rddreg [dreg:$0x1];
	p0 =	sne.s32 s2, $0x0  }
0xbf: {  	s3 =	rddreg [dreg:$0x2];
	[bflag:$0x3] =	sbarrier.arrive $0xFFFF;
	s2 =	simm.s32 @!p0 $0x1C02  }
0xc0: {  	[timem:s3], [sflag:s2] =	dma.local @!p0 [hbm:s0], s1  }
0xc1: {  	s0 =	simm.s32 @!p0 $0x2  }
0xc2: {  	_ =	swait.ge @!p0 [sflag:s0], s1  }
0xc3: {  	s1 =	ssub.s32 @!p0 $0x0, s1;
	[sflag:s0] =	ssyncset.done @!p0 $0x0  }
0xc4: {  	[sflag:s0] =	ssyncadd.s32 @!p0 s1  }
0xc5: {  	[bflag:$0x3] =	sbarrier.arrive $0xFFFF  }
0xc6: {  	_ =	shalt  }

// kernel: kernel.7.cloned.1.call-start
scs
__scs_entry_jumppad:
0x0: {  	(pc) =	sbr.rel $0x88, $3  }
0x1: {  	(tag) =	ssettag $0x0;
	lr =	simm.s32 $0x1  }
0x2: {  	[smem:$0x3F9A] =	sst lr;
	_ =	strace $0xD0000000  }
0x3: {  	_ = 	snop  }
0x4: {  	_ = 	snop  }
0x5: {  	_ = 	snop  }
0x6: {  	_ = 	snop  }
0x7: {  	_ = 	snop  }
__scs_overlays_trampoline_lowered:
0x8: {  	[smem:$0x3FA9] =	sst s0  }
0x9: {  	[smem:$0x3FAA] =	sst s1  }
0xa: {  	[smem:$0x3FAB] =	sst s2  }
0xb: {  	[smem:$0x3FAC] =	sst s3  }
0xc: {  	[smem:$0x3FAD] =	sst s4  }
0xd: {  	[smem:$0x3FAE] =	sst s5  }
0xe: {  	[smem:$0x3FAF] =	sst s6  }
0xf: {  	[smem:$0x3FB0] =	sst s7  }
0x10: {  	[smem:$0x3FB1] =	sst s8  }
0x11: {  	[smem:$0x3FB2] =	sst s9;
	s0 =	simm.s32 @!p0 $0x0  }
0x12: {  	s1 =	sld [smem:$0x3F98];
	s0 =	simm.s32 @p0 $0x1  }
0x13: {  	[smem:$0x3FB3] =	sst s0;
	s0 =	simm.s32 @!p1 $0x0  }
0x14: {  	s2 =	sld [smem:$0x3F97];
	s0 =	simm.s32 @p1 $0x1  }
0x15: {  	[smem:$0x3FB4] =	sst s0;
	s0 =	simm.s32 @!p2 $0x0  }
0x16: {  	s3 =	sld [smem:$0x3FDB];
	s0 =	simm.s32 @p2 $0x1  }
0x17: {  	s4 =	simm.s32 $0x1BF5;
	[smem:$0x3FB6] =	sst s0  }
0x18: {  	s0 =	sld [smem:$0x3F99];
	_ =	swait.ge [sflag:s4], $0x0  }
0x19: {  	s7 =	sld [smem:$0x3F9A]  }
0x1a: {  	s8 =	sadd.s32 $0xFFFFE003, lr  }
0x1b: {  	s9 =	sadd.s32 $0xFFFFFEF7, lr;
	s5 =	simm.s32 $0xFFFFFFFF;
	p2 =	slt.u32 s8, $0xFFFFF086  }
0x1c: {  	p1 =	slt.u32 s9, $0xF7A;
	s5 =	simm.s32 @!p2 $0x0  }
0x1d: {  	s5 =	simm.s32 @p1 $0x1;
	p0 =	seq.s32 s7, s2  }
0x1e: {  	s7 =	smul.u32 @!p0 $0xF7A, s2;
	p2 =	seq.s32 @!p0 s5, $0x0  }
0x1f: {  	s9 =	smul.u32 $0xF7A, s1;
	s8 =	simm.s32 @!p0 $0x1BF5;
	p2 =	por !p2, p0  }
0x20: {  	[sflag:s8] =	ssyncset.s32 @!p0 $0xFFFFF086;
	s6 =	sadd.s32 @!p0 s3, s7;
	s7 =	simm.s32 @!p0 $0x108  }
0x21: {  	s3 =	sadd.s32 s3, s9;
	s6 =	sadd.s32 @!p0 $0x88, s6;
	s7 =	simm.s32 @p2 $0x1082  }
0x22: {  	[simem:s7], [sflag:s8] =	dma.local @!p0 [hbm:s6], $0xF7A  }
0x23: {  	s9 =	sor.u32 $0xD0000000, s2;
	s6 =	simm.s32 $0x108;
	_ =	swait.ge @!p0 [sflag:s8], $0x0  }
0x24: {  	s3 =	sadd.s32 $0x88, s3;
	s6 =	simm.s32 @!p1 $0x1082;
	[sflag:s4] =	ssyncset.s32 $0xFFFFF086  }
0x25: {  	[simem:s6], [sflag:s4] =	dma.local [hbm:s3], $0xF7A  }
0x26: {  	[smem:$0x3F9A] =	sst s1;
	(tag) =	ssettag s2;
	_ =	strace s9  }
0x27: {  	s1 =	sld [smem:$0x3FAA]  }
0x28: {  	s2 =	sld [smem:$0x3FAB]  }
0x29: {  	s4 =	sld [smem:$0x3FAD]  }
0x2a: {  	p0 =	seq.s32 s5, $0x0;
	s5 =	sld [smem:$0x3FAE]  }
0x2b: {  	s6 =	sld [smem:$0x3FAF]  }
0x2c: {  	s7 =	sld [smem:$0x3FB0]  }
0x2d: {  	s3 =	simm.s32 $0x108;
	s8 =	sld [smem:$0x3FB1]  }
0x2e: {  	s3 =	simm.s32 @!p0 $0x1082;
	s9 =	sld [smem:$0x3FB2]  }
0x2f: {  	lr =	sadd.s32 s0, s3;
	s0 =	sld [smem:$0x3FA9]  }
0x30: {  	s3 =	sld [smem:$0x3FAC]  }
0x31: {  	[smem:$0x3FB5] =	sst s10  }
0x32: {  	s10 =	sld [smem:$0x3FB3];
	_ =	sdelay $0x3  }
0x33: {  	p0 =	seq.s32 s10, $0x1;
	s10 =	sld [smem:$0x3FB5];
	_ =	sdelay $0x3  }
0x34: {  	[smem:$0x3FB5] =	sst s10  }
0x35: {  	s10 =	sld [smem:$0x3FB4];
	_ =	sdelay $0x3  }
0x36: {  	p1 =	seq.s32 s10, $0x1;
	s10 =	sld [smem:$0x3FB5];
	_ =	sdelay $0x3  }
0x37: {  	[smem:$0x3FB5] =	sst s10  }
0x38: {  	s10 =	sld [smem:$0x3FB6]  }
0x39: {  	_ = 	snop;
	(pc) =	sbr.ind lr, $3  }
0x3a: {  	_ = 	snop  }
0x3b: {  	_ = 	snop  }
0x3c: {  	p2 =	seq.s32 s10, $0x1;
	s10 =	sld [smem:$0x3FB5]  }
0x3d: {  	_ =	shalt  }
0x3e: {  	_ =	shalt  }
0x3f: {  	_ =	shalt  }
0x40: {  	_ =	shalt  }
0x41: {  	_ =	shalt  }
0x42: {  	_ =	shalt  }
0x43: {  	_ =	shalt  }
0x44: {  	_ =	shalt  }
0x45: {  	_ =	shalt  }
0x46: {  	_ =	shalt  }
0x47: {  	_ =	shalt  }
0x48: {  	_ =	shalt  }
0x49: {  	_ =	shalt  }
0x4a: {  	_ =	shalt  }
0x4b: {  	_ =	shalt  }
0x4c: {  	_ =	shalt  }
0x4d: {  	_ =	shalt  }
0x4e: {  	_ =	shalt  }
0x4f: {  	_ =	shalt  }
0x50: {  	_ =	shalt  }
0x51: {  	_ =	shalt  }
0x52: {  	_ =	shalt  }
0x53: {  	_ =	shalt  }
0x54: {  	_ =	shalt  }
0x55: {  	_ =	shalt  }
0x56: {  	_ =	shalt  }
0x57: {  	_ =	shalt  }
0x58: {  	_ =	shalt  }
0x59: {  	_ =	shalt  }
0x5a: {  	_ =	shalt  }
0x5b: {  	_ =	shalt  }
0x5c: {  	_ =	shalt  }
0x5d: {  	_ =	shalt  }
0x5e: {  	_ =	shalt  }
0x5f: {  	_ =	shalt  }
0x60: {  	_ =	shalt  }
0x61: {  	_ =	shalt  }
0x62: {  	_ =	shalt  }
0x63: {  	_ =	shalt  }
0x64: {  	_ =	shalt  }
0x65: {  	_ =	shalt  }
0x66: {  	_ =	shalt  }
0x67: {  	_ =	shalt  }
0x68: {  	_ =	shalt  }
0x69: {  	_ =	shalt  }
0x6a: {  	_ =	shalt  }
0x6b: {  	_ =	shalt  }
0x6c: {  	_ =	shalt  }
0x6d: {  	_ =	shalt  }
0x6e: {  	_ =	shalt  }
0x6f: {  	_ =	shalt  }
0x70: {  	_ =	shalt  }
0x71: {  	_ =	shalt  }
0x72: {  	_ =	shalt  }
0x73: {  	_ =	shalt  }
0x74: {  	_ =	shalt  }
0x75: {  	_ =	shalt  }
0x76: {  	_ =	shalt  }
0x77: {  	_ =	shalt  }
0x78: {  	_ =	shalt  }
0x79: {  	_ =	shalt  }
0x7a: {  	_ =	shalt  }
0x7b: {  	_ =	shalt  }
0x7c: {  	_ =	shalt  }
0x7d: {  	_ =	shalt  }
0x7e: {  	_ =	shalt  }
0x7f: {  	_ =	shalt  }
0x80: {  	_ =	shalt  }
0x81: {  	_ =	shalt  }
0x82: {  	_ =	shalt  }
0x83: {  	_ =	shalt  }
0x84: {  	_ =	shalt  }
0x85: {  	_ =	shalt  }
0x86: {  	_ =	shalt  }
0x87: {  	_ =	shalt  }
.Lfunc_end0:
.L_simem_size_0:
called_computation_lowered:
.L_overlay_start_0:
0x88: {  	s2 =	sld [smem:$0x3FD9]  }
0x89: {  	s3 =	sld [smem:$0x3FFE];
	_ =	sdelay $0x1  }
0x8a: {  	s1 =	srdreg.scid  }
0x8b: {  	s0 =	sand.u32 $0x1, s1  }
0x8c: {  	s16 =	sshll.u32 s0, $0xA;
	s2 =	sadd.s32 s3, s2  }
0x8d: {  	s2 =	sadd.s32 s2, s16  }
0x8e: {  	[smem:$0x3FC1] =	sst s2  }
0x8f: {  	_ = 	snop  }
0x90: {  	(tm) =	ssettm $0x1  }
0x91: {  	s17 =	sld [smem:$0x3FFB];
	_ =	sdelay $0x3  }
0x92: {  	_ =	strace s17  }
0x93: {  	s2 =	sld [smem:$0x3FFC];
	_ =	sdelay $0x3  }
0x94: {  	_ =	strace s2  }
0x95: {  	s2 =	sld [smem:$0x3FFD];
	_ =	sdelay $0x3  }
0x96: {  	_ =	strace s2  }
0x97: {  	_ =	strace $0x8FFFFFFF  }
0x98: {  	s18 =	sld [smem:$0x3FDB];
	_ =	sdelay $0x1  }
0x99: {  	s19 =	simm.s32 $_scs_section_size  }
0x9a: {  	s4 =	simm.s32 $_size__tile_overlayer_lowered;
	s5 =	simm.s32 $_tile_overlayer_lowered  }
0x9b: {  	s22 =	simm.s32 $0x1BFF;
	s21 =	sshll.u32 s5, $0x1;
	s2 =	sadd.s32 s19, s18  }
0x9c: {  	s6 =	simm.s32 $0x0;
	s20 =	sshll.u32 s4, $0x1;
	s4 =	sadd.s32 s21, s2  }
0x9d: {  	[timem:s6], [sflag:s22] =	dma.local [hbm:s4], s20  }
0x9e: {  	_ =	swait.ge [sflag:s22], s20  }
0x9f: {  	s3 =	ssub.s32 $0x0, s20;
	[sflag:s22] =	ssyncset.done $0x0  }
0xa0: {  	[sflag:s22] =	ssyncadd.s32 s3;
	_ =	sdelay $0x1  }
0xa1: {  	s23 =	simm.s32 $0x1B8B  }
0xa2: {  	_ =	swait.ge [sflag:s23], $0x1  }
0xa3: {  	[sflag:s23] =	ssyncset.done $0x0  }
0xa4: {  	s25 =	simm.s32 $0x1B8E;
	s24 =	sld [smem:$0x3FFE];
	[sflag:s23] =	ssyncadd.s32 $0xFFFFFFFF  }
0xa5: {  	s26 =	simm.s32 $execute0_lowered;
	[smem:$0x3FD2] =	sst s25  }
0xa6: {  	s4 =	sshll.u32 s26, $0x1;
	_ =	strace $0x80000046;
	[dreg:$0x1] =	wrdreg $0xFFFFFFFF  }
0xa7: {  	s28 =	simm.s32 $_size_execute0_lowered;
	s2 =	sadd.s32 s2, s4;
	[dreg:$0x0] =	wrdreg $0x0  }
0xa8: {  	s4 =	sshll.u32 s28, $0x1;
	[dreg:$0x2] =	wrdreg s2  }
0xa9: {  	[dreg:$0x3] =	wrdreg s4  }
0xaa: {  	[dreg:$0x4] =	wrdreg $0xC0  }
0xab: {  	_ =	task [dreg:s6], $0x5FFFF  }
0xac: {  	[dreg:$0x1] =	wrdreg $0xFFFFFFFF  }
0xad: {  	[dreg:$0x0] =	wrdreg $0x60  }
0xae: {  	[dreg:$0x2] =	wrdreg s24  }
0xaf: {  	[dreg:$0x3] =	wrdreg $0x73800  }
0xb0: {  	[dreg:$0x4] =	wrdreg $0x9  }
0xb1: {  	_ =	task.clear_ibuf [dreg:s6], $0x5FFFF;
	_ =	strace $0x90000046  }
0xb2: {  	s29 =	simm.s32 $0x9;
	_ =	strace $0x80000048  }
0xb3: {  	_ =	swait.ge [sflag:s29], $0x1  }
0xb4: {  	[sflag:s29] =	ssyncadd.s32 $0xFFFFFFFF  }
0xb5: {  	_ =	strace $0x90000048  }
0xb6: {  	_ =	sfence  }
0xb7: {  	s30 =	sld [smem:$0x0];
	_ =	sdelay $0x2  }
0xb8: {  	s31 =	sshll.u32 s1, $0xD;
	s1 =	sshrl.u32 s1, $0x2  }
0xb9: {  	s3 =	sand.u32 $0x4000, s31;
	s1 =	sadd.s32 s1, s30  }
0xba: {  	s0 =	sor.u32 s3, s0;
	s1 =	sshll.u32 s1, $0x11  }
0xbb: {  	s0 =	sor.u32 s1, s0  }
0xbc: {  	s0 =	sadd.s32 $0x8F2B, s0  }
0xbd: {  	[sflag:s0] =	ssyncadd.remote.s32 $0x1  }
0xbe: {  	_ =	sfence.sel $0xFFFF  }
0xbf: {  	[dreg:$0x0] =	wrdreg $0xFFFFFFFF;
	(pc) =	sbr.abs _section_cstart, $3  }
0xc0: {  	[dreg:$0x1] =	wrdreg $0xFFFFFFFF  }
0xc1: {  	_ =	task.clear_ibuf [dreg:s6], $0x2FFFF;
	_ =	strace $0x9FFFFFFF  }
0xc2: {  	(tm) =	ssettm $0x7FFFFFFF  }
0xc3: {  	_ =	shalt  }
tec
execute0_lowered:
.L_overlay_start_1:
0x0: {  	(tag) =	ssettag $0x1  }
0x1: {  	s0 =	rddreg [dreg:$0x0]  }
0x2: {  	s2 =	rddreg [dreg:$0x1]  }
0x3: {  	s1 =	srdreg.scid;
	s10 =	stileid.u32;
	s4 =	simm.s32 $0x0  }
0x4: {  	s25 =	simm.s32 $0x4C00;
	s13 =	simm.s32 $0x2;
	s14 =	simm.s32 $0x400  }
0x5: {  	s16 =	simm.s32 $0x80;
	s17 =	simm.s32 $0xC00;
	s18 =	simm.s32 $0x1400  }
0x6: {  	s20 =	simm.s32 $0x1C00;
	s22 =	simm.s32 $0x2400;
	s24 =	simm.s32 $0x2C00  }
0x7: {  	s26 =	simm.s32 $0x3400;
	s29 =	simm.s32 $0x3C00;
	s31 =	simm.s32 $0x4400  }
0x8: {  	s11 =	simm.s32 $0x600;
	s12 =	simm.s32 $0x680;
	s15 =	simm.s32 $0x780  }
0x9: {  	s21 =	simm.s32 $0x0;
	s1 =	sand.u32 $0x1, s1;
	s3 =	smul.u32 $0x2780, s10  }
0xa: {  	[smem:$0x7FF] =	sst s4;
	s4 =	sadd.s32 $0x14C00, s0;
	s5 =	sadd.s32 $0xAC00, s0  }
0xb: {  	s6 =	sadd.s32 $0xC00, s0;
	s7 =	sadd.s32 $0x19C00, s0;
	s8 =	smul.u32 $0x27800, s1  }
0xc: {  	_ =	strace $0x80000047;
	s9 =	ssub.s32 $0x2, s1;
	s1 =	sshll.u32 s1, $0x4  }
0xd: {  	v0 =	vimm.f32 $0.0e+00;
	v1 =	vimm.s32 $0x0;
	s28 =	sshrl.u32 s9, $0x1;
	s1 =	sor.u32 s10, s1;
	s8 =	sadd.s32 s3, s8  }
0xe: {  	v2 =	vimm.s32 $0x1;
	v3 =	vimm.s32 $0x2;
	v4 =	vimm.s32 $0x3;
	s23 =	sadd.s32 s3, s2;
	s10 =	simm.s32 $0x580;
	s8 =	sshrl.u32 s8, $0x3  }
0xf: {  	v5 =	vimm.s32 $0x4;
	v6 =	vimm.s32 $0x5;
	v7 =	vimm.s32 $0x6;
	s3 =	simm.s32 $0x500;
	[dreg:$0x3] =	wrdreg s23;
	s0 =	sadd.s32 s8, s0  }
0x10: {  	v8 =	vimm.s32 $0x7;
	v9 =	vimm.s32 $0x8;
	v10 =	vimm.s32 $0x9;
	s8 =	ssub.s32 s9, s28;
	s9 =	smul.u32 $0xA, s1;
	s0 =	sadd.s32 $0x23C00, s0  }
0x11: {  	v11 =	vimm.s32 $0xA;
	v12 =	vimm.s32 $0xB;
	v13 =	vimm.s32 $0xC;
	s1 =	simm.s32 $0x480;
	s30 =	smax.u32 s8, $0x1;
	[dreg:$0x4] =	wrdreg s0  }
0x12: {  	v14 =	vimm.s32 $0xD;
	v15 =	vimm.s32 $0xE;
	v16 =	vimm.s32 $0xF;
	s8 =	simm.s32 $0x700;
	[dreg:$0x5] =	wrdreg s30;
	s0 =	simm.s32 $0x1  }
.LBB2_1:
0x13: {  	[dreg:$0x6] =	wrdreg s21;
	s19 =	simm.s32 $0x40;
	s21 =	simm.s32 $0x0  }
.LBB2_2:
0x14: {  	p0 =	sne.s32 s19, $0x9DC0;
	[tilespmem:s21+$0x4C00] =	vst v0;
	s21 =	smov.u32 s19;
	s19 =	sadd.s32 $0x40, s19  }
.Ltmp0:
0x15: {  	(pc) =	sbr.rel @p0 .LBB2_2-.Ltmp0, $2  }
0x16: {  	_ =	sdelay $0x2  }
0x17: {  	s21 =	sshra.s32 s21, $0x2  }
0x18: {  	[tilespmem:s21+$0x4C00] =	vst v0  }
0x19: {  	[spmem:s23] =	stream.linear.scatter [tilespmem:s25], [sflag:$0x2], $0x2780, $0x38;
	[tilespmem:$0x9B00] =	vst v63  }
0x1a: {  	_ =	swait.ge [sflag:s13], $0x2780  }
0x1b: {  	[sflag:s13] =	ssyncset.done $0x0  }
0x1c: {  	[sflag:s13] =	ssyncadd.s32 $0xFFFFD880  }
0x1d: {  	s19 =	simm.s32 $0x0;
	s21 =	simm.s32 $0x0;
	[bflag:$0x0] =	sbarrier.arrive $0xFFFF  }
.LBB2_4:
0x1e: {  	s23 =	sadd.s32 s9, s21  }
0x1f: {  	s23 =	sshll.u32 s23, $0x7  }
0x20: {  	s25 =	sadd.s32 s5, s23  }
0x21: {  	[tilespmem:s19], [sflag:$0x2] =	stream.linear.gather [hbm4b:s25+s19], $0x400, $0x38;
	[tilespmem:$0x9B00] =	vst v63  }
0x22: {  	_ =	swait.ge [sflag:s13], $0x400  }
0x23: {  	[sflag:s13] =	ssyncset.done $0x0  }
0x24: {  	s25 =	sadd.s32 s6, s23;
	[sflag:s13] =	ssyncadd.s32 $0xFFFFFC00  }
0x25: {  	[tilespmem:s14], [sflag:$0x2] =	stream.linear.gather [hbm4b:s25+s19], $0x400, $0x38;
	[tilespmem:$0x9B00] =	vst v63  }
0x26: {  	_ =	swait.ge [sflag:s13], $0x400  }
0x27: {  	[sflag:s13] =	ssyncset.done $0x0  }
0x28: {  	s23 =	sadd.s32 s7, s23;
	s25 =	simm.s32 $0x800;
	[sflag:s13] =	ssyncadd.s32 $0xFFFFFC00  }
0x29: {  	[tilespmem:s25], [sflag:$0x2] =	stream.linear.gather [hbm4b:s23+s19], $0x400, $0x38;
	[tilespmem:$0x9B00] =	vst v63  }
0x2a: {  	_ =	swait.ge [sflag:s13], $0x400  }
0x2b: {  	[sflag:s13] =	ssyncset.done $0x0  }
0x2c: {  	[sflag:s13] =	ssyncadd.s32 $0xFFFFFC00  }
0x2d: {  	[tilespmem:s17], [sflag:$0x1] =	stream.indirect.gather [hbm4b:s4+s16], $0x10, s19, s16, $0xb8;
	[tilespmem:$0x9B00] =	vst v63  }
0x2e: {  	_ = 	snop  }
0x2f: {  	[tilespmem:s18], [sflag:$0x1] =	stream.indirect.gather [hbm4b:s4+s16], $0x10, s16, s16, $0xb8;
	[tilespmem:$0x9B00] =	vst v63  }
0x30: {  	s25 =	simm.s32 $0x100  }
0x31: {  	[tilespmem:s20], [sflag:$0x1] =	stream.indirect.gather [hbm4b:s4+s16], $0x10, s25, s16, $0xb8;
	[tilespmem:$0x9B00] =	vst v63  }
0x32: {  	s25 =	simm.s32 $0x180  }
0x33: {  	[tilespmem:s22], [sflag:$0x1] =	stream.indirect.gather [hbm4b:s4+s16], $0x10, s25, s16, $0xb8;
	[tilespmem:$0x9B00] =	vst v63  }
0x34: {  	s25 =	simm.s32 $0x200  }
0x35: {  	[tilespmem:s24], [sflag:$0x1] =	stream.indirect.gather [hbm4b:s4+s16], $0x10, s25, s16, $0xb8;
	[tilespmem:$0x9B00] =	vst v63  }
0x36: {  	s25 =	simm.s32 $0x280  }
0x37: {  	[tilespmem:s26], [sflag:$0x1] =	stream.indirect.gather [hbm4b:s4+s16], $0x10, s25, s16, $0xb8;
	[tilespmem:$0x9B00] =	vst v63  }
0x38: {  	s25 =	simm.s32 $0x300  }
0x39: {  	[tilespmem:s29], [sflag:$0x1] =	stream.indirect.gather [hbm4b:s4+s16], $0x10, s25, s16, $0xb8;
	[tilespmem:$0x9B00] =	vst v63  }
0x3a: {  	s25 =	simm.s32 $0x380  }
0x3b: {  	[tilespmem:s31], [sflag:$0x1] =	stream.indirect.gather [hbm4b:s4+s16], $0x10, s25, s16, $0xb8;
	[tilespmem:$0x9B00] =	vst v63  }
0x3c: {  	_ =	swait.ge [sflag:s0], $0x800  }
0x3d: {  	[sflag:s0] =	ssyncset.done $0x0  }
0x3e: {  	[sflag:s0] =	ssyncadd.s32 $0xFFFFF800  }
0x3f: {  	_ =	swait.ge [sflag:s0], $0x800  }
0x40: {  	[sflag:s0] =	ssyncset.done $0x0  }
0x41: {  	[sflag:s0] =	ssyncadd.s32 $0xFFFFF800  }
0x42: {  	_ =	swait.ge [sflag:s0], $0x800  }
0x43: {  	[sflag:s0] =	ssyncset.done $0x0  }
0x44: {  	[sflag:s0] =	ssyncadd.s32 $0xFFFFF800  }
0x45: {  	_ =	swait.ge [sflag:s0], $0x800  }
0x46: {  	[sflag:s0] =	ssyncset.done $0x0  }
0x47: {  	[sflag:s0] =	ssyncadd.s32 $0xFFFFF800  }
0x48: {  	_ =	swait.ge [sflag:s0], $0x800  }
0x49: {  	[sflag:s0] =	ssyncset.done $0x0  }
0x4a: {  	[sflag:s0] =	ssyncadd.s32 $0xFFFFF800  }
0x4b: {  	_ =	swait.ge [sflag:s0], $0x800  }
0x4c: {  	[sflag:s0] =	ssyncset.done $0x0  }
0x4d: {  	[sflag:s0] =	ssyncadd.s32 $0xFFFFF800  }
0x4e: {  	_ =	swait.ge [sflag:s0], $0x800  }
0x4f: {  	[sflag:s0] =	ssyncset.done $0x0  }
0x50: {  	[sflag:s0] =	ssyncadd.s32 $0xFFFFF800  }
0x51: {  	_ =	swait.ge [sflag:s0], $0x800  }
0x52: {  	[sflag:s0] =	ssyncset.done $0x0  }
0x53: {  	s23 =	simm.s32 $0xC80;
	[sflag:s0] =	ssyncadd.s32 $0xFFFFF800  }
0x54: {  	s30 =	simm.s32 $0x0;
	s28 =	simm.s32 $0x40;
	s25 =	simm.s32 $0xC80;
	v17 =	vld [tilespmem:s23+$0xFFFFFFB0]  }
.LBB2_5:
0x55: {  	p0 =	sne.s32 s28, $0xFC0;
	v18 =	vld [tilespmem:s30+$0x800]  }
0x56: {  	v19 =	vld [tilespmem:s23+$0xFFFFFF90]  }
0x57: {  	v20 =	vld [tilespmem:s23+$0xFFFFFF80]  }
0x58: {  	v21 =	vld [tilespmem:s23+$0xFFFFFFA0]  }
0x59: {  	v22 =	vld [tilespmem:s23+$0xFFFFFFF0]  }
0x5a: {  	v23 =	vperm.xlane v18, v1;
	v24 =	vperm.xlane v18, v2;
	v25 =	vld [tilespmem:s23+$0xFFFFFFD0]  }
0x5b: {  	v26 =	vperm.xlane v18, v3;
	v27 =	vperm.xlane v18, v4;
	v28 =	vld [tilespmem:s23+$0xFFFFFFC0]  }
0x5c: {  	v20 =	vmul.f32 v20, v23;
	v19 =	vmul.f32 v19, v24;
	v23 =	vld [tilespmem:s23+$0xFFFFFFE0]  }
0x5d: {  	v17 =	vmul.f32 v17, v27;
	v21 =	vmul.f32 v21, v26;
	v24 =	vld [tilespmem:s23+$0x30]  }
0x5e: {  	v26 =	vperm.xlane v18, v6;
	[tilespmem:s23+$0xFFFFFF80] =	vst v20;
	v20 =	vperm.xlane v18, v5;
	v27 =	vld [tilespmem:s23+$0x10]  }
0x5f: {  	v29 =	vperm.xlane v18, v8;
	[tilespmem:s23+$0xFFFFFF90] =	vst v19;
	v19 =	vperm.xlane v18, v7;
	v30 =	vld [tilespmem:s23+$0x0]  }
0x60: {  	[tilespmem:s23+$0xFFFFFFA0] =	vst v21;
	v20 =	vmul.f32 v28, v20;
	v21 =	vmul.f32 v25, v26;
	v25 =	vld [tilespmem:s23+$0x20]  }
0x61: {  	[tilespmem:s23+$0xFFFFFFB0] =	vst v17;
	v17 =	vmul.f32 v23, v19;
	v19 =	vmul.f32 v22, v29;
	v22 =	vld [tilespmem:s23+$0x70]  }
0x62: {  	v23 =	vperm.xlane v18, v10;
	[tilespmem:s23+$0xFFFFFFC0] =	vst v20;
	v20 =	vperm.xlane v18, v9;
	v26 =	vld [tilespmem:s23+$0x50]  }
0x63: {  	v28 =	vperm.xlane v18, v12;
	[tilespmem:s23+$0xFFFFFFD0] =	vst v21;
	v21 =	vperm.xlane v18, v11;
	v29 =	vld [tilespmem:s23+$0x40]  }
0x64: {  	[tilespmem:s23+$0xFFFFFFE0] =	vst v17;
	v17 =	vmul.f32 v30, v20;
	v20 =	vmul.f32 v27, v23;
	v23 =	vld [tilespmem:s23+$0x60]  }
0x65: {  	[tilespmem:s23+$0xFFFFFFF0] =	vst v19;
	v19 =	vmul.f32 v25, v21;
	v21 =	vmul.f32 v24, v28  }
0x66: {  	v24 =	vperm.xlane v18, v14;
	[tilespmem:s23+$0x0] =	vst v17;
	v17 =	vperm.xlane v18, v13  }
0x67: {  	[tilespmem:s23+$0x10] =	vst v20;
	v20 =	vperm.xlane v18, v15;
	v18 =	vperm.xlane v18, v16  }
0x68: {  	[tilespmem:s23+$0x20] =	vst v19;
	v17 =	vmul.f32 v29, v17;
	v19 =	vmul.f32 v26, v24  }
.Ltmp1:
0x69: {  	[tilespmem:s23+$0x30] =	vst v21;
	v20 =	vmul.f32 v23, v20;
	v18 =	vmul.f32 v22, v18;
	(pc) =	sbr.rel @p0 .LBB2_5-.Ltmp1, $4  }
0x6a: {  	[tilespmem:s23+$0x40] =	vst v17  }
0x6b: {  	[tilespmem:s23+$0x50] =	vst v19  }
0x6c: {  	s23 =	sadd.s32 $0x100, s23;
	[tilespmem:s25+$0x60] =	vst v20  }
0x6d: {  	s30 =	sshra.s32 s28, $0x2;
	s28 =	sadd.s32 $0x40, s28;
	v17 =	vld [tilespmem:s23+$0xFFFFFFB0];
	[tilespmem:s25+$0x70] =	vst v18;
	s25 =	smov.u32 s23  }
0x6e: {  	v18 =	vld [tilespmem:s30+$0x800];
	_ =	sdelay $0x1  }
0x6f: {  	v19 =	vld [tilespmem:s23+$0xFFFFFF80]  }
0x70: {  	v20 =	vld [tilespmem:s23+$0xFFFFFF90]  }
0x71: {  	v21 =	vld [tilespmem:s23+$0xFFFFFFA0]  }
0x72: {  	v22 =	vperm.xlane v18, v1  }
0x73: {  	v25 =	vld [tilespmem:s23+$0xFFFFFFD0];
	v23 =	vperm.xlane v18, v2  }
0x74: {  	v24 =	vld [tilespmem:s23+$0xFFFFFFC0];
	v26 =	vperm.xlane v18, v3;
	v19 =	vmul.f32 v19, v22  }
0x75: {  	v48 =	vld [tilespmem:s23+$0xFFFFFFE0];
	v47 =	vperm.xlane v18, v4;
	v20 =	vmul.f32 v20, v23  }
0x76: {  	v51 =	vld [tilespmem:s23+$0x10];
	v49 =	vperm.xlane v18, v6;
	v21 =	vmul.f32 v21, v26;
	[tilespmem:s23+$0xFFFFFF80] =	vst v19  }
0x77: {  	v27 =	vld [tilespmem:s23+$0xFFFFFFF0];
	v17 =	vmul.f32 v17, v47;
	v19 =	vperm.xlane v18, v5;
	[tilespmem:s23+$0xFFFFFF90] =	vst v20  }
0x78: {  	v50 =	vld [tilespmem:s23+$0x0];
	v28 =	vperm.xlane v18, v7;
	v22 =	vmul.f32 v25, v49;
	[tilespmem:s23+$0xFFFFFFA0] =	vst v21  }
0x79: {  	v56 =	vld [tilespmem:s23+$0x50];
	v54 =	vperm.xlane v18, v10;
	[tilespmem:s23+$0xFFFFFFB0] =	vst v17;
	v19 =	vmul.f32 v24, v19  }
0x7a: {  	v53 =	vld [tilespmem:s23+$0x20];
	v52 =	vperm.xlane v18, v8;
	v23 =	vmul.f32 v48, v28;
	[tilespmem:s23+$0xFFFFFFD0] =	vst v22  }
0x7b: {  	v59 =	vmul.f32 v51, v54;
	v17 =	vld [tilespmem:s23+$0x30];
	[tilespmem:s23+$0xFFFFFFC0] =	vst v19;
	v19 =	vperm.xlane v18, v9  }
0x7c: {  	v55 =	vld [tilespmem:s23+$0x40];
	v62 =	vperm.xlane v18, v14;
	v21 =	vmul.f32 v27, v52;
	[tilespmem:s23+$0xFFFFFFE0] =	vst v23  }
0x7d: {  	v60 =	vld [tilespmem:s23+$0x60];
	v57 =	vperm.xlane v18, v11;
	[tilespmem:s23+$0x10] =	vst v59;
	v19 =	vmul.f32 v50, v19  }
0x7e: {  	v61 =	vld [tilespmem:s23+$0x70];
	v58 =	vperm.xlane v18, v12;
	v20 =	vmul.f32 v56, v62;
	[tilespmem:s23+$0xFFFFFFF0] =	vst v21  }
0x7f: {  	v24 =	vmul.f32 v53, v57;
	[tilespmem:s23+$0x0] =	vst v19;
	v19 =	vperm.xlane v18, v13  }
0x80: {  	v63 =	vperm.xlane v18, v15;
	[tilespmem:s23+$0x50] =	vst v20;
	v17 =	vmul.f32 v17, v58  }
0x81: {  	[tilespmem:s23+$0x20] =	vst v24;
	v18 =	vperm.xlane v18, v16;
	v19 =	vmul.f32 v55, v19  }
0x82: {  	[tilespmem:s23+$0x30] =	vst v17;
	v17 =	vmul.f32 v60, v63  }
0x83: {  	v18 =	vmul.f32 v61, v18;
	[tilespmem:s23+$0x40] =	vst v19  }
0x84: {  	[tilespmem:s25+$0x60] =	vst v17  }
0x85: {  	[tilespmem:s25+$0x70] =	vst v18  }
0x86: {  	[spmem:s2] =	stream.indirect.scatter.add.f32 [tilespmem:s17], [sflag:$0x2], $0x10, s14, s16, $0xb8;
	[tilespmem:$0x9B00] =	vst v63  }
0x87: {  	_ =	swait.ge [sflag:s13], $0x800  }
0x88: {  	[sflag:s13] =	ssyncset.done $0x0  }
0x89: {  	[sflag:s13] =	ssyncadd.s32 $0xFFFFF800  }
0x8a: {  	[spmem:s2] =	stream.indirect.scatter.add.f32 [tilespmem:s18], [sflag:$0x2], $0x10, s1, s16, $0xb8;
	[tilespmem:$0x9B00] =	vst v63  }
0x8b: {  	_ =	swait.ge [sflag:s13], $0x800  }
0x8c: {  	[sflag:s13] =	ssyncset.done $0x0  }
0x8d: {  	[sflag:s13] =	ssyncadd.s32 $0xFFFFF800  }
0x8e: {  	[spmem:s2] =	stream.indirect.scatter.add.f32 [tilespmem:s20], [sflag:$0x2], $0x10, s3, s16, $0xb8;
	[tilespmem:$0x9B00] =	vst v63  }
0x8f: {  	_ =	swait.ge [sflag:s13], $0x800  }
0x90: {  	[sflag:s13] =	ssyncset.done $0x0  }
0x91: {  	[sflag:s13] =	ssyncadd.s32 $0xFFFFF800  }
0x92: {  	[spmem:s2] =	stream.indirect.scatter.add.f32 [tilespmem:s22], [sflag:$0x2], $0x10, s10, s16, $0xb8;
	[tilespmem:$0x9B00] =	vst v63  }
0x93: {  	_ =	swait.ge [sflag:s13], $0x800  }
0x94: {  	[sflag:s13] =	ssyncset.done $0x0  }
0x95: {  	[sflag:s13] =	ssyncadd.s32 $0xFFFFF800  }
0x96: {  	[spmem:s2] =	stream.indirect.scatter.add.f32 [tilespmem:s24], [sflag:$0x2], $0x10, s11, s16, $0xb8;
	[tilespmem:$0x9B00] =	vst v63  }
0x97: {  	_ =	swait.ge [sflag:s13], $0x800  }
0x98: {  	[sflag:s13] =	ssyncset.done $0x0  }
0x99: {  	[sflag:s13] =	ssyncadd.s32 $0xFFFFF800  }
0x9a: {  	[spmem:s2] =	stream.indirect.scatter.add.f32 [tilespmem:s26], [sflag:$0x2], $0x10, s12, s16, $0xb8;
	[tilespmem:$0x9B00] =	vst v63  }
0x9b: {  	_ =	swait.ge [sflag:s13], $0x800  }
0x9c: {  	[sflag:s13] =	ssyncset.done $0x0  }
0x9d: {  	[sflag:s13] =	ssyncadd.s32 $0xFFFFF800  }
0x9e: {  	[spmem:s2] =	stream.indirect.scatter.add.f32 [tilespmem:s29], [sflag:$0x2], $0x10, s8, s16, $0xb8;
	[tilespmem:$0x9B00] =	vst v63  }
0x9f: {  	s21 =	sadd.s32 $0x1, s21;
	_ =	swait.ge [sflag:s13], $0x800  }
0xa0: {  	p0 =	sne.s32 s21, $0xA;
	[sflag:s13] =	ssyncset.done $0x0  }
.Ltmp2:
0xa1: {  	[sflag:s13] =	ssyncadd.s32 $0xFFFFF800;
	(pc) =	sbr.rel @p0 .LBB2_4-.Ltmp2, $4  }
0xa2: {  	[spmem:s2] =	stream.indirect.scatter.add.f32 [tilespmem:s31], [sflag:$0x2], $0x10, s15, s16, $0xb8;
	[tilespmem:$0x9B00] =	vst v63  }
0xa3: {  	_ =	swait.ge [sflag:s13], $0x800  }
0xa4: {  	[sflag:s13] =	ssyncset.done $0x0  }
0xa5: {  	[sflag:s13] =	ssyncadd.s32 $0xFFFFF800  }
0xa6: {  	[bflag:$0x0] =	sbarrier.arrive $0xFFFF  }
0xa7: {  	s25 =	simm.s32 $0x4C00;
	s23 =	rddreg [dreg:$0x3]  }
0xa8: {  	[tilespmem:s25], [sflag:$0x2] =	stream.linear.gather [spmem:s23], $0x2780, $0x38;
	[tilespmem:$0x9B00] =	vst v63  }
0xa9: {  	_ =	swait.ge [sflag:s13], $0x2780  }
0xaa: {  	[sflag:s13] =	ssyncset.done $0x0  }
0xab: {  	s19 =	simm.s32 $0x0;
	s21 =	rddreg [dreg:$0x4];
	[sflag:s13] =	ssyncadd.s32 $0xFFFFD880  }
0xac: {  	[hbm4b:s21+s19] =	stream.linear.scatter [tilespmem:s25], [sflag:$0x2], $0x2780, $0x38;
	[tilespmem:$0x9B00] =	vst v63  }
0xad: {  	_ =	swait.ge [sflag:s13], $0x2780  }
0xae: {  	s28 =	rddreg [dreg:$0x6]  }
0xaf: {  	s30 =	rddreg [dreg:$0x5];
	s21 =	sadd.s32 $0x1, s28  }
0xb0: {  	p0 =	sne.s32 s21, s30  }
.Ltmp3:
0xb1: {  	_ = 	snop;
	(pc) =	sbr.rel @p0 .LBB2_1-.Ltmp3, $3  }
0xb2: {  	_ =	sdelay $0x1  }
0xb3: {  	[sflag:s13] =	ssyncset.done $0x0  }
0xb4: {  	[sflag:s13] =	ssyncadd.s32 $0xFFFFD880  }
0xb5: {  	_ =	sfence.sel $0x180000  }
0xb6: {  	[bflag:$0x0] =	sbarrier.arrive $0xFFFF  }
0xb7: {  	_ =	strace $0x90000047  }
0xb8: {  	s0 =	stileid.u32;
	[bflag:$0x2] =	sbarrier.arrive $0xFFFF  }
0xb9: {  	p0 =	sne.s32 s0, $0x0;
	s0 =	rddreg [dreg:$0x2]  }
0xba: {  	s0 =	sadd.s32 @!p0 $0x100000, s0  }
0xbb: {  	[sflag:s0] =	ssyncadd.tile.s32 @!p0 $0x1;
	_ =	shalt  }
.Lfunc_end2:
_tile_overlayer_lowered:
.L_overlay_start_2:
0xbc: {  	(tag) =	ssettag $0x2  }
0xbd: {  	s0 =	rddreg [dreg:$0x0];
	s2 =	stileid.u32  }
0xbe: {  	s1 =	rddreg [dreg:$0x1];
	p0 =	sne.s32 s2, $0x0  }
0xbf: {  	s3 =	rddreg [dreg:$0x2];
	[bflag:$0x3] =	sbarrier.arrive $0xFFFF;
	s2 =	simm.s32 @!p0 $0x1C02  }
0xc0: {  	[timem:s3], [sflag:s2] =	dma.local @!p0 [hbm:s0], s1  }
0xc1: {  	s0 =	simm.s32 @!p0 $0x2  }
0xc2: {  	_ =	swait.ge @!p0 [sflag:s0], s1  }
0xc3: {  	s1 =	ssub.s32 @!p0 $0x0, s1;
	[sflag:s0] =	ssyncset.done @!p0 $0x0  }
0xc4: {  	[sflag:s0] =	ssyncadd.s32 @!p0 s1  }
0xc5: {  	[bflag:$0x3] =	sbarrier.arrive $0xFFFF  }
0xc6: {  	_ =	shalt  }

</sc_bundles>
